<compile_context>
chip_gen: v7x
topology: tpu7x:2x2x1
jax: 0.10.2.dev20260603
libtpu: 0.0.44.dev20260713+nightly
codegen_flags: <defaults>
</compile_context>

<pallas_src>
import jax
import jax.numpy as jnp
from jax import lax
from jax.experimental import pallas as pl
from jax.experimental.pallas import tpu as pltpu
from jax.experimental.pallas import tpu_sc as plsc

D = 32
N = 512
B = 4
K = 4
TLEN = 1024
NC, NS, L = 2, 16, 16
NW = NC * NS
ROWS = B * N
RPW = ROWS // NW
TPT = TLEN // NW
WPB = NW // B
TWIN = 576

_mesh = plsc.VectorSubcoreMesh(core_axis_name="c", subcore_axis_name="s")
_params = pltpu.CompilerParams(use_tc_tiling_on_sc=False)


def _build_body(wbin_hbm, wpos_hbm, t_hbm, wpos_v, wbin_v, tbuf):
    cid = lax.axis_index("c")
    sid = lax.axis_index("s")
    wid = cid * NS + sid
    pltpu.sync_copy(wpos_hbm, wpos_v)
    pltpu.sync_copy(wbin_hbm, wbin_v)
    t0 = wid * TPT

    def build_t(tl, carry):
        t = t0 + tl
        widx = jnp.clip(t - 383, 0, 256)
        for h in range(2):
            pv = wpos_v[widx, pl.ds(h * L, L)]
            for k in range(K):
                tbuf[k, tl, pl.ds(h * L, L)] = pv + wbin_v[k, pl.ds(h * L, L)]
        return carry

    lax.fori_loop(0, TPT, build_t, 0)
    for k in range(K):
        pltpu.sync_copy(tbuf.at[k], t_hbm.at[pl.ds(k * TLEN + t0, TPT)])


_sc_build = pl.kernel(
    _build_body,
    out_type=jax.ShapeDtypeStruct((K * TLEN, D), jnp.float32),
    mesh=_mesh,
    scratch_types=[
        pltpu.VMEM((257, D), jnp.float32),
        pltpu.VMEM((K, D), jnp.float32),
        pltpu.VMEM((K, TPT, D), jnp.float32),
    ],
    compiler_params=_params,
)


def _lookup_body(x_hbm, t_hbm, out_hbm, twin, xb0, xb1, rb0, rb1,
                 sem_x0, sem_x1, sem_o0, sem_o1):
    cid = lax.axis_index("c")
    sid = lax.axis_index("s")
    wid = cid * NS + sid
    b = wid // WPB
    i0 = (wid % WPB) * RPW
    r_base = b * N + i0
    iota = lax.iota(jnp.int32, L)
    cols = (iota, iota + L)
    slots = ((xb0, rb0, sem_x0, sem_o0), (xb1, rb1, sem_x1, sem_o1))

    twin0 = 448 - i0
    for k in range(K):
        pltpu.sync_copy(t_hbm.at[pl.ds(k * TLEN + twin0, TWIN)],
                        twin.at[pl.ds(k * TWIN, TWIN)])

    pltpu.make_async_copy(x_hbm.at[r_base], xb0, sem_x0).start()

    def pair_step(g, carry):
        for s in range(2):
            xb, rb, sem_x, sem_o = slots[s]
            xb_n, _, sem_x_n, _ = slots[1 - s]
            rr = 2 * g + s
            r = r_base + rr
            toff = 63 - rr

            @pl.when(rr < RPW - 1)
            def _prefetch():
                pltpu.make_async_copy(x_hbm.at[r + 1], xb_n, sem_x_n).start()

            pltpu.make_async_copy(x_hbm.at[r], xb, sem_x).wait()

            @pl.when(rr >= 2)
            def _drain():
                pltpu.make_async_copy(rb, out_hbm.at[r], sem_o).wait()

            @plsc.parallel_loop(0, N, step=L)
            def pos_step(p0):
                xv = xb[pl.ds(p0, L)]
                basev = xv * TWIN + (iota + (p0 + toff))
                for u in range(L):
                    row = basev[u]
                    for h in range(2):
                        rb[p0 + u, pl.ds(h * L, L)] = twin[row, pl.ds(h * L, L)]
            pltpu.make_async_copy(rb, out_hbm.at[r], sem_o).start()
        return carry

    lax.fori_loop(0, RPW // 2, pair_step, 0)
    for s in range(2):
        xb, rb, sem_x, sem_o = slots[s]
        pltpu.make_async_copy(rb, out_hbm.at[r_base + RPW - 2 + s], sem_o).wait()


_sc_lookup = pl.kernel(
    _lookup_body,
    out_type=jax.ShapeDtypeStruct((ROWS, N, D), jnp.float32),
    mesh=_mesh,
    scratch_types=[
        pltpu.VMEM((K * TWIN, D), jnp.float32),
        pltpu.VMEM((N,), jnp.int32),
        pltpu.VMEM((N,), jnp.int32),
        pltpu.VMEM((N, D), jnp.float32),
        pltpu.VMEM((N, D), jnp.float32),
        pltpu.SemaphoreType.DMA,
        pltpu.SemaphoreType.DMA,
        pltpu.SemaphoreType.DMA,
        pltpu.SemaphoreType.DMA,
    ],
    compiler_params=_params,
)


@jax.jit
def kernel(x, W_bin, W_pos):
    t = _sc_build(W_bin, W_pos)
    x2 = x.astype(jnp.int32).reshape(ROWS, N)
    return _sc_lookup(x2, t).reshape(B, N, N, D)

# --- scband reference (transcript-rebuilt; emitter-appended) ---
"""Pipeline reference for scband-embedder-40415642255443 (READ-ONLY COPY).

The authoritative reference and input builder live on the scoring server;
editing this copy changes nothing except your own understanding.
"""

import jax, jax.numpy as jnp
import numpy as np

EMBEDD_SIZE = 32
EDGE_TYPES = 4
BIN_SIZE = 128


def setup_inputs(seed: int = 0) -> dict:
    key = jax.random.key(seed)
    k1, k2, k3 = jax.random.split(key, 3)
    x = jax.random.randint(k1, (4, 512, 512), 0, EDGE_TYPES, dtype=jnp.int64 if jax.config.jax_enable_x64 else jnp.int32)
    W_bin = jax.random.normal(k2, (EDGE_TYPES, EMBEDD_SIZE), dtype=jnp.float32)
    W_pos = jax.random.normal(k3, (2 * BIN_SIZE + 1, EMBEDD_SIZE), dtype=jnp.float32)
    return {"x": x, "W_bin": W_bin, "W_pos": W_pos}


def reference(x, W_bin, W_pos):
    N = x.shape[-1]
    indices = jnp.arange(N)
    relative_positions = indices[None, :] - indices[:, None]
    positional_encode = jnp.clip(relative_positions, -BIN_SIZE, BIN_SIZE) + BIN_SIZE
    binary_embedd = jnp.take(W_bin, x, axis=0)
    positional_embedd = jnp.take(W_pos, positional_encode, axis=0)
    out = binary_embedd + positional_embedd[None, :, :, :]
    return out

if __name__ == "__main__":
    import jax
    _d = setup_inputs()
    print(jax.jit(kernel)(*tuple(_d.values())))

</pallas_src>

<mosaic_0001>
#map = affine_map<(d0, d1) -> (0, 0)>
module attributes {stable_mosaic.version = 14 : i64} {
  func.func @_build_body(%arg0: i32, %arg1: i32, %arg2: memref<4x32xf32, #tpu.memory_space<hbm>>, %arg3: memref<257x32xf32, #tpu.memory_space<hbm>>, %arg4: memref<4096x32xf32, #tpu.memory_space<hbm>>, %arg5: memref<257x32xf32, #tpu.memory_space<vmem>>, %arg6: memref<4x32xf32, #tpu.memory_space<vmem>>, %arg7: memref<4x32x32xf32, #tpu.memory_space<vmem>>) attributes {dimension_semantics = [#tpu.dimension_semantics<core_parallel>, #tpu.dimension_semantics<subcore_parallel>], iteration_bounds = array<i64: 2, 16>, scalar_prefetch = 0 : i64, scratch_operands = 3 : i64, tpu.core_type = #tpu.core_type<sc_vector_subcore>, window_params = [{transform_indices = #map}, {transform_indices = #map}, {transform_indices = #map}]} {
    %mul3A = arith.constant 16 : i32
    %mul3A_0 = arith.muli %arg0, %mul3A : i32
    %add3A = arith.addi %mul3A_0, %arg1 : i32
    "tpu.region"() ({
      %run_scoped3A_19 = tpu.sem_alloc : memref<!tpu.dma_semaphore, #tpu.memory_space<semaphore_mem>>
      tpu.enqueue_dma source(%arg3 : memref<257x32xf32, #tpu.memory_space<hbm>>) target(%arg5 : memref<257x32xf32, #tpu.memory_space<vmem>>) target_semaphore(%run_scoped3A_19 : memref<!tpu.dma_semaphore, #tpu.memory_space<semaphore_mem>>)
      tpu.wait_dma2 semaphore(%run_scoped3A_19 : memref<!tpu.dma_semaphore, #tpu.memory_space<semaphore_mem>>) src(%arg3 : memref<257x32xf32, #tpu.memory_space<hbm>>) dst(%arg5 : memref<257x32xf32, #tpu.memory_space<vmem>>)
      tpu.yield
    }) : () -> ()
    "tpu.region"() ({
      %run_scoped3A_19 = tpu.sem_alloc : memref<!tpu.dma_semaphore, #tpu.memory_space<semaphore_mem>>
      tpu.enqueue_dma source(%arg2 : memref<4x32xf32, #tpu.memory_space<hbm>>) target(%arg6 : memref<4x32xf32, #tpu.memory_space<vmem>>) target_semaphore(%run_scoped3A_19 : memref<!tpu.dma_semaphore, #tpu.memory_space<semaphore_mem>>)
      tpu.wait_dma2 semaphore(%run_scoped3A_19 : memref<!tpu.dma_semaphore, #tpu.memory_space<semaphore_mem>>) src(%arg2 : memref<4x32xf32, #tpu.memory_space<hbm>>) dst(%arg6 : memref<4x32xf32, #tpu.memory_space<vmem>>)
      tpu.yield
    }) : () -> ()
    %mul3A_1 = arith.constant 32 : i32
    %mul3A_2 = arith.muli %add3A, %mul3A_1 : i32
    %scan3A = arith.constant 0 : i32
    %scan3A_3 = arith.constant 0 : i32
    %scan3A_4 = arith.constant 32 : i32
    %scan3A_5 = arith.addi %scan3A_3, %scan3A_4 : i32
    %scan3A_6 = arith.constant 1 : i32
    scf.for %scan3A_19 = %scan3A_3 to %scan3A_5 step %scan3A_6  : i32 {
      %add3A_20 = arith.addi %mul3A_2, %scan3A_19 : i32
      %sub3A = arith.constant 383 : i32
      %sub3A_21 = arith.subi %add3A_20, %sub3A : i32
      %jit3A = arith.constant 0 : i32
      %jit3A_22 = arith.constant 256 : i32
      %max3A = arith.maxsi %jit3A, %sub3A_21 : i32
      %min3A = arith.minsi %jit3A_22, %max3A : i32
      %get3A = arith.index_cast %min3A : i32 to index
      %get3A_23 = arith.constant 0 : index
      %get3A_24 = tpu.vector_load %arg5[%get3A, %get3A_23] {strides = array<i32>} : memref<257x32xf32, #tpu.memory_space<vmem>>, vector<1x16xf32>,
      %get3A_25 = vector.shape_cast %get3A_24 : vector<1x16xf32> to vector<16xf32>
      %get3A_26 = arith.constant 0 : i32
      %get3A_27 = arith.index_cast %get3A_26 : i32 to index
      %get3A_28 = arith.constant 0 : index
      %get3A_29 = tpu.vector_load %arg6[%get3A_27, %get3A_28] {strides = array<i32>} : memref<4x32xf32, #tpu.memory_space<vmem>>, vector<1x16xf32>,
      %get3A_30 = vector.shape_cast %get3A_29 : vector<1x16xf32> to vector<16xf32>
      %add3A_31 = arith.addf %get3A_25, %get3A_30 : vector<16xf32>
      %swap3A = arith.constant 0 : i32
      %swap3A_32 = arith.index_cast %swap3A : i32 to index
      %swap3A_33 = arith.index_cast %scan3A_19 : i32 to index
      %swap3A_34 = arith.constant 0 : index
      %swap3A_35 = tpu.vector_load %arg7[%swap3A_32, %swap3A_33, %swap3A_34] {strides = array<i32>} : memref<4x32x32xf32, #tpu.memory_space<vmem>>, vector<1x1x16xf32>,
      %swap3A_36 = vector.shape_cast %swap3A_35 : vector<1x1x16xf32> to vector<16xf32>
      %swap3A_37 = vector.shape_cast %add3A_31 : vector<16xf32> to vector<1x1x16xf32>
      tpu.vector_store %arg7[%swap3A_32, %swap3A_33, %swap3A_34], %swap3A_37 {strides = array<i32>} : memref<4x32x32xf32, #tpu.memory_space<vmem>>, vector<1x1x16xf32>,
      %get3A_38 = arith.constant 1 : i32
      %get3A_39 = arith.index_cast %get3A_38 : i32 to index
      %get3A_40 = arith.constant 0 : index
      %get3A_41 = tpu.vector_load %arg6[%get3A_39, %get3A_40] {strides = array<i32>} : memref<4x32xf32, #tpu.memory_space<vmem>>, vector<1x16xf32>,
      %get3A_42 = vector.shape_cast %get3A_41 : vector<1x16xf32> to vector<16xf32>
      %add3A_43 = arith.addf %get3A_25, %get3A_42 : vector<16xf32>
      %swap3A_44 = arith.constant 1 : i32
      %swap3A_45 = arith.index_cast %swap3A_44 : i32 to index
      %swap3A_46 = arith.index_cast %scan3A_19 : i32 to index
      %swap3A_47 = arith.constant 0 : index
      %swap3A_48 = tpu.vector_load %arg7[%swap3A_45, %swap3A_46, %swap3A_47] {strides = array<i32>} : memref<4x32x32xf32, #tpu.memory_space<vmem>>, vector<1x1x16xf32>,
      %swap3A_49 = vector.shape_cast %swap3A_48 : vector<1x1x16xf32> to vector<16xf32>
      %swap3A_50 = vector.shape_cast %add3A_43 : vector<16xf32> to vector<1x1x16xf32>
      tpu.vector_store %arg7[%swap3A_45, %swap3A_46, %swap3A_47], %swap3A_50 {strides = array<i32>} : memref<4x32x32xf32, #tpu.memory_space<vmem>>, vector<1x1x16xf32>,
      %get3A_51 = arith.constant 2 : i32
      %get3A_52 = arith.index_cast %get3A_51 : i32 to index
      %get3A_53 = arith.constant 0 : index
      %get3A_54 = tpu.vector_load %arg6[%get3A_52, %get3A_53] {strides = array<i32>} : memref<4x32xf32, #tpu.memory_space<vmem>>, vector<1x16xf32>,
      %get3A_55 = vector.shape_cast %get3A_54 : vector<1x16xf32> to vector<16xf32>
      %add3A_56 = arith.addf %get3A_25, %get3A_55 : vector<16xf32>
      %swap3A_57 = arith.constant 2 : i32
      %swap3A_58 = arith.index_cast %swap3A_57 : i32 to index
      %swap3A_59 = arith.index_cast %scan3A_19 : i32 to index
      %swap3A_60 = arith.constant 0 : index
      %swap3A_61 = tpu.vector_load %arg7[%swap3A_58, %swap3A_59, %swap3A_60] {strides = array<i32>} : memref<4x32x32xf32, #tpu.memory_space<vmem>>, vector<1x1x16xf32>,
      %swap3A_62 = vector.shape_cast %swap3A_61 : vector<1x1x16xf32> to vector<16xf32>
      %swap3A_63 = vector.shape_cast %add3A_56 : vector<16xf32> to vector<1x1x16xf32>
      tpu.vector_store %arg7[%swap3A_58, %swap3A_59, %swap3A_60], %swap3A_63 {strides = array<i32>} : memref<4x32x32xf32, #tpu.memory_space<vmem>>, vector<1x1x16xf32>,
      %get3A_64 = arith.constant 3 : i32
      %get3A_65 = arith.index_cast %get3A_64 : i32 to index
      %get3A_66 = arith.constant 0 : index
      %get3A_67 = tpu.vector_load %arg6[%get3A_65, %get3A_66] {strides = array<i32>} : memref<4x32xf32, #tpu.memory_space<vmem>>, vector<1x16xf32>,
      %get3A_68 = vector.shape_cast %get3A_67 : vector<1x16xf32> to vector<16xf32>
      %add3A_69 = arith.addf %get3A_25, %get3A_68 : vector<16xf32>
      %swap3A_70 = arith.constant 3 : i32
      %swap3A_71 = arith.index_cast %swap3A_70 : i32 to index
      %swap3A_72 = arith.index_cast %scan3A_19 : i32 to index
      %swap3A_73 = arith.constant 0 : index
      %swap3A_74 = tpu.vector_load %arg7[%swap3A_71, %swap3A_72, %swap3A_73] {strides = array<i32>} : memref<4x32x32xf32, #tpu.memory_space<vmem>>, vector<1x1x16xf32>,
      %swap3A_75 = vector.shape_cast %swap3A_74 : vector<1x1x16xf32> to vector<16xf32>
      %swap3A_76 = vector.shape_cast %add3A_69 : vector<16xf32> to vector<1x1x16xf32>
      tpu.vector_store %arg7[%swap3A_71, %swap3A_72, %swap3A_73], %swap3A_76 {strides = array<i32>} : memref<4x32x32xf32, #tpu.memory_space<vmem>>, vector<1x1x16xf32>,
      %get3A_77 = arith.index_cast %min3A : i32 to index
      %get3A_78 = arith.constant 16 : index
      %get3A_79 = tpu.vector_load %arg5[%get3A_77, %get3A_78] {strides = array<i32>} : memref<257x32xf32, #tpu.memory_space<vmem>>, vector<1x16xf32>,
      %get3A_80 = vector.shape_cast %get3A_79 : vector<1x16xf32> to vector<16xf32>
      %get3A_81 = arith.constant 0 : i32
      %get3A_82 = arith.index_cast %get3A_81 : i32 to index
      %get3A_83 = arith.constant 16 : index
      %get3A_84 = tpu.vector_load %arg6[%get3A_82, %get3A_83] {strides = array<i32>} : memref<4x32xf32, #tpu.memory_space<vmem>>, vector<1x16xf32>,
      %get3A_85 = vector.shape_cast %get3A_84 : vector<1x16xf32> to vector<16xf32>
      %add3A_86 = arith.addf %get3A_80, %get3A_85 : vector<16xf32>
      %swap3A_87 = arith.constant 0 : i32
      %swap3A_88 = arith.index_cast %swap3A_87 : i32 to index
      %swap3A_89 = arith.index_cast %scan3A_19 : i32 to index
      %swap3A_90 = arith.constant 16 : index
      %swap3A_91 = tpu.vector_load %arg7[%swap3A_88, %swap3A_89, %swap3A_90] {strides = array<i32>} : memref<4x32x32xf32, #tpu.memory_space<vmem>>, vector<1x1x16xf32>,
      %swap3A_92 = vector.shape_cast %swap3A_91 : vector<1x1x16xf32> to vector<16xf32>
      %swap3A_93 = vector.shape_cast %add3A_86 : vector<16xf32> to vector<1x1x16xf32>
      tpu.vector_store %arg7[%swap3A_88, %swap3A_89, %swap3A_90], %swap3A_93 {strides = array<i32>} : memref<4x32x32xf32, #tpu.memory_space<vmem>>, vector<1x1x16xf32>,
      %get3A_94 = arith.constant 1 : i32
      %get3A_95 = arith.index_cast %get3A_94 : i32 to index
      %get3A_96 = arith.constant 16 : index
      %get3A_97 = tpu.vector_load %arg6[%get3A_95, %get3A_96] {strides = array<i32>} : memref<4x32xf32, #tpu.memory_space<vmem>>, vector<1x16xf32>,
      %get3A_98 = vector.shape_cast %get3A_97 : vector<1x16xf32> to vector<16xf32>
      %add3A_99 = arith.addf %get3A_80, %get3A_98 : vector<16xf32>
      %swap3A_100 = arith.constant 1 : i32
      %swap3A_101 = arith.index_cast %swap3A_100 : i32 to index
      %swap3A_102 = arith.index_cast %scan3A_19 : i32 to index
      %swap3A_103 = arith.constant 16 : index
      %swap3A_104 = tpu.vector_load %arg7[%swap3A_101, %swap3A_102, %swap3A_103] {strides = array<i32>} : memref<4x32x32xf32, #tpu.memory_space<vmem>>, vector<1x1x16xf32>,
      %swap3A_105 = vector.shape_cast %swap3A_104 : vector<1x1x16xf32> to vector<16xf32>
      %swap3A_106 = vector.shape_cast %add3A_99 : vector<16xf32> to vector<1x1x16xf32>
      tpu.vector_store %arg7[%swap3A_101, %swap3A_102, %swap3A_103], %swap3A_106 {strides = array<i32>} : memref<4x32x32xf32, #tpu.memory_space<vmem>>, vector<1x1x16xf32>,
      %get3A_107 = arith.constant 2 : i32
      %get3A_108 = arith.index_cast %get3A_107 : i32 to index
      %get3A_109 = arith.constant 16 : index
      %get3A_110 = tpu.vector_load %arg6[%get3A_108, %get3A_109] {strides = array<i32>} : memref<4x32xf32, #tpu.memory_space<vmem>>, vector<1x16xf32>,
      %get3A_111 = vector.shape_cast %get3A_110 : vector<1x16xf32> to vector<16xf32>
      %add3A_112 = arith.addf %get3A_80, %get3A_111 : vector<16xf32>
      %swap3A_113 = arith.constant 2 : i32
      %swap3A_114 = arith.index_cast %swap3A_113 : i32 to index
      %swap3A_115 = arith.index_cast %scan3A_19 : i32 to index
      %swap3A_116 = arith.constant 16 : index
      %swap3A_117 = tpu.vector_load %arg7[%swap3A_114, %swap3A_115, %swap3A_116] {strides = array<i32>} : memref<4x32x32xf32, #tpu.memory_space<vmem>>, vector<1x1x16xf32>,
      %swap3A_118 = vector.shape_cast %swap3A_117 : vector<1x1x16xf32> to vector<16xf32>
      %swap3A_119 = vector.shape_cast %add3A_112 : vector<16xf32> to vector<1x1x16xf32>
      tpu.vector_store %arg7[%swap3A_114, %swap3A_115, %swap3A_116], %swap3A_119 {strides = array<i32>} : memref<4x32x32xf32, #tpu.memory_space<vmem>>, vector<1x1x16xf32>,
      %get3A_120 = arith.constant 3 : i32
      %get3A_121 = arith.index_cast %get3A_120 : i32 to index
      %get3A_122 = arith.constant 16 : index
      %get3A_123 = tpu.vector_load %arg6[%get3A_121, %get3A_122] {strides = array<i32>} : memref<4x32xf32, #tpu.memory_space<vmem>>, vector<1x16xf32>,
      %get3A_124 = vector.shape_cast %get3A_123 : vector<1x16xf32> to vector<16xf32>
      %add3A_125 = arith.addf %get3A_80, %get3A_124 : vector<16xf32>
      %swap3A_126 = arith.constant 3 : i32
      %swap3A_127 = arith.index_cast %swap3A_126 : i32 to index
      %swap3A_128 = arith.index_cast %scan3A_19 : i32 to index
      %swap3A_129 = arith.constant 16 : index
      %swap3A_130 = tpu.vector_load %arg7[%swap3A_127, %swap3A_128, %swap3A_129] {strides = array<i32>} : memref<4x32x32xf32, #tpu.memory_space<vmem>>, vector<1x1x16xf32>,
      %swap3A_131 = vector.shape_cast %swap3A_130 : vector<1x1x16xf32> to vector<16xf32>
      %swap3A_132 = vector.shape_cast %add3A_125 : vector<16xf32> to vector<1x1x16xf32>
      tpu.vector_store %arg7[%swap3A_127, %swap3A_128, %swap3A_129], %swap3A_132 {strides = array<i32>} : memref<4x32x32xf32, #tpu.memory_space<vmem>>, vector<1x1x16xf32>,
    }
    %scan3A_7 = arith.constant 32 : i32
    %add3A_8 = arith.constant 0 : i32
    %add3A_9 = arith.addi %add3A_8, %mul3A_2 : i32
    %run_scoped3A = arith.constant 0 : i32
    "tpu.region"() ({
      %run_scoped3A_19 = tpu.sem_alloc : memref<!tpu.dma_semaphore, #tpu.memory_space<semaphore_mem>>
      %dma_start3A = arith.constant 0 : i32
      %dma_start3A_20 = arith.constant 0 : i32
      %dma_start3A_21 = tpu.memref_slice %arg7[%run_scoped3A, %dma_start3A, %dma_start3A_20] : memref<4x32x32xf32, #tpu.memory_space<vmem>> -> memref<1x32x32xf32, #tpu.memory_space<vmem>>
      %dma_start3A_22 = tpu.memref_squeeze %dma_start3A_21 : memref<1x32x32xf32, #tpu.memory_space<vmem>> -> memref<32x32xf32, #tpu.memory_space<vmem>>
      %dma_start3A_23 = arith.constant 0 : i32
      %dma_start3A_24 = tpu.memref_slice %arg4[%add3A_9, %dma_start3A_23] : memref<4096x32xf32, #tpu.memory_space<hbm>> -> memref<32x32xf32, #tpu.memory_space<hbm>>
      %dma_start3A_25 = arith.constant 0 : i32
      %dma_start3A_26 = tpu.memref_slice %arg4[%add3A_9, %dma_start3A_25] : memref<4096x32xf32, #tpu.memory_space<hbm>> -> memref<32x32xf32, #tpu.memory_space<hbm>>
      %dma_start3A_27 = arith.constant 0 : i32
      %dma_start3A_28 = arith.constant 0 : i32
      %dma_start3A_29 = tpu.memref_slice %arg7[%run_scoped3A, %dma_start3A_27, %dma_start3A_28] : memref<4x32x32xf32, #tpu.memory_space<vmem>> -> memref<1x32x32xf32, #tpu.memory_space<vmem>>
      %dma_start3A_30 = tpu.memref_squeeze %dma_start3A_29 : memref<1x32x32xf32, #tpu.memory_space<vmem>> -> memref<32x32xf32, #tpu.memory_space<vmem>>
      tpu.enqueue_dma source(%dma_start3A_30 : memref<32x32xf32, #tpu.memory_space<vmem>>) target(%dma_start3A_26 : memref<32x32xf32, #tpu.memory_space<hbm>>) target_semaphore(%run_scoped3A_19 : memref<!tpu.dma_semaphore, #tpu.memory_space<semaphore_mem>>)
      %dma_wait3A = arith.constant 0 : i32
      %dma_wait3A_31 = arith.constant 0 : i32
      %dma_wait3A_32 = tpu.memref_slice %arg7[%run_scoped3A, %dma_wait3A, %dma_wait3A_31] : memref<4x32x32xf32, #tpu.memory_space<vmem>> -> memref<1x32x32xf32, #tpu.memory_space<vmem>>
      %dma_wait3A_33 = tpu.memref_squeeze %dma_wait3A_32 : memref<1x32x32xf32, #tpu.memory_space<vmem>> -> memref<32x32xf32, #tpu.memory_space<vmem>>
      %dma_wait3A_34 = arith.constant 0 : i32
      %dma_wait3A_35 = tpu.memref_slice %arg4[%add3A_9, %dma_wait3A_34] : memref<4096x32xf32, #tpu.memory_space<hbm>> -> memref<32x32xf32, #tpu.memory_space<hbm>>
      %dma_wait3A_36 = arith.constant 0 : i32
      %dma_wait3A_37 = tpu.memref_slice %arg4[%add3A_9, %dma_wait3A_36] : memref<4096x32xf32, #tpu.memory_space<hbm>> -> memref<32x32xf32, #tpu.memory_space<hbm>>
      %dma_wait3A_38 = arith.constant 0 : i32
      %dma_wait3A_39 = arith.constant 0 : i32
      %dma_wait3A_40 = tpu.memref_slice %arg7[%run_scoped3A, %dma_wait3A_38, %dma_wait3A_39] : memref<4x32x32xf32, #tpu.memory_space<vmem>> -> memref<1x32x32xf32, #tpu.memory_space<vmem>>
      %dma_wait3A_41 = tpu.memref_squeeze %dma_wait3A_40 : memref<1x32x32xf32, #tpu.memory_space<vmem>> -> memref<32x32xf32, #tpu.memory_space<vmem>>
      tpu.wait_dma2 semaphore(%run_scoped3A_19 : memref<!tpu.dma_semaphore, #tpu.memory_space<semaphore_mem>>) src(%dma_wait3A_41 : memref<32x32xf32, #tpu.memory_space<vmem>>) dst(%dma_wait3A_37 : memref<32x32xf32, #tpu.memory_space<hbm>>)
      tpu.yield
    }) : () -> ()
    %add3A_10 = arith.constant 1024 : i32
    %add3A_11 = arith.addi %add3A_10, %mul3A_2 : i32
    %run_scoped3A_12 = arith.constant 1 : i32
    "tpu.region"() ({
      %run_scoped3A_19 = tpu.sem_alloc : memref<!tpu.dma_semaphore, #tpu.memory_space<semaphore_mem>>
      %dma_start3A = arith.constant 0 : i32
      %dma_start3A_20 = arith.constant 0 : i32
      %dma_start3A_21 = tpu.memref_slice %arg7[%run_scoped3A_12, %dma_start3A, %dma_start3A_20] : memref<4x32x32xf32, #tpu.memory_space<vmem>> -> memref<1x32x32xf32, #tpu.memory_space<vmem>>
      %dma_start3A_22 = tpu.memref_squeeze %dma_start3A_21 : memref<1x32x32xf32, #tpu.memory_space<vmem>> -> memref<32x32xf32, #tpu.memory_space<vmem>>
      %dma_start3A_23 = arith.constant 0 : i32
      %dma_start3A_24 = tpu.memref_slice %arg4[%add3A_11, %dma_start3A_23] : memref<4096x32xf32, #tpu.memory_space<hbm>> -> memref<32x32xf32, #tpu.memory_space<hbm>>
      %dma_start3A_25 = arith.constant 0 : i32
      %dma_start3A_26 = tpu.memref_slice %arg4[%add3A_11, %dma_start3A_25] : memref<4096x32xf32, #tpu.memory_space<hbm>> -> memref<32x32xf32, #tpu.memory_space<hbm>>
      %dma_start3A_27 = arith.constant 0 : i32
      %dma_start3A_28 = arith.constant 0 : i32
      %dma_start3A_29 = tpu.memref_slice %arg7[%run_scoped3A_12, %dma_start3A_27, %dma_start3A_28] : memref<4x32x32xf32, #tpu.memory_space<vmem>> -> memref<1x32x32xf32, #tpu.memory_space<vmem>>
      %dma_start3A_30 = tpu.memref_squeeze %dma_start3A_29 : memref<1x32x32xf32, #tpu.memory_space<vmem>> -> memref<32x32xf32, #tpu.memory_space<vmem>>
      tpu.enqueue_dma source(%dma_start3A_30 : memref<32x32xf32, #tpu.memory_space<vmem>>) target(%dma_start3A_26 : memref<32x32xf32, #tpu.memory_space<hbm>>) target_semaphore(%run_scoped3A_19 : memref<!tpu.dma_semaphore, #tpu.memory_space<semaphore_mem>>)
      %dma_wait3A = arith.constant 0 : i32
      %dma_wait3A_31 = arith.constant 0 : i32
      %dma_wait3A_32 = tpu.memref_slice %arg7[%run_scoped3A_12, %dma_wait3A, %dma_wait3A_31] : memref<4x32x32xf32, #tpu.memory_space<vmem>> -> memref<1x32x32xf32, #tpu.memory_space<vmem>>
      %dma_wait3A_33 = tpu.memref_squeeze %dma_wait3A_32 : memref<1x32x32xf32, #tpu.memory_space<vmem>> -> memref<32x32xf32, #tpu.memory_space<vmem>>
      %dma_wait3A_34 = arith.constant 0 : i32
      %dma_wait3A_35 = tpu.memref_slice %arg4[%add3A_11, %dma_wait3A_34] : memref<4096x32xf32, #tpu.memory_space<hbm>> -> memref<32x32xf32, #tpu.memory_space<hbm>>
      %dma_wait3A_36 = arith.constant 0 : i32
      %dma_wait3A_37 = tpu.memref_slice %arg4[%add3A_11, %dma_wait3A_36] : memref<4096x32xf32, #tpu.memory_space<hbm>> -> memref<32x32xf32, #tpu.memory_space<hbm>>
      %dma_wait3A_38 = arith.constant 0 : i32
      %dma_wait3A_39 = arith.constant 0 : i32
      %dma_wait3A_40 = tpu.memref_slice %arg7[%run_scoped3A_12, %dma_wait3A_38, %dma_wait3A_39] : memref<4x32x32xf32, #tpu.memory_space<vmem>> -> memref<1x32x32xf32, #tpu.memory_space<vmem>>
      %dma_wait3A_41 = tpu.memref_squeeze %dma_wait3A_40 : memref<1x32x32xf32, #tpu.memory_space<vmem>> -> memref<32x32xf32, #tpu.memory_space<vmem>>
      tpu.wait_dma2 semaphore(%run_scoped3A_19 : memref<!tpu.dma_semaphore, #tpu.memory_space<semaphore_mem>>) src(%dma_wait3A_41 : memref<32x32xf32, #tpu.memory_space<vmem>>) dst(%dma_wait3A_37 : memref<32x32xf32, #tpu.memory_space<hbm>>)
      tpu.yield
    }) : () -> ()
    %add3A_13 = arith.constant 2048 : i32
    %add3A_14 = arith.addi %add3A_13, %mul3A_2 : i32
    %run_scoped3A_15 = arith.constant 2 : i32
    "tpu.region"() ({
      %run_scoped3A_19 = tpu.sem_alloc : memref<!tpu.dma_semaphore, #tpu.memory_space<semaphore_mem>>
      %dma_start3A = arith.constant 0 : i32
      %dma_start3A_20 = arith.constant 0 : i32
      %dma_start3A_21 = tpu.memref_slice %arg7[%run_scoped3A_15, %dma_start3A, %dma_start3A_20] : memref<4x32x32xf32, #tpu.memory_space<vmem>> -> memref<1x32x32xf32, #tpu.memory_space<vmem>>
      %dma_start3A_22 = tpu.memref_squeeze %dma_start3A_21 : memref<1x32x32xf32, #tpu.memory_space<vmem>> -> memref<32x32xf32, #tpu.memory_space<vmem>>
      %dma_start3A_23 = arith.constant 0 : i32
      %dma_start3A_24 = tpu.memref_slice %arg4[%add3A_14, %dma_start3A_23] : memref<4096x32xf32, #tpu.memory_space<hbm>> -> memref<32x32xf32, #tpu.memory_space<hbm>>
      %dma_start3A_25 = arith.constant 0 : i32
      %dma_start3A_26 = tpu.memref_slice %arg4[%add3A_14, %dma_start3A_25] : memref<4096x32xf32, #tpu.memory_space<hbm>> -> memref<32x32xf32, #tpu.memory_space<hbm>>
      %dma_start3A_27 = arith.constant 0 : i32
      %dma_start3A_28 = arith.constant 0 : i32
      %dma_start3A_29 = tpu.memref_slice %arg7[%run_scoped3A_15, %dma_start3A_27, %dma_start3A_28] : memref<4x32x32xf32, #tpu.memory_space<vmem>> -> memref<1x32x32xf32, #tpu.memory_space<vmem>>
      %dma_start3A_30 = tpu.memref_squeeze %dma_start3A_29 : memref<1x32x32xf32, #tpu.memory_space<vmem>> -> memref<32x32xf32, #tpu.memory_space<vmem>>
      tpu.enqueue_dma source(%dma_start3A_30 : memref<32x32xf32, #tpu.memory_space<vmem>>) target(%dma_start3A_26 : memref<32x32xf32, #tpu.memory_space<hbm>>) target_semaphore(%run_scoped3A_19 : memref<!tpu.dma_semaphore, #tpu.memory_space<semaphore_mem>>)
      %dma_wait3A = arith.constant 0 : i32
      %dma_wait3A_31 = arith.constant 0 : i32
      %dma_wait3A_32 = tpu.memref_slice %arg7[%run_scoped3A_15, %dma_wait3A, %dma_wait3A_31] : memref<4x32x32xf32, #tpu.memory_space<vmem>> -> memref<1x32x32xf32, #tpu.memory_space<vmem>>
      %dma_wait3A_33 = tpu.memref_squeeze %dma_wait3A_32 : memref<1x32x32xf32, #tpu.memory_space<vmem>> -> memref<32x32xf32, #tpu.memory_space<vmem>>
      %dma_wait3A_34 = arith.constant 0 : i32
      %dma_wait3A_35 = tpu.memref_slice %arg4[%add3A_14, %dma_wait3A_34] : memref<4096x32xf32, #tpu.memory_space<hbm>> -> memref<32x32xf32, #tpu.memory_space<hbm>>
      %dma_wait3A_36 = arith.constant 0 : i32
      %dma_wait3A_37 = tpu.memref_slice %arg4[%add3A_14, %dma_wait3A_36] : memref<4096x32xf32, #tpu.memory_space<hbm>> -> memref<32x32xf32, #tpu.memory_space<hbm>>
      %dma_wait3A_38 = arith.constant 0 : i32
      %dma_wait3A_39 = arith.constant 0 : i32
      %dma_wait3A_40 = tpu.memref_slice %arg7[%run_scoped3A_15, %dma_wait3A_38, %dma_wait3A_39] : memref<4x32x32xf32, #tpu.memory_space<vmem>> -> memref<1x32x32xf32, #tpu.memory_space<vmem>>
      %dma_wait3A_41 = tpu.memref_squeeze %dma_wait3A_40 : memref<1x32x32xf32, #tpu.memory_space<vmem>> -> memref<32x32xf32, #tpu.memory_space<vmem>>
      tpu.wait_dma2 semaphore(%run_scoped3A_19 : memref<!tpu.dma_semaphore, #tpu.memory_space<semaphore_mem>>) src(%dma_wait3A_41 : memref<32x32xf32, #tpu.memory_space<vmem>>) dst(%dma_wait3A_37 : memref<32x32xf32, #tpu.memory_space<hbm>>)
      tpu.yield
    }) : () -> ()
    %add3A_16 = arith.constant 3072 : i32
    %add3A_17 = arith.addi %add3A_16, %mul3A_2 : i32
    %run_scoped3A_18 = arith.constant 3 : i32
    "tpu.region"() ({
      %run_scoped3A_19 = tpu.sem_alloc : memref<!tpu.dma_semaphore, #tpu.memory_space<semaphore_mem>>
      %dma_start3A = arith.constant 0 : i32
      %dma_start3A_20 = arith.constant 0 : i32
      %dma_start3A_21 = tpu.memref_slice %arg7[%run_scoped3A_18, %dma_start3A, %dma_start3A_20] : memref<4x32x32xf32, #tpu.memory_space<vmem>> -> memref<1x32x32xf32, #tpu.memory_space<vmem>>
      %dma_start3A_22 = tpu.memref_squeeze %dma_start3A_21 : memref<1x32x32xf32, #tpu.memory_space<vmem>> -> memref<32x32xf32, #tpu.memory_space<vmem>>
      %dma_start3A_23 = arith.constant 0 : i32
      %dma_start3A_24 = tpu.memref_slice %arg4[%add3A_17, %dma_start3A_23] : memref<4096x32xf32, #tpu.memory_space<hbm>> -> memref<32x32xf32, #tpu.memory_space<hbm>>
      %dma_start3A_25 = arith.constant 0 : i32
      %dma_start3A_26 = tpu.memref_slice %arg4[%add3A_17, %dma_start3A_25] : memref<4096x32xf32, #tpu.memory_space<hbm>> -> memref<32x32xf32, #tpu.memory_space<hbm>>
      %dma_start3A_27 = arith.constant 0 : i32
      %dma_start3A_28 = arith.constant 0 : i32
      %dma_start3A_29 = tpu.memref_slice %arg7[%run_scoped3A_18, %dma_start3A_27, %dma_start3A_28] : memref<4x32x32xf32, #tpu.memory_space<vmem>> -> memref<1x32x32xf32, #tpu.memory_space<vmem>>
      %dma_start3A_30 = tpu.memref_squeeze %dma_start3A_29 : memref<1x32x32xf32, #tpu.memory_space<vmem>> -> memref<32x32xf32, #tpu.memory_space<vmem>>
      tpu.enqueue_dma source(%dma_start3A_30 : memref<32x32xf32, #tpu.memory_space<vmem>>) target(%dma_start3A_26 : memref<32x32xf32, #tpu.memory_space<hbm>>) target_semaphore(%run_scoped3A_19 : memref<!tpu.dma_semaphore, #tpu.memory_space<semaphore_mem>>)
      %dma_wait3A = arith.constant 0 : i32
      %dma_wait3A_31 = arith.constant 0 : i32
      %dma_wait3A_32 = tpu.memref_slice %arg7[%run_scoped3A_18, %dma_wait3A, %dma_wait3A_31] : memref<4x32x32xf32, #tpu.memory_space<vmem>> -> memref<1x32x32xf32, #tpu.memory_space<vmem>>
      %dma_wait3A_33 = tpu.memref_squeeze %dma_wait3A_32 : memref<1x32x32xf32, #tpu.memory_space<vmem>> -> memref<32x32xf32, #tpu.memory_space<vmem>>
      %dma_wait3A_34 = arith.constant 0 : i32
      %dma_wait3A_35 = tpu.memref_slice %arg4[%add3A_17, %dma_wait3A_34] : memref<4096x32xf32, #tpu.memory_space<hbm>> -> memref<32x32xf32, #tpu.memory_space<hbm>>
      %dma_wait3A_36 = arith.constant 0 : i32
      %dma_wait3A_37 = tpu.memref_slice %arg4[%add3A_17, %dma_wait3A_36] : memref<4096x32xf32, #tpu.memory_space<hbm>> -> memref<32x32xf32, #tpu.memory_space<hbm>>
      %dma_wait3A_38 = arith.constant 0 : i32
      %dma_wait3A_39 = arith.constant 0 : i32
      %dma_wait3A_40 = tpu.memref_slice %arg7[%run_scoped3A_18, %dma_wait3A_38, %dma_wait3A_39] : memref<4x32x32xf32, #tpu.memory_space<vmem>> -> memref<1x32x32xf32, #tpu.memory_space<vmem>>
      %dma_wait3A_41 = tpu.memref_squeeze %dma_wait3A_40 : memref<1x32x32xf32, #tpu.memory_space<vmem>> -> memref<32x32xf32, #tpu.memory_space<vmem>>
      tpu.wait_dma2 semaphore(%run_scoped3A_19 : memref<!tpu.dma_semaphore, #tpu.memory_space<semaphore_mem>>) src(%dma_wait3A_41 : memref<32x32xf32, #tpu.memory_space<vmem>>) dst(%dma_wait3A_37 : memref<32x32xf32, #tpu.memory_space<hbm>>)
      tpu.yield
    }) : () -> ()
    return
  }
}

#map = affine_map<(d0, d1) -> (0, 0)>
#map1 = affine_map<(d0, d1) -> (0, 0, 0)>
module attributes {stable_mosaic.version = 14 : i64} {
  func.func @_lookup_body(%arg0: i32, %arg1: i32, %arg2: memref<2048x512xi32, #tpu.memory_space<hbm>>, %arg3: memref<4096x32xf32, #tpu.memory_space<hbm>>, %arg4: memref<2048x512x32xf32, #tpu.memory_space<hbm>>, %arg5: memref<2304x32xf32, #tpu.memory_space<vmem>>, %arg6: memref<512xi32, #tpu.memory_space<vmem>>, %arg7: memref<512xi32, #tpu.memory_space<vmem>>, %arg8: memref<512x32xf32, #tpu.memory_space<vmem>>, %arg9: memref<512x32xf32, #tpu.memory_space<vmem>>, %arg10: memref<!tpu.dma_semaphore, #tpu.memory_space<semaphore_mem>>, %arg11: memref<!tpu.dma_semaphore, #tpu.memory_space<semaphore_mem>>, %arg12: memref<!tpu.dma_semaphore, #tpu.memory_space<semaphore_mem>>, %arg13: memref<!tpu.dma_semaphore, #tpu.memory_space<semaphore_mem>>) attributes {dimension_semantics = [#tpu.dimension_semantics<core_parallel>, #tpu.dimension_semantics<subcore_parallel>], iteration_bounds = array<i64: 2, 16>, scalar_prefetch = 0 : i64, scratch_operands = 9 : i64, tpu.core_type = #tpu.core_type<sc_vector_subcore>, window_params = [{transform_indices = #map}, {transform_indices = #map}, {transform_indices = #map1}]} {
    %mul3A = arith.constant 16 : i32
    %mul3A_0 = arith.muli %arg0, %mul3A : i32
    %add3A = arith.addi %mul3A_0, %arg1 : i32
    %jit3A = arith.constant 8 : i32
    %div3A = arith.divsi %add3A, %jit3A : i32
    %sign3A = arith.constant 0 : i32
    %sign3A_1 = arith.cmpi sgt, %add3A, %sign3A : i32
    %sign3A_2 = arith.extui %sign3A_1 : i1 to i32
    %sign3A_3 = arith.constant 0 : i32
    %sign3A_4 = arith.cmpi slt, %add3A, %sign3A_3 : i32
    %sign3A_5 = arith.extui %sign3A_4 : i1 to i32
    %sign3A_6 = arith.subi %sign3A_2, %sign3A_5 : i32
    %sign3A_7 = arith.constant 0 : i32
    %sign3A_8 = arith.cmpi sgt, %jit3A, %sign3A_7 : i32
    %sign3A_9 = arith.extui %sign3A_8 : i1 to i32
    %sign3A_10 = arith.constant 0 : i32
    %sign3A_11 = arith.cmpi slt, %jit3A, %sign3A_10 : i32
    %sign3A_12 = arith.extui %sign3A_11 : i1 to i32
    %sign3A_13 = arith.subi %sign3A_9, %sign3A_12 : i32
    %ne3A = arith.cmpi ne, %sign3A_6, %sign3A_13 : i32
    %rem3A = arith.remsi %add3A, %jit3A : i32
    %ne3A_14 = arith.constant 0 : i32
    %ne3A_15 = arith.cmpi ne, %rem3A, %ne3A_14 : i32
    %and3A = arith.andi %ne3A, %ne3A_15 : i1
    %sub3A = arith.constant 1 : i32
    %sub3A_16 = arith.subi %div3A, %sub3A : i32
    %select_n3A = arith.select %and3A, %sub3A_16, %div3A : i32
    %jit3A_17 = arith.constant 8 : i32
    %eq3A = arith.constant 0 : i32
    %eq3A_18 = arith.cmpi eq, %jit3A_17, %eq3A : i32
    %jit3A_19 = arith.constant 1 : i32
    %select_n3A_20 = arith.select %eq3A_18, %jit3A_19, %jit3A_17 : i32
    %rem3A_21 = arith.remsi %add3A, %select_n3A_20 : i32
    %ne3A_22 = arith.constant 0 : i32
    %ne3A_23 = arith.cmpi ne, %rem3A_21, %ne3A_22 : i32
    %lt3A = arith.constant 0 : i32
    %lt3A_24 = arith.cmpi slt, %rem3A_21, %lt3A : i32
    %lt3A_25 = arith.constant 0 : i32
    %lt3A_26 = arith.cmpi slt, %select_n3A_20, %lt3A_25 : i32
    %ne3A_27 = arith.xori %lt3A_24, %lt3A_26 : i1
    %and3A_28 = arith.andi %ne3A_27, %ne3A_23 : i1
    %add3A_29 = arith.addi %rem3A_21, %select_n3A_20 : i32
    %select_n3A_30 = arith.select %and3A_28, %add3A_29, %rem3A_21 : i32
    %mul3A_31 = arith.constant 64 : i32
    %mul3A_32 = arith.muli %select_n3A_30, %mul3A_31 : i32
    %mul3A_33 = arith.constant 512 : i32
    %mul3A_34 = arith.muli %select_n3A, %mul3A_33 : i32
    %add3A_35 = arith.addi %mul3A_34, %mul3A_32 : i32
    %iota3A = tpu.iota {dimensions = array<i32: 0>} : vector<16xi32>
    %add3A_36 = arith.constant 16 : i32
    %add3A_37 = vector.broadcast %add3A_36 : i32 to vector<16xi32>
    %add3A_38 = arith.addi %iota3A, %add3A_37 : vector<16xi32>
    %sub3A_39 = arith.constant 448 : i32
    %sub3A_40 = arith.subi %sub3A_39, %mul3A_32 : i32
    %add3A_41 = arith.constant 0 : i32
    %add3A_42 = arith.addi %add3A_41, %sub3A_40 : i32
    "tpu.region"() ({
      %run_scoped3A = tpu.sem_alloc : memref<!tpu.dma_semaphore, #tpu.memory_space<semaphore_mem>>
      %dma_start3A_86 = arith.constant 0 : i32
      %dma_start3A_87 = arith.constant 0 : i32
      %dma_start3A_88 = tpu.memref_slice %arg5[%dma_start3A_86, %dma_start3A_87] : memref<2304x32xf32, #tpu.memory_space<vmem>> -> memref<576x32xf32, #tpu.memory_space<vmem>>
      %dma_start3A_89 = arith.constant 0 : i32
      %dma_start3A_90 = tpu.memref_slice %arg3[%add3A_42, %dma_start3A_89] : memref<4096x32xf32, #tpu.memory_space<hbm>> -> memref<576x32xf32, #tpu.memory_space<hbm>>
      %dma_start3A_91 = arith.constant 0 : i32
      %dma_start3A_92 = arith.constant 0 : i32
      %dma_start3A_93 = tpu.memref_slice %arg5[%dma_start3A_91, %dma_start3A_92] : memref<2304x32xf32, #tpu.memory_space<vmem>> -> memref<576x32xf32, #tpu.memory_space<vmem>>
      %dma_start3A_94 = arith.constant 0 : i32
      %dma_start3A_95 = tpu.memref_slice %arg3[%add3A_42, %dma_start3A_94] : memref<4096x32xf32, #tpu.memory_space<hbm>> -> memref<576x32xf32, #tpu.memory_space<hbm>>
      tpu.enqueue_dma source(%dma_start3A_95 : memref<576x32xf32, #tpu.memory_space<hbm>>) target(%dma_start3A_93 : memref<576x32xf32, #tpu.memory_space<vmem>>) target_semaphore(%run_scoped3A : memref<!tpu.dma_semaphore, #tpu.memory_space<semaphore_mem>>)
      %dma_wait3A_96 = arith.constant 0 : i32
      %dma_wait3A_97 = arith.constant 0 : i32
      %dma_wait3A_98 = tpu.memref_slice %arg5[%dma_wait3A_96, %dma_wait3A_97] : memref<2304x32xf32, #tpu.memory_space<vmem>> -> memref<576x32xf32, #tpu.memory_space<vmem>>
      %dma_wait3A_99 = arith.constant 0 : i32
      %dma_wait3A_100 = tpu.memref_slice %arg3[%add3A_42, %dma_wait3A_99] : memref<4096x32xf32, #tpu.memory_space<hbm>> -> memref<576x32xf32, #tpu.memory_space<hbm>>
      %dma_wait3A_101 = arith.constant 0 : i32
      %dma_wait3A_102 = arith.constant 0 : i32
      %dma_wait3A_103 = tpu.memref_slice %arg5[%dma_wait3A_101, %dma_wait3A_102] : memref<2304x32xf32, #tpu.memory_space<vmem>> -> memref<576x32xf32, #tpu.memory_space<vmem>>
      %dma_wait3A_104 = arith.constant 0 : i32
      %dma_wait3A_105 = tpu.memref_slice %arg3[%add3A_42, %dma_wait3A_104] : memref<4096x32xf32, #tpu.memory_space<hbm>> -> memref<576x32xf32, #tpu.memory_space<hbm>>
      tpu.wait_dma2 semaphore(%run_scoped3A : memref<!tpu.dma_semaphore, #tpu.memory_space<semaphore_mem>>) src(%dma_wait3A_105 : memref<576x32xf32, #tpu.memory_space<hbm>>) dst(%dma_wait3A_103 : memref<576x32xf32, #tpu.memory_space<vmem>>)
      tpu.yield
    }) : () -> ()
    %add3A_43 = arith.constant 1024 : i32
    %add3A_44 = arith.addi %add3A_43, %sub3A_40 : i32
    "tpu.region"() ({
      %run_scoped3A = tpu.sem_alloc : memref<!tpu.dma_semaphore, #tpu.memory_space<semaphore_mem>>
      %dma_start3A_86 = arith.constant 576 : i32
      %dma_start3A_87 = arith.constant 0 : i32
      %dma_start3A_88 = tpu.memref_slice %arg5[%dma_start3A_86, %dma_start3A_87] : memref<2304x32xf32, #tpu.memory_space<vmem>> -> memref<576x32xf32, #tpu.memory_space<vmem>>
      %dma_start3A_89 = arith.constant 0 : i32
      %dma_start3A_90 = tpu.memref_slice %arg3[%add3A_44, %dma_start3A_89] : memref<4096x32xf32, #tpu.memory_space<hbm>> -> memref<576x32xf32, #tpu.memory_space<hbm>>
      %dma_start3A_91 = arith.constant 576 : i32
      %dma_start3A_92 = arith.constant 0 : i32
      %dma_start3A_93 = tpu.memref_slice %arg5[%dma_start3A_91, %dma_start3A_92] : memref<2304x32xf32, #tpu.memory_space<vmem>> -> memref<576x32xf32, #tpu.memory_space<vmem>>
      %dma_start3A_94 = arith.constant 0 : i32
      %dma_start3A_95 = tpu.memref_slice %arg3[%add3A_44, %dma_start3A_94] : memref<4096x32xf32, #tpu.memory_space<hbm>> -> memref<576x32xf32, #tpu.memory_space<hbm>>
      tpu.enqueue_dma source(%dma_start3A_95 : memref<576x32xf32, #tpu.memory_space<hbm>>) target(%dma_start3A_93 : memref<576x32xf32, #tpu.memory_space<vmem>>) target_semaphore(%run_scoped3A : memref<!tpu.dma_semaphore, #tpu.memory_space<semaphore_mem>>)
      %dma_wait3A_96 = arith.constant 576 : i32
      %dma_wait3A_97 = arith.constant 0 : i32
      %dma_wait3A_98 = tpu.memref_slice %arg5[%dma_wait3A_96, %dma_wait3A_97] : memref<2304x32xf32, #tpu.memory_space<vmem>> -> memref<576x32xf32, #tpu.memory_space<vmem>>
      %dma_wait3A_99 = arith.constant 0 : i32
      %dma_wait3A_100 = tpu.memref_slice %arg3[%add3A_44, %dma_wait3A_99] : memref<4096x32xf32, #tpu.memory_space<hbm>> -> memref<576x32xf32, #tpu.memory_space<hbm>>
      %dma_wait3A_101 = arith.constant 576 : i32
      %dma_wait3A_102 = arith.constant 0 : i32
      %dma_wait3A_103 = tpu.memref_slice %arg5[%dma_wait3A_101, %dma_wait3A_102] : memref<2304x32xf32, #tpu.memory_space<vmem>> -> memref<576x32xf32, #tpu.memory_space<vmem>>
      %dma_wait3A_104 = arith.constant 0 : i32
      %dma_wait3A_105 = tpu.memref_slice %arg3[%add3A_44, %dma_wait3A_104] : memref<4096x32xf32, #tpu.memory_space<hbm>> -> memref<576x32xf32, #tpu.memory_space<hbm>>
      tpu.wait_dma2 semaphore(%run_scoped3A : memref<!tpu.dma_semaphore, #tpu.memory_space<semaphore_mem>>) src(%dma_wait3A_105 : memref<576x32xf32, #tpu.memory_space<hbm>>) dst(%dma_wait3A_103 : memref<576x32xf32, #tpu.memory_space<vmem>>)
      tpu.yield
    }) : () -> ()
    %add3A_45 = arith.constant 2048 : i32
    %add3A_46 = arith.addi %add3A_45, %sub3A_40 : i32
    "tpu.region"() ({
      %run_scoped3A = tpu.sem_alloc : memref<!tpu.dma_semaphore, #tpu.memory_space<semaphore_mem>>
      %dma_start3A_86 = arith.constant 1152 : i32
      %dma_start3A_87 = arith.constant 0 : i32
      %dma_start3A_88 = tpu.memref_slice %arg5[%dma_start3A_86, %dma_start3A_87] : memref<2304x32xf32, #tpu.memory_space<vmem>> -> memref<576x32xf32, #tpu.memory_space<vmem>>
      %dma_start3A_89 = arith.constant 0 : i32
      %dma_start3A_90 = tpu.memref_slice %arg3[%add3A_46, %dma_start3A_89] : memref<4096x32xf32, #tpu.memory_space<hbm>> -> memref<576x32xf32, #tpu.memory_space<hbm>>
      %dma_start3A_91 = arith.constant 1152 : i32
      %dma_start3A_92 = arith.constant 0 : i32
      %dma_start3A_93 = tpu.memref_slice %arg5[%dma_start3A_91, %dma_start3A_92] : memref<2304x32xf32, #tpu.memory_space<vmem>> -> memref<576x32xf32, #tpu.memory_space<vmem>>
      %dma_start3A_94 = arith.constant 0 : i32
      %dma_start3A_95 = tpu.memref_slice %arg3[%add3A_46, %dma_start3A_94] : memref<4096x32xf32, #tpu.memory_space<hbm>> -> memref<576x32xf32, #tpu.memory_space<hbm>>
      tpu.enqueue_dma source(%dma_start3A_95 : memref<576x32xf32, #tpu.memory_space<hbm>>) target(%dma_start3A_93 : memref<576x32xf32, #tpu.memory_space<vmem>>) target_semaphore(%run_scoped3A : memref<!tpu.dma_semaphore, #tpu.memory_space<semaphore_mem>>)
      %dma_wait3A_96 = arith.constant 1152 : i32
      %dma_wait3A_97 = arith.constant 0 : i32
      %dma_wait3A_98 = tpu.memref_slice %arg5[%dma_wait3A_96, %dma_wait3A_97] : memref<2304x32xf32, #tpu.memory_space<vmem>> -> memref<576x32xf32, #tpu.memory_space<vmem>>
      %dma_wait3A_99 = arith.constant 0 : i32
      %dma_wait3A_100 = tpu.memref_slice %arg3[%add3A_46, %dma_wait3A_99] : memref<4096x32xf32, #tpu.memory_space<hbm>> -> memref<576x32xf32, #tpu.memory_space<hbm>>
      %dma_wait3A_101 = arith.constant 1152 : i32
      %dma_wait3A_102 = arith.constant 0 : i32
      %dma_wait3A_103 = tpu.memref_slice %arg5[%dma_wait3A_101, %dma_wait3A_102] : memref<2304x32xf32, #tpu.memory_space<vmem>> -> memref<576x32xf32, #tpu.memory_space<vmem>>
      %dma_wait3A_104 = arith.constant 0 : i32
      %dma_wait3A_105 = tpu.memref_slice %arg3[%add3A_46, %dma_wait3A_104] : memref<4096x32xf32, #tpu.memory_space<hbm>> -> memref<576x32xf32, #tpu.memory_space<hbm>>
      tpu.wait_dma2 semaphore(%run_scoped3A : memref<!tpu.dma_semaphore, #tpu.memory_space<semaphore_mem>>) src(%dma_wait3A_105 : memref<576x32xf32, #tpu.memory_space<hbm>>) dst(%dma_wait3A_103 : memref<576x32xf32, #tpu.memory_space<vmem>>)
      tpu.yield
    }) : () -> ()
    %add3A_47 = arith.constant 3072 : i32
    %add3A_48 = arith.addi %add3A_47, %sub3A_40 : i32
    "tpu.region"() ({
      %run_scoped3A = tpu.sem_alloc : memref<!tpu.dma_semaphore, #tpu.memory_space<semaphore_mem>>
      %dma_start3A_86 = arith.constant 1728 : i32
      %dma_start3A_87 = arith.constant 0 : i32
      %dma_start3A_88 = tpu.memref_slice %arg5[%dma_start3A_86, %dma_start3A_87] : memref<2304x32xf32, #tpu.memory_space<vmem>> -> memref<576x32xf32, #tpu.memory_space<vmem>>
      %dma_start3A_89 = arith.constant 0 : i32
      %dma_start3A_90 = tpu.memref_slice %arg3[%add3A_48, %dma_start3A_89] : memref<4096x32xf32, #tpu.memory_space<hbm>> -> memref<576x32xf32, #tpu.memory_space<hbm>>
      %dma_start3A_91 = arith.constant 1728 : i32
      %dma_start3A_92 = arith.constant 0 : i32
      %dma_start3A_93 = tpu.memref_slice %arg5[%dma_start3A_91, %dma_start3A_92] : memref<2304x32xf32, #tpu.memory_space<vmem>> -> memref<576x32xf32, #tpu.memory_space<vmem>>
      %dma_start3A_94 = arith.constant 0 : i32
      %dma_start3A_95 = tpu.memref_slice %arg3[%add3A_48, %dma_start3A_94] : memref<4096x32xf32, #tpu.memory_space<hbm>> -> memref<576x32xf32, #tpu.memory_space<hbm>>
      tpu.enqueue_dma source(%dma_start3A_95 : memref<576x32xf32, #tpu.memory_space<hbm>>) target(%dma_start3A_93 : memref<576x32xf32, #tpu.memory_space<vmem>>) target_semaphore(%run_scoped3A : memref<!tpu.dma_semaphore, #tpu.memory_space<semaphore_mem>>)
      %dma_wait3A_96 = arith.constant 1728 : i32
      %dma_wait3A_97 = arith.constant 0 : i32
      %dma_wait3A_98 = tpu.memref_slice %arg5[%dma_wait3A_96, %dma_wait3A_97] : memref<2304x32xf32, #tpu.memory_space<vmem>> -> memref<576x32xf32, #tpu.memory_space<vmem>>
      %dma_wait3A_99 = arith.constant 0 : i32
      %dma_wait3A_100 = tpu.memref_slice %arg3[%add3A_48, %dma_wait3A_99] : memref<4096x32xf32, #tpu.memory_space<hbm>> -> memref<576x32xf32, #tpu.memory_space<hbm>>
      %dma_wait3A_101 = arith.constant 1728 : i32
      %dma_wait3A_102 = arith.constant 0 : i32
      %dma_wait3A_103 = tpu.memref_slice %arg5[%dma_wait3A_101, %dma_wait3A_102] : memref<2304x32xf32, #tpu.memory_space<vmem>> -> memref<576x32xf32, #tpu.memory_space<vmem>>
      %dma_wait3A_104 = arith.constant 0 : i32
      %dma_wait3A_105 = tpu.memref_slice %arg3[%add3A_48, %dma_wait3A_104] : memref<4096x32xf32, #tpu.memory_space<hbm>> -> memref<576x32xf32, #tpu.memory_space<hbm>>
      tpu.wait_dma2 semaphore(%run_scoped3A : memref<!tpu.dma_semaphore, #tpu.memory_space<semaphore_mem>>) src(%dma_wait3A_105 : memref<576x32xf32, #tpu.memory_space<hbm>>) dst(%dma_wait3A_103 : memref<576x32xf32, #tpu.memory_space<vmem>>)
      tpu.yield
    }) : () -> ()
    %dma_start3A = arith.constant 0 : i32
    %dma_start3A_49 = tpu.memref_slice %arg2[%add3A_35, %dma_start3A] : memref<2048x512xi32, #tpu.memory_space<hbm>> -> memref<1x512xi32, #tpu.memory_space<hbm>>
    %dma_start3A_50 = tpu.memref_squeeze %dma_start3A_49 : memref<1x512xi32, #tpu.memory_space<hbm>> -> memref<512xi32, #tpu.memory_space<hbm>>
    %dma_start3A_51 = arith.constant 0 : i32
    %dma_start3A_52 = tpu.memref_slice %arg2[%add3A_35, %dma_start3A_51] : memref<2048x512xi32, #tpu.memory_space<hbm>> -> memref<1x512xi32, #tpu.memory_space<hbm>>
    %dma_start3A_53 = tpu.memref_squeeze %dma_start3A_52 : memref<1x512xi32, #tpu.memory_space<hbm>> -> memref<512xi32, #tpu.memory_space<hbm>>
    tpu.enqueue_dma source(%dma_start3A_53 : memref<512xi32, #tpu.memory_space<hbm>>) target(%arg6 : memref<512xi32, #tpu.memory_space<vmem>>) target_semaphore(%arg10 : memref<!tpu.dma_semaphore, #tpu.memory_space<semaphore_mem>>)
    %scan3A = arith.constant 0 : i32
    %scan3A_54 = arith.constant 0 : i32
    %scan3A_55 = arith.constant 32 : i32
    %scan3A_56 = arith.addi %scan3A_54, %scan3A_55 : i32
    %scan3A_57 = arith.constant 1 : i32
    scf.for %scan3A_86 = %scan3A_54 to %scan3A_56 step %scan3A_57  : i32 {
      %mul3A_87 = arith.constant 2 : i32
      %mul3A_88 = arith.muli %mul3A_87, %scan3A_86 : i32
      %add3A_89 = arith.constant 0 : i32
      %add3A_90 = arith.addi %mul3A_88, %add3A_89 : i32
      %add3A_91 = arith.addi %add3A_35, %add3A_90 : i32
      %sub3A_92 = arith.constant 63 : i32
      %sub3A_93 = arith.subi %sub3A_92, %add3A_90 : i32
      %lt3A_94 = arith.constant 63 : i32
      %lt3A_95 = arith.cmpi slt, %add3A_90, %lt3A_94 : i32
      %convert_element_type3A = arith.extui %lt3A_95 : i1 to i32
      %cond3A = arith.constant 0 : i32
      %cond3A_96 = arith.cmpi ne, %convert_element_type3A, %cond3A : i32
      scf.if %cond3A_96 {
        %add3A_151 = arith.constant 1 : i32
        %add3A_152 = arith.addi %add3A_91, %add3A_151 : i32
        %dma_start3A_153 = arith.constant 0 : i32
        %dma_start3A_154 = tpu.memref_slice %arg2[%add3A_152, %dma_start3A_153] : memref<2048x512xi32, #tpu.memory_space<hbm>> -> memref<1x512xi32, #tpu.memory_space<hbm>>
        %dma_start3A_155 = tpu.memref_squeeze %dma_start3A_154 : memref<1x512xi32, #tpu.memory_space<hbm>> -> memref<512xi32, #tpu.memory_space<hbm>>
        %dma_start3A_156 = arith.constant 0 : i32
        %dma_start3A_157 = tpu.memref_slice %arg2[%add3A_152, %dma_start3A_156] : memref<2048x512xi32, #tpu.memory_space<hbm>> -> memref<1x512xi32, #tpu.memory_space<hbm>>
        %dma_start3A_158 = tpu.memref_squeeze %dma_start3A_157 : memref<1x512xi32, #tpu.memory_space<hbm>> -> memref<512xi32, #tpu.memory_space<hbm>>
        tpu.enqueue_dma source(%dma_start3A_158 : memref<512xi32, #tpu.memory_space<hbm>>) target(%arg7 : memref<512xi32, #tpu.memory_space<vmem>>) target_semaphore(%arg11 : memref<!tpu.dma_semaphore, #tpu.memory_space<semaphore_mem>>)
      } else {
      }
      %dma_wait3A_97 = arith.constant 0 : i32
      %dma_wait3A_98 = tpu.memref_slice %arg2[%add3A_91, %dma_wait3A_97] : memref<2048x512xi32, #tpu.memory_space<hbm>> -> memref<1x512xi32, #tpu.memory_space<hbm>>
      %dma_wait3A_99 = tpu.memref_squeeze %dma_wait3A_98 : memref<1x512xi32, #tpu.memory_space<hbm>> -> memref<512xi32, #tpu.memory_space<hbm>>
      %dma_wait3A_100 = arith.constant 0 : i32
      %dma_wait3A_101 = tpu.memref_slice %arg2[%add3A_91, %dma_wait3A_100] : memref<2048x512xi32, #tpu.memory_space<hbm>> -> memref<1x512xi32, #tpu.memory_space<hbm>>
      %dma_wait3A_102 = tpu.memref_squeeze %dma_wait3A_101 : memref<1x512xi32, #tpu.memory_space<hbm>> -> memref<512xi32, #tpu.memory_space<hbm>>
      tpu.wait_dma2 semaphore(%arg10 : memref<!tpu.dma_semaphore, #tpu.memory_space<semaphore_mem>>) src(%dma_wait3A_102 : memref<512xi32, #tpu.memory_space<hbm>>) dst(%arg6 : memref<512xi32, #tpu.memory_space<vmem>>)
      %ge3A = arith.constant 2 : i32
      %ge3A_103 = arith.cmpi sge, %add3A_90, %ge3A : i32
      %convert_element_type3A_104 = arith.extui %ge3A_103 : i1 to i32
      %cond3A_105 = arith.constant 0 : i32
      %cond3A_106 = arith.cmpi ne, %convert_element_type3A_104, %cond3A_105 : i32
      scf.if %cond3A_106 {
        %dma_wait3A_151 = arith.constant 0 : i32
        %dma_wait3A_152 = arith.constant 0 : i32
        %dma_wait3A_153 = tpu.memref_slice %arg4[%add3A_91, %dma_wait3A_151, %dma_wait3A_152] : memref<2048x512x32xf32, #tpu.memory_space<hbm>> -> memref<1x512x32xf32, #tpu.memory_space<hbm>>
        %dma_wait3A_154 = tpu.memref_squeeze %dma_wait3A_153 : memref<1x512x32xf32, #tpu.memory_space<hbm>> -> memref<512x32xf32, #tpu.memory_space<hbm>>
        %dma_wait3A_155 = arith.constant 0 : i32
        %dma_wait3A_156 = arith.constant 0 : i32
        %dma_wait3A_157 = tpu.memref_slice %arg4[%add3A_91, %dma_wait3A_155, %dma_wait3A_156] : memref<2048x512x32xf32, #tpu.memory_space<hbm>> -> memref<1x512x32xf32, #tpu.memory_space<hbm>>
        %dma_wait3A_158 = tpu.memref_squeeze %dma_wait3A_157 : memref<1x512x32xf32, #tpu.memory_space<hbm>> -> memref<512x32xf32, #tpu.memory_space<hbm>>
        tpu.wait_dma2 semaphore(%arg12 : memref<!tpu.dma_semaphore, #tpu.memory_space<semaphore_mem>>) src(%arg8 : memref<512x32xf32, #tpu.memory_space<vmem>>) dst(%dma_wait3A_158 : memref<512x32xf32, #tpu.memory_space<hbm>>)
      } else {
      }
      %parallel_loop3A = arith.constant 0 : i32
      %parallel_loop3A_107 = arith.constant 512 : i32
      %parallel_loop3A_108 = arith.constant 16 : i32
      scf.for %parallel_loop3A_151 = %parallel_loop3A to %parallel_loop3A_107 step %parallel_loop3A_108  : i32 {
        %parallel_loop3A_152 = arith.index_cast %parallel_loop3A_151 : i32 to index
        %parallel_loop3A_153 = tpu.vector_load %arg6[%parallel_loop3A_152] {strides = array<i32>} : memref<512xi32, #tpu.memory_space<vmem>>, vector<16xi32>,
        %parallel_loop3A_154 = vector.shape_cast %parallel_loop3A_153 : vector<16xi32> to vector<16xi32>
        %parallel_loop3A_155 = arith.constant 576 : i32
        %parallel_loop3A_156 = vector.broadcast %parallel_loop3A_155 : i32 to vector<16xi32>
        %parallel_loop3A_157 = arith.muli %parallel_loop3A_154, %parallel_loop3A_156 : vector<16xi32>
        %parallel_loop3A_158 = arith.addi %parallel_loop3A_151, %sub3A_93 : i32
        %parallel_loop3A_159 = vector.broadcast %parallel_loop3A_158 : i32 to vector<16xi32>
        %parallel_loop3A_160 = arith.addi %iota3A, %parallel_loop3A_159 : vector<16xi32>
        %parallel_loop3A_161 = arith.addi %parallel_loop3A_157, %parallel_loop3A_160 : vector<16xi32>
        %parallel_loop3A_162 = vector.extract_strided_slice %parallel_loop3A_161 {offsets = [0], sizes = [1], strides = [1]} : vector<16xi32> to vector<1xi32>
        %parallel_loop3A_163 = vector.extract %parallel_loop3A_162[0] : i32 from vector<1xi32>
        %parallel_loop3A_164 = arith.index_cast %parallel_loop3A_163 : i32 to index
        %parallel_loop3A_165 = arith.constant 0 : index
        %parallel_loop3A_166 = tpu.vector_load %arg5[%parallel_loop3A_164, %parallel_loop3A_165] {strides = array<i32>} : memref<2304x32xf32, #tpu.memory_space<vmem>>, vector<1x16xf32>,
        %parallel_loop3A_167 = vector.shape_cast %parallel_loop3A_166 : vector<1x16xf32> to vector<16xf32>
        %parallel_loop3A_168 = arith.constant 0 : i32
        %parallel_loop3A_169 = arith.addi %parallel_loop3A_151, %parallel_loop3A_168 : i32
        %parallel_loop3A_170 = arith.index_cast %parallel_loop3A_169 : i32 to index
        %parallel_loop3A_171 = arith.constant 0 : index
        %parallel_loop3A_172 = tpu.vector_load %arg8[%parallel_loop3A_170, %parallel_loop3A_171] {strides = array<i32>} : memref<512x32xf32, #tpu.memory_space<vmem>>, vector<1x16xf32>,
        %parallel_loop3A_173 = vector.shape_cast %parallel_loop3A_172 : vector<1x16xf32> to vector<16xf32>
        %parallel_loop3A_174 = vector.shape_cast %parallel_loop3A_167 : vector<16xf32> to vector<1x16xf32>
        tpu.vector_store %arg8[%parallel_loop3A_170, %parallel_loop3A_171], %parallel_loop3A_174 {strides = array<i32>} : memref<512x32xf32, #tpu.memory_space<vmem>>, vector<1x16xf32>,
        %parallel_loop3A_175 = arith.index_cast %parallel_loop3A_163 : i32 to index
        %parallel_loop3A_176 = arith.constant 16 : index
        %parallel_loop3A_177 = tpu.vector_load %arg5[%parallel_loop3A_175, %parallel_loop3A_176] {strides = array<i32>} : memref<2304x32xf32, #tpu.memory_space<vmem>>, vector<1x16xf32>,
        %parallel_loop3A_178 = vector.shape_cast %parallel_loop3A_177 : vector<1x16xf32> to vector<16xf32>
        %parallel_loop3A_179 = arith.constant 0 : i32
        %parallel_loop3A_180 = arith.addi %parallel_loop3A_151, %parallel_loop3A_179 : i32
        %parallel_loop3A_181 = arith.index_cast %parallel_loop3A_180 : i32 to index
        %parallel_loop3A_182 = arith.constant 16 : index
        %parallel_loop3A_183 = tpu.vector_load %arg8[%parallel_loop3A_181, %parallel_loop3A_182] {strides = array<i32>} : memref<512x32xf32, #tpu.memory_space<vmem>>, vector<1x16xf32>,
        %parallel_loop3A_184 = vector.shape_cast %parallel_loop3A_183 : vector<1x16xf32> to vector<16xf32>
        %parallel_loop3A_185 = vector.shape_cast %parallel_loop3A_178 : vector<16xf32> to vector<1x16xf32>
        tpu.vector_store %arg8[%parallel_loop3A_181, %parallel_loop3A_182], %parallel_loop3A_185 {strides = array<i32>} : memref<512x32xf32, #tpu.memory_space<vmem>>, vector<1x16xf32>,
        %parallel_loop3A_186 = vector.extract_strided_slice %parallel_loop3A_161 {offsets = [1], sizes = [1], strides = [1]} : vector<16xi32> to vector<1xi32>
        %parallel_loop3A_187 = vector.extract %parallel_loop3A_186[0] : i32 from vector<1xi32>
        %parallel_loop3A_188 = arith.index_cast %parallel_loop3A_187 : i32 to index
        %parallel_loop3A_189 = arith.constant 0 : index
        %parallel_loop3A_190 = tpu.vector_load %arg5[%parallel_loop3A_188, %parallel_loop3A_189] {strides = array<i32>} : memref<2304x32xf32, #tpu.memory_space<vmem>>, vector<1x16xf32>,
        %parallel_loop3A_191 = vector.shape_cast %parallel_loop3A_190 : vector<1x16xf32> to vector<16xf32>
        %parallel_loop3A_192 = arith.constant 1 : i32
        %parallel_loop3A_193 = arith.addi %parallel_loop3A_151, %parallel_loop3A_192 : i32
        %parallel_loop3A_194 = arith.index_cast %parallel_loop3A_193 : i32 to index
        %parallel_loop3A_195 = arith.constant 0 : index
        %parallel_loop3A_196 = tpu.vector_load %arg8[%parallel_loop3A_194, %parallel_loop3A_195] {strides = array<i32>} : memref<512x32xf32, #tpu.memory_space<vmem>>, vector<1x16xf32>,
        %parallel_loop3A_197 = vector.shape_cast %parallel_loop3A_196 : vector<1x16xf32> to vector<16xf32>
        %parallel_loop3A_198 = vector.shape_cast %parallel_loop3A_191 : vector<16xf32> to vector<1x16xf32>
        tpu.vector_store %arg8[%parallel_loop3A_194, %parallel_loop3A_195], %parallel_loop3A_198 {strides = array<i32>} : memref<512x32xf32, #tpu.memory_space<vmem>>, vector<1x16xf32>,
        %parallel_loop3A_199 = arith.index_cast %parallel_loop3A_187 : i32 to index
        %parallel_loop3A_200 = arith.constant 16 : index
        %parallel_loop3A_201 = tpu.vector_load %arg5[%parallel_loop3A_199, %parallel_loop3A_200] {strides = array<i32>} : memref<2304x32xf32, #tpu.memory_space<vmem>>, vector<1x16xf32>,
        %parallel_loop3A_202 = vector.shape_cast %parallel_loop3A_201 : vector<1x16xf32> to vector<16xf32>
        %parallel_loop3A_203 = arith.constant 1 : i32
        %parallel_loop3A_204 = arith.addi %parallel_loop3A_151, %parallel_loop3A_203 : i32
        %parallel_loop3A_205 = arith.index_cast %parallel_loop3A_204 : i32 to index
        %parallel_loop3A_206 = arith.constant 16 : index
        %parallel_loop3A_207 = tpu.vector_load %arg8[%parallel_loop3A_205, %parallel_loop3A_206] {strides = array<i32>} : memref<512x32xf32, #tpu.memory_space<vmem>>, vector<1x16xf32>,
        %parallel_loop3A_208 = vector.shape_cast %parallel_loop3A_207 : vector<1x16xf32> to vector<16xf32>
        %parallel_loop3A_209 = vector.shape_cast %parallel_loop3A_202 : vector<16xf32> to vector<1x16xf32>
        tpu.vector_store %arg8[%parallel_loop3A_205, %parallel_loop3A_206], %parallel_loop3A_209 {strides = array<i32>} : memref<512x32xf32, #tpu.memory_space<vmem>>, vector<1x16xf32>,
        %parallel_loop3A_210 = vector.extract_strided_slice %parallel_loop3A_161 {offsets = [2], sizes = [1], strides = [1]} : vector<16xi32> to vector<1xi32>
        %parallel_loop3A_211 = vector.extract %parallel_loop3A_210[0] : i32 from vector<1xi32>
        %parallel_loop3A_212 = arith.index_cast %parallel_loop3A_211 : i32 to index
        %parallel_loop3A_213 = arith.constant 0 : index
        %parallel_loop3A_214 = tpu.vector_load %arg5[%parallel_loop3A_212, %parallel_loop3A_213] {strides = array<i32>} : memref<2304x32xf32, #tpu.memory_space<vmem>>, vector<1x16xf32>,
        %parallel_loop3A_215 = vector.shape_cast %parallel_loop3A_214 : vector<1x16xf32> to vector<16xf32>
        %parallel_loop3A_216 = arith.constant 2 : i32
        %parallel_loop3A_217 = arith.addi %parallel_loop3A_151, %parallel_loop3A_216 : i32
        %parallel_loop3A_218 = arith.index_cast %parallel_loop3A_217 : i32 to index
        %parallel_loop3A_219 = arith.constant 0 : index
        %parallel_loop3A_220 = tpu.vector_load %arg8[%parallel_loop3A_218, %parallel_loop3A_219] {strides = array<i32>} : memref<512x32xf32, #tpu.memory_space<vmem>>, vector<1x16xf32>,
        %parallel_loop3A_221 = vector.shape_cast %parallel_loop3A_220 : vector<1x16xf32> to vector<16xf32>
        %parallel_loop3A_222 = vector.shape_cast %parallel_loop3A_215 : vector<16xf32> to vector<1x16xf32>
        tpu.vector_store %arg8[%parallel_loop3A_218, %parallel_loop3A_219], %parallel_loop3A_222 {strides = array<i32>} : memref<512x32xf32, #tpu.memory_space<vmem>>, vector<1x16xf32>,
        %parallel_loop3A_223 = arith.index_cast %parallel_loop3A_211 : i32 to index
        %parallel_loop3A_224 = arith.constant 16 : index
        %parallel_loop3A_225 = tpu.vector_load %arg5[%parallel_loop3A_223, %parallel_loop3A_224] {strides = array<i32>} : memref<2304x32xf32, #tpu.memory_space<vmem>>, vector<1x16xf32>,
        %parallel_loop3A_226 = vector.shape_cast %parallel_loop3A_225 : vector<1x16xf32> to vector<16xf32>
        %parallel_loop3A_227 = arith.constant 2 : i32
        %parallel_loop3A_228 = arith.addi %parallel_loop3A_151, %parallel_loop3A_227 : i32
        %parallel_loop3A_229 = arith.index_cast %parallel_loop3A_228 : i32 to index
        %parallel_loop3A_230 = arith.constant 16 : index
        %parallel_loop3A_231 = tpu.vector_load %arg8[%parallel_loop3A_229, %parallel_loop3A_230] {strides = array<i32>} : memref<512x32xf32, #tpu.memory_space<vmem>>, vector<1x16xf32>,
        %parallel_loop3A_232 = vector.shape_cast %parallel_loop3A_231 : vector<1x16xf32> to vector<16xf32>
        %parallel_loop3A_233 = vector.shape_cast %parallel_loop3A_226 : vector<16xf32> to vector<1x16xf32>
        tpu.vector_store %arg8[%parallel_loop3A_229, %parallel_loop3A_230], %parallel_loop3A_233 {strides = array<i32>} : memref<512x32xf32, #tpu.memory_space<vmem>>, vector<1x16xf32>,
        %parallel_loop3A_234 = vector.extract_strided_slice %parallel_loop3A_161 {offsets = [3], sizes = [1], strides = [1]} : vector<16xi32> to vector<1xi32>
        %parallel_loop3A_235 = vector.extract %parallel_loop3A_234[0] : i32 from vector<1xi32>
        %parallel_loop3A_236 = arith.index_cast %parallel_loop3A_235 : i32 to index
        %parallel_loop3A_237 = arith.constant 0 : index
        %parallel_loop3A_238 = tpu.vector_load %arg5[%parallel_loop3A_236, %parallel_loop3A_237] {strides = array<i32>} : memref<2304x32xf32, #tpu.memory_space<vmem>>, vector<1x16xf32>,
        %parallel_loop3A_239 = vector.shape_cast %parallel_loop3A_238 : vector<1x16xf32> to vector<16xf32>
        %parallel_loop3A_240 = arith.constant 3 : i32
        %parallel_loop3A_241 = arith.addi %parallel_loop3A_151, %parallel_loop3A_240 : i32
        %parallel_loop3A_242 = arith.index_cast %parallel_loop3A_241 : i32 to index
        %parallel_loop3A_243 = arith.constant 0 : index
        %parallel_loop3A_244 = tpu.vector_load %arg8[%parallel_loop3A_242, %parallel_loop3A_243] {strides = array<i32>} : memref<512x32xf32, #tpu.memory_space<vmem>>, vector<1x16xf32>,
        %parallel_loop3A_245 = vector.shape_cast %parallel_loop3A_244 : vector<1x16xf32> to vector<16xf32>
        %parallel_loop3A_246 = vector.shape_cast %parallel_loop3A_239 : vector<16xf32> to vector<1x16xf32>
        tpu.vector_store %arg8[%parallel_loop3A_242, %parallel_loop3A_243], %parallel_loop3A_246 {strides = array<i32>} : memref<512x32xf32, #tpu.memory_space<vmem>>, vector<1x16xf32>,
        %parallel_loop3A_247 = arith.index_cast %parallel_loop3A_235 : i32 to index
        %parallel_loop3A_248 = arith.constant 16 : index
        %parallel_loop3A_249 = tpu.vector_load %arg5[%parallel_loop3A_247, %parallel_loop3A_248] {strides = array<i32>} : memref<2304x32xf32, #tpu.memory_space<vmem>>, vector<1x16xf32>,
        %parallel_loop3A_250 = vector.shape_cast %parallel_loop3A_249 : vector<1x16xf32> to vector<16xf32>
        %parallel_loop3A_251 = arith.constant 3 : i32
        %parallel_loop3A_252 = arith.addi %parallel_loop3A_151, %parallel_loop3A_251 : i32
        %parallel_loop3A_253 = arith.index_cast %parallel_loop3A_252 : i32 to index
        %parallel_loop3A_254 = arith.constant 16 : index
        %parallel_loop3A_255 = tpu.vector_load %arg8[%parallel_loop3A_253, %parallel_loop3A_254] {strides = array<i32>} : memref<512x32xf32, #tpu.memory_space<vmem>>, vector<1x16xf32>,
        %parallel_loop3A_256 = vector.shape_cast %parallel_loop3A_255 : vector<1x16xf32> to vector<16xf32>
        %parallel_loop3A_257 = vector.shape_cast %parallel_loop3A_250 : vector<16xf32> to vector<1x16xf32>
        tpu.vector_store %arg8[%parallel_loop3A_253, %parallel_loop3A_254], %parallel_loop3A_257 {strides = array<i32>} : memref<512x32xf32, #tpu.memory_space<vmem>>, vector<1x16xf32>,
        %parallel_loop3A_258 = vector.extract_strided_slice %parallel_loop3A_161 {offsets = [4], sizes = [1], strides = [1]} : vector<16xi32> to vector<1xi32>
        %parallel_loop3A_259 = vector.extract %parallel_loop3A_258[0] : i32 from vector<1xi32>
        %parallel_loop3A_260 = arith.index_cast %parallel_loop3A_259 : i32 to index
        %parallel_loop3A_261 = arith.constant 0 : index
        %parallel_loop3A_262 = tpu.vector_load %arg5[%parallel_loop3A_260, %parallel_loop3A_261] {strides = array<i32>} : memref<2304x32xf32, #tpu.memory_space<vmem>>, vector<1x16xf32>,
        %parallel_loop3A_263 = vector.shape_cast %parallel_loop3A_262 : vector<1x16xf32> to vector<16xf32>
        %parallel_loop3A_264 = arith.constant 4 : i32
        %parallel_loop3A_265 = arith.addi %parallel_loop3A_151, %parallel_loop3A_264 : i32
        %parallel_loop3A_266 = arith.index_cast %parallel_loop3A_265 : i32 to index
        %parallel_loop3A_267 = arith.constant 0 : index
        %parallel_loop3A_268 = tpu.vector_load %arg8[%parallel_loop3A_266, %parallel_loop3A_267] {strides = array<i32>} : memref<512x32xf32, #tpu.memory_space<vmem>>, vector<1x16xf32>,
        %parallel_loop3A_269 = vector.shape_cast %parallel_loop3A_268 : vector<1x16xf32> to vector<16xf32>
        %parallel_loop3A_270 = vector.shape_cast %parallel_loop3A_263 : vector<16xf32> to vector<1x16xf32>
        tpu.vector_store %arg8[%parallel_loop3A_266, %parallel_loop3A_267], %parallel_loop3A_270 {strides = array<i32>} : memref<512x32xf32, #tpu.memory_space<vmem>>, vector<1x16xf32>,
        %parallel_loop3A_271 = arith.index_cast %parallel_loop3A_259 : i32 to index
        %parallel_loop3A_272 = arith.constant 16 : index
        %parallel_loop3A_273 = tpu.vector_load %arg5[%parallel_loop3A_271, %parallel_loop3A_272] {strides = array<i32>} : memref<2304x32xf32, #tpu.memory_space<vmem>>, vector<1x16xf32>,
        %parallel_loop3A_274 = vector.shape_cast %parallel_loop3A_273 : vector<1x16xf32> to vector<16xf32>
        %parallel_loop3A_275 = arith.constant 4 : i32
        %parallel_loop3A_276 = arith.addi %parallel_loop3A_151, %parallel_loop3A_275 : i32
        %parallel_loop3A_277 = arith.index_cast %parallel_loop3A_276 : i32 to index
        %parallel_loop3A_278 = arith.constant 16 : index
        %parallel_loop3A_279 = tpu.vector_load %arg8[%parallel_loop3A_277, %parallel_loop3A_278] {strides = array<i32>} : memref<512x32xf32, #tpu.memory_space<vmem>>, vector<1x16xf32>,
        %parallel_loop3A_280 = vector.shape_cast %parallel_loop3A_279 : vector<1x16xf32> to vector<16xf32>
        %parallel_loop3A_281 = vector.shape_cast %parallel_loop3A_274 : vector<16xf32> to vector<1x16xf32>
        tpu.vector_store %arg8[%parallel_loop3A_277, %parallel_loop3A_278], %parallel_loop3A_281 {strides = array<i32>} : memref<512x32xf32, #tpu.memory_space<vmem>>, vector<1x16xf32>,
        %parallel_loop3A_282 = vector.extract_strided_slice %parallel_loop3A_161 {offsets = [5], sizes = [1], strides = [1]} : vector<16xi32> to vector<1xi32>
        %parallel_loop3A_283 = vector.extract %parallel_loop3A_282[0] : i32 from vector<1xi32>
        %parallel_loop3A_284 = arith.index_cast %parallel_loop3A_283 : i32 to index
        %parallel_loop3A_285 = arith.constant 0 : index
        %parallel_loop3A_286 = tpu.vector_load %arg5[%parallel_loop3A_284, %parallel_loop3A_285] {strides = array<i32>} : memref<2304x32xf32, #tpu.memory_space<vmem>>, vector<1x16xf32>,
        %parallel_loop3A_287 = vector.shape_cast %parallel_loop3A_286 : vector<1x16xf32> to vector<16xf32>
        %parallel_loop3A_288 = arith.constant 5 : i32
        %parallel_loop3A_289 = arith.addi %parallel_loop3A_151, %parallel_loop3A_288 : i32
        %parallel_loop3A_290 = arith.index_cast %parallel_loop3A_289 : i32 to index
        %parallel_loop3A_291 = arith.constant 0 : index
        %parallel_loop3A_292 = tpu.vector_load %arg8[%parallel_loop3A_290, %parallel_loop3A_291] {strides = array<i32>} : memref<512x32xf32, #tpu.memory_space<vmem>>, vector<1x16xf32>,
        %parallel_loop3A_293 = vector.shape_cast %parallel_loop3A_292 : vector<1x16xf32> to vector<16xf32>
        %parallel_loop3A_294 = vector.shape_cast %parallel_loop3A_287 : vector<16xf32> to vector<1x16xf32>
        tpu.vector_store %arg8[%parallel_loop3A_290, %parallel_loop3A_291], %parallel_loop3A_294 {strides = array<i32>} : memref<512x32xf32, #tpu.memory_space<vmem>>, vector<1x16xf32>,
        %parallel_loop3A_295 = arith.index_cast %parallel_loop3A_283 : i32 to index
        %parallel_loop3A_296 = arith.constant 16 : index
        %parallel_loop3A_297 = tpu.vector_load %arg5[%parallel_loop3A_295, %parallel_loop3A_296] {strides = array<i32>} : memref<2304x32xf32, #tpu.memory_space<vmem>>, vector<1x16xf32>,
        %parallel_loop3A_298 = vector.shape_cast %parallel_loop3A_297 : vector<1x16xf32> to vector<16xf32>
        %parallel_loop3A_299 = arith.constant 5 : i32
        %parallel_loop3A_300 = arith.addi %parallel_loop3A_151, %parallel_loop3A_299 : i32
        %parallel_loop3A_301 = arith.index_cast %parallel_loop3A_300 : i32 to index
        %parallel_loop3A_302 = arith.constant 16 : index
        %parallel_loop3A_303 = tpu.vector_load %arg8[%parallel_loop3A_301, %parallel_loop3A_302] {strides = array<i32>} : memref<512x32xf32, #tpu.memory_space<vmem>>, vector<1x16xf32>,
        %parallel_loop3A_304 = vector.shape_cast %parallel_loop3A_303 : vector<1x16xf32> to vector<16xf32>
        %parallel_loop3A_305 = vector.shape_cast %parallel_loop3A_298 : vector<16xf32> to vector<1x16xf32>
        tpu.vector_store %arg8[%parallel_loop3A_301, %parallel_loop3A_302], %parallel_loop3A_305 {strides = array<i32>} : memref<512x32xf32, #tpu.memory_space<vmem>>, vector<1x16xf32>,
        %parallel_loop3A_306 = vector.extract_strided_slice %parallel_loop3A_161 {offsets = [6], sizes = [1], strides = [1]} : vector<16xi32> to vector<1xi32>
        %parallel_loop3A_307 = vector.extract %parallel_loop3A_306[0] : i32 from vector<1xi32>
        %parallel_loop3A_308 = arith.index_cast %parallel_loop3A_307 : i32 to index
        %parallel_loop3A_309 = arith.constant 0 : index
        %parallel_loop3A_310 = tpu.vector_load %arg5[%parallel_loop3A_308, %parallel_loop3A_309] {strides = array<i32>} : memref<2304x32xf32, #tpu.memory_space<vmem>>, vector<1x16xf32>,
        %parallel_loop3A_311 = vector.shape_cast %parallel_loop3A_310 : vector<1x16xf32> to vector<16xf32>
        %parallel_loop3A_312 = arith.constant 6 : i32
        %parallel_loop3A_313 = arith.addi %parallel_loop3A_151, %parallel_loop3A_312 : i32
        %parallel_loop3A_314 = arith.index_cast %parallel_loop3A_313 : i32 to index
        %parallel_loop3A_315 = arith.constant 0 : index
        %parallel_loop3A_316 = tpu.vector_load %arg8[%parallel_loop3A_314, %parallel_loop3A_315] {strides = array<i32>} : memref<512x32xf32, #tpu.memory_space<vmem>>, vector<1x16xf32>,
        %parallel_loop3A_317 = vector.shape_cast %parallel_loop3A_316 : vector<1x16xf32> to vector<16xf32>
        %parallel_loop3A_318 = vector.shape_cast %parallel_loop3A_311 : vector<16xf32> to vector<1x16xf32>
        tpu.vector_store %arg8[%parallel_loop3A_314, %parallel_loop3A_315], %parallel_loop3A_318 {strides = array<i32>} : memref<512x32xf32, #tpu.memory_space<vmem>>, vector<1x16xf32>,
        %parallel_loop3A_319 = arith.index_cast %parallel_loop3A_307 : i32 to index
        %parallel_loop3A_320 = arith.constant 16 : index
        %parallel_loop3A_321 = tpu.vector_load %arg5[%parallel_loop3A_319, %parallel_loop3A_320] {strides = array<i32>} : memref<2304x32xf32, #tpu.memory_space<vmem>>, vector<1x16xf32>,
        %parallel_loop3A_322 = vector.shape_cast %parallel_loop3A_321 : vector<1x16xf32> to vector<16xf32>
        %parallel_loop3A_323 = arith.constant 6 : i32
        %parallel_loop3A_324 = arith.addi %parallel_loop3A_151, %parallel_loop3A_323 : i32
        %parallel_loop3A_325 = arith.index_cast %parallel_loop3A_324 : i32 to index
        %parallel_loop3A_326 = arith.constant 16 : index
        %parallel_loop3A_327 = tpu.vector_load %arg8[%parallel_loop3A_325, %parallel_loop3A_326] {strides = array<i32>} : memref<512x32xf32, #tpu.memory_space<vmem>>, vector<1x16xf32>,
        %parallel_loop3A_328 = vector.shape_cast %parallel_loop3A_327 : vector<1x16xf32> to vector<16xf32>
        %parallel_loop3A_329 = vector.shape_cast %parallel_loop3A_322 : vector<16xf32> to vector<1x16xf32>
        tpu.vector_store %arg8[%parallel_loop3A_325, %parallel_loop3A_326], %parallel_loop3A_329 {strides = array<i32>} : memref<512x32xf32, #tpu.memory_space<vmem>>, vector<1x16xf32>,
        %parallel_loop3A_330 = vector.extract_strided_slice %parallel_loop3A_161 {offsets = [7], sizes = [1], strides = [1]} : vector<16xi32> to vector<1xi32>
        %parallel_loop3A_331 = vector.extract %parallel_loop3A_330[0] : i32 from vector<1xi32>
        %parallel_loop3A_332 = arith.index_cast %parallel_loop3A_331 : i32 to index
        %parallel_loop3A_333 = arith.constant 0 : index
        %parallel_loop3A_334 = tpu.vector_load %arg5[%parallel_loop3A_332, %parallel_loop3A_333] {strides = array<i32>} : memref<2304x32xf32, #tpu.memory_space<vmem>>, vector<1x16xf32>,
        %parallel_loop3A_335 = vector.shape_cast %parallel_loop3A_334 : vector<1x16xf32> to vector<16xf32>
        %parallel_loop3A_336 = arith.constant 7 : i32
        %parallel_loop3A_337 = arith.addi %parallel_loop3A_151, %parallel_loop3A_336 : i32
        %parallel_loop3A_338 = arith.index_cast %parallel_loop3A_337 : i32 to index
        %parallel_loop3A_339 = arith.constant 0 : index
        %parallel_loop3A_340 = tpu.vector_load %arg8[%parallel_loop3A_338, %parallel_loop3A_339] {strides = array<i32>} : memref<512x32xf32, #tpu.memory_space<vmem>>, vector<1x16xf32>,
        %parallel_loop3A_341 = vector.shape_cast %parallel_loop3A_340 : vector<1x16xf32> to vector<16xf32>
        %parallel_loop3A_342 = vector.shape_cast %parallel_loop3A_335 : vector<16xf32> to vector<1x16xf32>
        tpu.vector_store %arg8[%parallel_loop3A_338, %parallel_loop3A_339], %parallel_loop3A_342 {strides = array<i32>} : memref<512x32xf32, #tpu.memory_space<vmem>>, vector<1x16xf32>,
        %parallel_loop3A_343 = arith.index_cast %parallel_loop3A_331 : i32 to index
        %parallel_loop3A_344 = arith.constant 16 : index
        %parallel_loop3A_345 = tpu.vector_load %arg5[%parallel_loop3A_343, %parallel_loop3A_344] {strides = array<i32>} : memref<2304x32xf32, #tpu.memory_space<vmem>>, vector<1x16xf32>,
        %parallel_loop3A_346 = vector.shape_cast %parallel_loop3A_345 : vector<1x16xf32> to vector<16xf32>
        %parallel_loop3A_347 = arith.constant 7 : i32
        %parallel_loop3A_348 = arith.addi %parallel_loop3A_151, %parallel_loop3A_347 : i32
        %parallel_loop3A_349 = arith.index_cast %parallel_loop3A_348 : i32 to index
        %parallel_loop3A_350 = arith.constant 16 : index
        %parallel_loop3A_351 = tpu.vector_load %arg8[%parallel_loop3A_349, %parallel_loop3A_350] {strides = array<i32>} : memref<512x32xf32, #tpu.memory_space<vmem>>, vector<1x16xf32>,
        %parallel_loop3A_352 = vector.shape_cast %parallel_loop3A_351 : vector<1x16xf32> to vector<16xf32>
        %parallel_loop3A_353 = vector.shape_cast %parallel_loop3A_346 : vector<16xf32> to vector<1x16xf32>
        tpu.vector_store %arg8[%parallel_loop3A_349, %parallel_loop3A_350], %parallel_loop3A_353 {strides = array<i32>} : memref<512x32xf32, #tpu.memory_space<vmem>>, vector<1x16xf32>,
        %parallel_loop3A_354 = vector.extract_strided_slice %parallel_loop3A_161 {offsets = [8], sizes = [1], strides = [1]} : vector<16xi32> to vector<1xi32>
        %parallel_loop3A_355 = vector.extract %parallel_loop3A_354[0] : i32 from vector<1xi32>
        %parallel_loop3A_356 = arith.index_cast %parallel_loop3A_355 : i32 to index
        %parallel_loop3A_357 = arith.constant 0 : index
        %parallel_loop3A_358 = tpu.vector_load %arg5[%parallel_loop3A_356, %parallel_loop3A_357] {strides = array<i32>} : memref<2304x32xf32, #tpu.memory_space<vmem>>, vector<1x16xf32>,
        %parallel_loop3A_359 = vector.shape_cast %parallel_loop3A_358 : vector<1x16xf32> to vector<16xf32>
        %parallel_loop3A_360 = arith.constant 8 : i32
        %parallel_loop3A_361 = arith.addi %parallel_loop3A_151, %parallel_loop3A_360 : i32
        %parallel_loop3A_362 = arith.index_cast %parallel_loop3A_361 : i32 to index
        %parallel_loop3A_363 = arith.constant 0 : index
        %parallel_loop3A_364 = tpu.vector_load %arg8[%parallel_loop3A_362, %parallel_loop3A_363] {strides = array<i32>} : memref<512x32xf32, #tpu.memory_space<vmem>>, vector<1x16xf32>,
        %parallel_loop3A_365 = vector.shape_cast %parallel_loop3A_364 : vector<1x16xf32> to vector<16xf32>
        %parallel_loop3A_366 = vector.shape_cast %parallel_loop3A_359 : vector<16xf32> to vector<1x16xf32>
        tpu.vector_store %arg8[%parallel_loop3A_362, %parallel_loop3A_363], %parallel_loop3A_366 {strides = array<i32>} : memref<512x32xf32, #tpu.memory_space<vmem>>, vector<1x16xf32>,
        %parallel_loop3A_367 = arith.index_cast %parallel_loop3A_355 : i32 to index
        %parallel_loop3A_368 = arith.constant 16 : index
        %parallel_loop3A_369 = tpu.vector_load %arg5[%parallel_loop3A_367, %parallel_loop3A_368] {strides = array<i32>} : memref<2304x32xf32, #tpu.memory_space<vmem>>, vector<1x16xf32>,
        %parallel_loop3A_370 = vector.shape_cast %parallel_loop3A_369 : vector<1x16xf32> to vector<16xf32>
        %parallel_loop3A_371 = arith.constant 8 : i32
        %parallel_loop3A_372 = arith.addi %parallel_loop3A_151, %parallel_loop3A_371 : i32
        %parallel_loop3A_373 = arith.index_cast %parallel_loop3A_372 : i32 to index
        %parallel_loop3A_374 = arith.constant 16 : index
        %parallel_loop3A_375 = tpu.vector_load %arg8[%parallel_loop3A_373, %parallel_loop3A_374] {strides = array<i32>} : memref<512x32xf32, #tpu.memory_space<vmem>>, vector<1x16xf32>,
        %parallel_loop3A_376 = vector.shape_cast %parallel_loop3A_375 : vector<1x16xf32> to vector<16xf32>
        %parallel_loop3A_377 = vector.shape_cast %parallel_loop3A_370 : vector<16xf32> to vector<1x16xf32>
        tpu.vector_store %arg8[%parallel_loop3A_373, %parallel_loop3A_374], %parallel_loop3A_377 {strides = array<i32>} : memref<512x32xf32, #tpu.memory_space<vmem>>, vector<1x16xf32>,
        %parallel_loop3A_378 = vector.extract_strided_slice %parallel_loop3A_161 {offsets = [9], sizes = [1], strides = [1]} : vector<16xi32> to vector<1xi32>
        %parallel_loop3A_379 = vector.extract %parallel_loop3A_378[0] : i32 from vector<1xi32>
        %parallel_loop3A_380 = arith.index_cast %parallel_loop3A_379 : i32 to index
        %parallel_loop3A_381 = arith.constant 0 : index
        %parallel_loop3A_382 = tpu.vector_load %arg5[%parallel_loop3A_380, %parallel_loop3A_381] {strides = array<i32>} : memref<2304x32xf32, #tpu.memory_space<vmem>>, vector<1x16xf32>,
        %parallel_loop3A_383 = vector.shape_cast %parallel_loop3A_382 : vector<1x16xf32> to vector<16xf32>
        %parallel_loop3A_384 = arith.constant 9 : i32
        %parallel_loop3A_385 = arith.addi %parallel_loop3A_151, %parallel_loop3A_384 : i32
        %parallel_loop3A_386 = arith.index_cast %parallel_loop3A_385 : i32 to index
        %parallel_loop3A_387 = arith.constant 0 : index
        %parallel_loop3A_388 = tpu.vector_load %arg8[%parallel_loop3A_386, %parallel_loop3A_387] {strides = array<i32>} : memref<512x32xf32, #tpu.memory_space<vmem>>, vector<1x16xf32>,
        %parallel_loop3A_389 = vector.shape_cast %parallel_loop3A_388 : vector<1x16xf32> to vector<16xf32>
        %parallel_loop3A_390 = vector.shape_cast %parallel_loop3A_383 : vector<16xf32> to vector<1x16xf32>
        tpu.vector_store %arg8[%parallel_loop3A_386, %parallel_loop3A_387], %parallel_loop3A_390 {strides = array<i32>} : memref<512x32xf32, #tpu.memory_space<vmem>>, vector<1x16xf32>,
        %parallel_loop3A_391 = arith.index_cast %parallel_loop3A_379 : i32 to index
        %parallel_loop3A_392 = arith.constant 16 : index
        %parallel_loop3A_393 = tpu.vector_load %arg5[%parallel_loop3A_391, %parallel_loop3A_392] {strides = array<i32>} : memref<2304x32xf32, #tpu.memory_space<vmem>>, vector<1x16xf32>,
        %parallel_loop3A_394 = vector.shape_cast %parallel_loop3A_393 : vector<1x16xf32> to vector<16xf32>
        %parallel_loop3A_395 = arith.constant 9 : i32
        %parallel_loop3A_396 = arith.addi %parallel_loop3A_151, %parallel_loop3A_395 : i32
        %parallel_loop3A_397 = arith.index_cast %parallel_loop3A_396 : i32 to index
        %parallel_loop3A_398 = arith.constant 16 : index
        %parallel_loop3A_399 = tpu.vector_load %arg8[%parallel_loop3A_397, %parallel_loop3A_398] {strides = array<i32>} : memref<512x32xf32, #tpu.memory_space<vmem>>, vector<1x16xf32>,
        %parallel_loop3A_400 = vector.shape_cast %parallel_loop3A_399 : vector<1x16xf32> to vector<16xf32>
        %parallel_loop3A_401 = vector.shape_cast %parallel_loop3A_394 : vector<16xf32> to vector<1x16xf32>
        tpu.vector_store %arg8[%parallel_loop3A_397, %parallel_loop3A_398], %parallel_loop3A_401 {strides = array<i32>} : memref<512x32xf32, #tpu.memory_space<vmem>>, vector<1x16xf32>,
        %parallel_loop3A_402 = vector.extract_strided_slice %parallel_loop3A_161 {offsets = [10], sizes = [1], strides = [1]} : vector<16xi32> to vector<1xi32>
        %parallel_loop3A_403 = vector.extract %parallel_loop3A_402[0] : i32 from vector<1xi32>
        %parallel_loop3A_404 = arith.index_cast %parallel_loop3A_403 : i32 to index
        %parallel_loop3A_405 = arith.constant 0 : index
        %parallel_loop3A_406 = tpu.vector_load %arg5[%parallel_loop3A_404, %parallel_loop3A_405] {strides = array<i32>} : memref<2304x32xf32, #tpu.memory_space<vmem>>, vector<1x16xf32>,
        %parallel_loop3A_407 = vector.shape_cast %parallel_loop3A_406 : vector<1x16xf32> to vector<16xf32>
        %parallel_loop3A_408 = arith.constant 10 : i32
        %parallel_loop3A_409 = arith.addi %parallel_loop3A_151, %parallel_loop3A_408 : i32
        %parallel_loop3A_410 = arith.index_cast %parallel_loop3A_409 : i32 to index
        %parallel_loop3A_411 = arith.constant 0 : index
        %parallel_loop3A_412 = tpu.vector_load %arg8[%parallel_loop3A_410, %parallel_loop3A_411] {strides = array<i32>} : memref<512x32xf32, #tpu.memory_space<vmem>>, vector<1x16xf32>,
        %parallel_loop3A_413 = vector.shape_cast %parallel_loop3A_412 : vector<1x16xf32> to vector<16xf32>
        %parallel_loop3A_414 = vector.shape_cast %parallel_loop3A_407 : vector<16xf32> to vector<1x16xf32>
        tpu.vector_store %arg8[%parallel_loop3A_410, %parallel_loop3A_411], %parallel_loop3A_414 {strides = array<i32>} : memref<512x32xf32, #tpu.memory_space<vmem>>, vector<1x16xf32>,
        %parallel_loop3A_415 = arith.index_cast %parallel_loop3A_403 : i32 to index
        %parallel_loop3A_416 = arith.constant 16 : index
        %parallel_loop3A_417 = tpu.vector_load %arg5[%parallel_loop3A_415, %parallel_loop3A_416] {strides = array<i32>} : memref<2304x32xf32, #tpu.memory_space<vmem>>, vector<1x16xf32>,
        %parallel_loop3A_418 = vector.shape_cast %parallel_loop3A_417 : vector<1x16xf32> to vector<16xf32>
        %parallel_loop3A_419 = arith.constant 10 : i32
        %parallel_loop3A_420 = arith.addi %parallel_loop3A_151, %parallel_loop3A_419 : i32
        %parallel_loop3A_421 = arith.index_cast %parallel_loop3A_420 : i32 to index
        %parallel_loop3A_422 = arith.constant 16 : index
        %parallel_loop3A_423 = tpu.vector_load %arg8[%parallel_loop3A_421, %parallel_loop3A_422] {strides = array<i32>} : memref<512x32xf32, #tpu.memory_space<vmem>>, vector<1x16xf32>,
        %parallel_loop3A_424 = vector.shape_cast %parallel_loop3A_423 : vector<1x16xf32> to vector<16xf32>
        %parallel_loop3A_425 = vector.shape_cast %parallel_loop3A_418 : vector<16xf32> to vector<1x16xf32>
        tpu.vector_store %arg8[%parallel_loop3A_421, %parallel_loop3A_422], %parallel_loop3A_425 {strides = array<i32>} : memref<512x32xf32, #tpu.memory_space<vmem>>, vector<1x16xf32>,
        %parallel_loop3A_426 = vector.extract_strided_slice %parallel_loop3A_161 {offsets = [11], sizes = [1], strides = [1]} : vector<16xi32> to vector<1xi32>
        %parallel_loop3A_427 = vector.extract %parallel_loop3A_426[0] : i32 from vector<1xi32>
        %parallel_loop3A_428 = arith.index_cast %parallel_loop3A_427 : i32 to index
        %parallel_loop3A_429 = arith.constant 0 : index
        %parallel_loop3A_430 = tpu.vector_load %arg5[%parallel_loop3A_428, %parallel_loop3A_429] {strides = array<i32>} : memref<2304x32xf32, #tpu.memory_space<vmem>>, vector<1x16xf32>,
        %parallel_loop3A_431 = vector.shape_cast %parallel_loop3A_430 : vector<1x16xf32> to vector<16xf32>
        %parallel_loop3A_432 = arith.constant 11 : i32
        %parallel_loop3A_433 = arith.addi %parallel_loop3A_151, %parallel_loop3A_432 : i32
        %parallel_loop3A_434 = arith.index_cast %parallel_loop3A_433 : i32 to index
        %parallel_loop3A_435 = arith.constant 0 : index
        %parallel_loop3A_436 = tpu.vector_load %arg8[%parallel_loop3A_434, %parallel_loop3A_435] {strides = array<i32>} : memref<512x32xf32, #tpu.memory_space<vmem>>, vector<1x16xf32>,
        %parallel_loop3A_437 = vector.shape_cast %parallel_loop3A_436 : vector<1x16xf32> to vector<16xf32>
        %parallel_loop3A_438 = vector.shape_cast %parallel_loop3A_431 : vector<16xf32> to vector<1x16xf32>
        tpu.vector_store %arg8[%parallel_loop3A_434, %parallel_loop3A_435], %parallel_loop3A_438 {strides = array<i32>} : memref<512x32xf32, #tpu.memory_space<vmem>>, vector<1x16xf32>,
        %parallel_loop3A_439 = arith.index_cast %parallel_loop3A_427 : i32 to index
        %parallel_loop3A_440 = arith.constant 16 : index
        %parallel_loop3A_441 = tpu.vector_load %arg5[%parallel_loop3A_439, %parallel_loop3A_440] {strides = array<i32>} : memref<2304x32xf32, #tpu.memory_space<vmem>>, vector<1x16xf32>,
        %parallel_loop3A_442 = vector.shape_cast %parallel_loop3A_441 : vector<1x16xf32> to vector<16xf32>
        %parallel_loop3A_443 = arith.constant 11 : i32
        %parallel_loop3A_444 = arith.addi %parallel_loop3A_151, %parallel_loop3A_443 : i32
        %parallel_loop3A_445 = arith.index_cast %parallel_loop3A_444 : i32 to index
        %parallel_loop3A_446 = arith.constant 16 : index
        %parallel_loop3A_447 = tpu.vector_load %arg8[%parallel_loop3A_445, %parallel_loop3A_446] {strides = array<i32>} : memref<512x32xf32, #tpu.memory_space<vmem>>, vector<1x16xf32>,
        %parallel_loop3A_448 = vector.shape_cast %parallel_loop3A_447 : vector<1x16xf32> to vector<16xf32>
        %parallel_loop3A_449 = vector.shape_cast %parallel_loop3A_442 : vector<16xf32> to vector<1x16xf32>
        tpu.vector_store %arg8[%parallel_loop3A_445, %parallel_loop3A_446], %parallel_loop3A_449 {strides = array<i32>} : memref<512x32xf32, #tpu.memory_space<vmem>>, vector<1x16xf32>,
        %parallel_loop3A_450 = vector.extract_strided_slice %parallel_loop3A_161 {offsets = [12], sizes = [1], strides = [1]} : vector<16xi32> to vector<1xi32>
        %parallel_loop3A_451 = vector.extract %parallel_loop3A_450[0] : i32 from vector<1xi32>
        %parallel_loop3A_452 = arith.index_cast %parallel_loop3A_451 : i32 to index
        %parallel_loop3A_453 = arith.constant 0 : index
        %parallel_loop3A_454 = tpu.vector_load %arg5[%parallel_loop3A_452, %parallel_loop3A_453] {strides = array<i32>} : memref<2304x32xf32, #tpu.memory_space<vmem>>, vector<1x16xf32>,
        %parallel_loop3A_455 = vector.shape_cast %parallel_loop3A_454 : vector<1x16xf32> to vector<16xf32>
        %parallel_loop3A_456 = arith.constant 12 : i32
        %parallel_loop3A_457 = arith.addi %parallel_loop3A_151, %parallel_loop3A_456 : i32
        %parallel_loop3A_458 = arith.index_cast %parallel_loop3A_457 : i32 to index
        %parallel_loop3A_459 = arith.constant 0 : index
        %parallel_loop3A_460 = tpu.vector_load %arg8[%parallel_loop3A_458, %parallel_loop3A_459] {strides = array<i32>} : memref<512x32xf32, #tpu.memory_space<vmem>>, vector<1x16xf32>,
        %parallel_loop3A_461 = vector.shape_cast %parallel_loop3A_460 : vector<1x16xf32> to vector<16xf32>
        %parallel_loop3A_462 = vector.shape_cast %parallel_loop3A_455 : vector<16xf32> to vector<1x16xf32>
        tpu.vector_store %arg8[%parallel_loop3A_458, %parallel_loop3A_459], %parallel_loop3A_462 {strides = array<i32>} : memref<512x32xf32, #tpu.memory_space<vmem>>, vector<1x16xf32>,
        %parallel_loop3A_463 = arith.index_cast %parallel_loop3A_451 : i32 to index
        %parallel_loop3A_464 = arith.constant 16 : index
        %parallel_loop3A_465 = tpu.vector_load %arg5[%parallel_loop3A_463, %parallel_loop3A_464] {strides = array<i32>} : memref<2304x32xf32, #tpu.memory_space<vmem>>, vector<1x16xf32>,
        %parallel_loop3A_466 = vector.shape_cast %parallel_loop3A_465 : vector<1x16xf32> to vector<16xf32>
        %parallel_loop3A_467 = arith.constant 12 : i32
        %parallel_loop3A_468 = arith.addi %parallel_loop3A_151, %parallel_loop3A_467 : i32
        %parallel_loop3A_469 = arith.index_cast %parallel_loop3A_468 : i32 to index
        %parallel_loop3A_470 = arith.constant 16 : index
        %parallel_loop3A_471 = tpu.vector_load %arg8[%parallel_loop3A_469, %parallel_loop3A_470] {strides = array<i32>} : memref<512x32xf32, #tpu.memory_space<vmem>>, vector<1x16xf32>,
        %parallel_loop3A_472 = vector.shape_cast %parallel_loop3A_471 : vector<1x16xf32> to vector<16xf32>
        %parallel_loop3A_473 = vector.shape_cast %parallel_loop3A_466 : vector<16xf32> to vector<1x16xf32>
        tpu.vector_store %arg8[%parallel_loop3A_469, %parallel_loop3A_470], %parallel_loop3A_473 {strides = array<i32>} : memref<512x32xf32, #tpu.memory_space<vmem>>, vector<1x16xf32>,
        %parallel_loop3A_474 = vector.extract_strided_slice %parallel_loop3A_161 {offsets = [13], sizes = [1], strides = [1]} : vector<16xi32> to vector<1xi32>
        %parallel_loop3A_475 = vector.extract %parallel_loop3A_474[0] : i32 from vector<1xi32>
        %parallel_loop3A_476 = arith.index_cast %parallel_loop3A_475 : i32 to index
        %parallel_loop3A_477 = arith.constant 0 : index
        %parallel_loop3A_478 = tpu.vector_load %arg5[%parallel_loop3A_476, %parallel_loop3A_477] {strides = array<i32>} : memref<2304x32xf32, #tpu.memory_space<vmem>>, vector<1x16xf32>,
        %parallel_loop3A_479 = vector.shape_cast %parallel_loop3A_478 : vector<1x16xf32> to vector<16xf32>
        %parallel_loop3A_480 = arith.constant 13 : i32
        %parallel_loop3A_481 = arith.addi %parallel_loop3A_151, %parallel_loop3A_480 : i32
        %parallel_loop3A_482 = arith.index_cast %parallel_loop3A_481 : i32 to index
        %parallel_loop3A_483 = arith.constant 0 : index
        %parallel_loop3A_484 = tpu.vector_load %arg8[%parallel_loop3A_482, %parallel_loop3A_483] {strides = array<i32>} : memref<512x32xf32, #tpu.memory_space<vmem>>, vector<1x16xf32>,
        %parallel_loop3A_485 = vector.shape_cast %parallel_loop3A_484 : vector<1x16xf32> to vector<16xf32>
        %parallel_loop3A_486 = vector.shape_cast %parallel_loop3A_479 : vector<16xf32> to vector<1x16xf32>
        tpu.vector_store %arg8[%parallel_loop3A_482, %parallel_loop3A_483], %parallel_loop3A_486 {strides = array<i32>} : memref<512x32xf32, #tpu.memory_space<vmem>>, vector<1x16xf32>,
        %parallel_loop3A_487 = arith.index_cast %parallel_loop3A_475 : i32 to index
        %parallel_loop3A_488 = arith.constant 16 : index
        %parallel_loop3A_489 = tpu.vector_load %arg5[%parallel_loop3A_487, %parallel_loop3A_488] {strides = array<i32>} : memref<2304x32xf32, #tpu.memory_space<vmem>>, vector<1x16xf32>,
        %parallel_loop3A_490 = vector.shape_cast %parallel_loop3A_489 : vector<1x16xf32> to vector<16xf32>
        %parallel_loop3A_491 = arith.constant 13 : i32
        %parallel_loop3A_492 = arith.addi %parallel_loop3A_151, %parallel_loop3A_491 : i32
        %parallel_loop3A_493 = arith.index_cast %parallel_loop3A_492 : i32 to index
        %parallel_loop3A_494 = arith.constant 16 : index
        %parallel_loop3A_495 = tpu.vector_load %arg8[%parallel_loop3A_493, %parallel_loop3A_494] {strides = array<i32>} : memref<512x32xf32, #tpu.memory_space<vmem>>, vector<1x16xf32>,
        %parallel_loop3A_496 = vector.shape_cast %parallel_loop3A_495 : vector<1x16xf32> to vector<16xf32>
        %parallel_loop3A_497 = vector.shape_cast %parallel_loop3A_490 : vector<16xf32> to vector<1x16xf32>
        tpu.vector_store %arg8[%parallel_loop3A_493, %parallel_loop3A_494], %parallel_loop3A_497 {strides = array<i32>} : memref<512x32xf32, #tpu.memory_space<vmem>>, vector<1x16xf32>,
        %parallel_loop3A_498 = vector.extract_strided_slice %parallel_loop3A_161 {offsets = [14], sizes = [1], strides = [1]} : vector<16xi32> to vector<1xi32>
        %parallel_loop3A_499 = vector.extract %parallel_loop3A_498[0] : i32 from vector<1xi32>
        %parallel_loop3A_500 = arith.index_cast %parallel_loop3A_499 : i32 to index
        %parallel_loop3A_501 = arith.constant 0 : index
        %parallel_loop3A_502 = tpu.vector_load %arg5[%parallel_loop3A_500, %parallel_loop3A_501] {strides = array<i32>} : memref<2304x32xf32, #tpu.memory_space<vmem>>, vector<1x16xf32>,
        %parallel_loop3A_503 = vector.shape_cast %parallel_loop3A_502 : vector<1x16xf32> to vector<16xf32>
        %parallel_loop3A_504 = arith.constant 14 : i32
        %parallel_loop3A_505 = arith.addi %parallel_loop3A_151, %parallel_loop3A_504 : i32
        %parallel_loop3A_506 = arith.index_cast %parallel_loop3A_505 : i32 to index
        %parallel_loop3A_507 = arith.constant 0 : index
        %parallel_loop3A_508 = tpu.vector_load %arg8[%parallel_loop3A_506, %parallel_loop3A_507] {strides = array<i32>} : memref<512x32xf32, #tpu.memory_space<vmem>>, vector<1x16xf32>,
        %parallel_loop3A_509 = vector.shape_cast %parallel_loop3A_508 : vector<1x16xf32> to vector<16xf32>
        %parallel_loop3A_510 = vector.shape_cast %parallel_loop3A_503 : vector<16xf32> to vector<1x16xf32>
        tpu.vector_store %arg8[%parallel_loop3A_506, %parallel_loop3A_507], %parallel_loop3A_510 {strides = array<i32>} : memref<512x32xf32, #tpu.memory_space<vmem>>, vector<1x16xf32>,
        %parallel_loop3A_511 = arith.index_cast %parallel_loop3A_499 : i32 to index
        %parallel_loop3A_512 = arith.constant 16 : index
        %parallel_loop3A_513 = tpu.vector_load %arg5[%parallel_loop3A_511, %parallel_loop3A_512] {strides = array<i32>} : memref<2304x32xf32, #tpu.memory_space<vmem>>, vector<1x16xf32>,
        %parallel_loop3A_514 = vector.shape_cast %parallel_loop3A_513 : vector<1x16xf32> to vector<16xf32>
        %parallel_loop3A_515 = arith.constant 14 : i32
        %parallel_loop3A_516 = arith.addi %parallel_loop3A_151, %parallel_loop3A_515 : i32
        %parallel_loop3A_517 = arith.index_cast %parallel_loop3A_516 : i32 to index
        %parallel_loop3A_518 = arith.constant 16 : index
        %parallel_loop3A_519 = tpu.vector_load %arg8[%parallel_loop3A_517, %parallel_loop3A_518] {strides = array<i32>} : memref<512x32xf32, #tpu.memory_space<vmem>>, vector<1x16xf32>,
        %parallel_loop3A_520 = vector.shape_cast %parallel_loop3A_519 : vector<1x16xf32> to vector<16xf32>
        %parallel_loop3A_521 = vector.shape_cast %parallel_loop3A_514 : vector<16xf32> to vector<1x16xf32>
        tpu.vector_store %arg8[%parallel_loop3A_517, %parallel_loop3A_518], %parallel_loop3A_521 {strides = array<i32>} : memref<512x32xf32, #tpu.memory_space<vmem>>, vector<1x16xf32>,
        %parallel_loop3A_522 = vector.extract_strided_slice %parallel_loop3A_161 {offsets = [15], sizes = [1], strides = [1]} : vector<16xi32> to vector<1xi32>
        %parallel_loop3A_523 = vector.extract %parallel_loop3A_522[0] : i32 from vector<1xi32>
        %parallel_loop3A_524 = arith.index_cast %parallel_loop3A_523 : i32 to index
        %parallel_loop3A_525 = arith.constant 0 : index
        %parallel_loop3A_526 = tpu.vector_load %arg5[%parallel_loop3A_524, %parallel_loop3A_525] {strides = array<i32>} : memref<2304x32xf32, #tpu.memory_space<vmem>>, vector<1x16xf32>,
        %parallel_loop3A_527 = vector.shape_cast %parallel_loop3A_526 : vector<1x16xf32> to vector<16xf32>
        %parallel_loop3A_528 = arith.constant 15 : i32
        %parallel_loop3A_529 = arith.addi %parallel_loop3A_151, %parallel_loop3A_528 : i32
        %parallel_loop3A_530 = arith.index_cast %parallel_loop3A_529 : i32 to index
        %parallel_loop3A_531 = arith.constant 0 : index
        %parallel_loop3A_532 = tpu.vector_load %arg8[%parallel_loop3A_530, %parallel_loop3A_531] {strides = array<i32>} : memref<512x32xf32, #tpu.memory_space<vmem>>, vector<1x16xf32>,
        %parallel_loop3A_533 = vector.shape_cast %parallel_loop3A_532 : vector<1x16xf32> to vector<16xf32>
        %parallel_loop3A_534 = vector.shape_cast %parallel_loop3A_527 : vector<16xf32> to vector<1x16xf32>
        tpu.vector_store %arg8[%parallel_loop3A_530, %parallel_loop3A_531], %parallel_loop3A_534 {strides = array<i32>} : memref<512x32xf32, #tpu.memory_space<vmem>>, vector<1x16xf32>,
        %parallel_loop3A_535 = arith.index_cast %parallel_loop3A_523 : i32 to index
        %parallel_loop3A_536 = arith.constant 16 : index
        %parallel_loop3A_537 = tpu.vector_load %arg5[%parallel_loop3A_535, %parallel_loop3A_536] {strides = array<i32>} : memref<2304x32xf32, #tpu.memory_space<vmem>>, vector<1x16xf32>,
        %parallel_loop3A_538 = vector.shape_cast %parallel_loop3A_537 : vector<1x16xf32> to vector<16xf32>
        %parallel_loop3A_539 = arith.constant 15 : i32
        %parallel_loop3A_540 = arith.addi %parallel_loop3A_151, %parallel_loop3A_539 : i32
        %parallel_loop3A_541 = arith.index_cast %parallel_loop3A_540 : i32 to index
        %parallel_loop3A_542 = arith.constant 16 : index
        %parallel_loop3A_543 = tpu.vector_load %arg8[%parallel_loop3A_541, %parallel_loop3A_542] {strides = array<i32>} : memref<512x32xf32, #tpu.memory_space<vmem>>, vector<1x16xf32>,
        %parallel_loop3A_544 = vector.shape_cast %parallel_loop3A_543 : vector<1x16xf32> to vector<16xf32>
        %parallel_loop3A_545 = vector.shape_cast %parallel_loop3A_538 : vector<16xf32> to vector<1x16xf32>
        tpu.vector_store %arg8[%parallel_loop3A_541, %parallel_loop3A_542], %parallel_loop3A_545 {strides = array<i32>} : memref<512x32xf32, #tpu.memory_space<vmem>>, vector<1x16xf32>,
      } {sc.loop_unroll_factor = 1 : i64, sc.parallel_access}
      %dma_start3A_109 = arith.constant 0 : i32
      %dma_start3A_110 = arith.constant 0 : i32
      %dma_start3A_111 = tpu.memref_slice %arg4[%add3A_91, %dma_start3A_109, %dma_start3A_110] : memref<2048x512x32xf32, #tpu.memory_space<hbm>> -> memref<1x512x32xf32, #tpu.memory_space<hbm>>
      %dma_start3A_112 = tpu.memref_squeeze %dma_start3A_111 : memref<1x512x32xf32, #tpu.memory_space<hbm>> -> memref<512x32xf32, #tpu.memory_space<hbm>>
      %dma_start3A_113 = arith.constant 0 : i32
      %dma_start3A_114 = arith.constant 0 : i32
      %dma_start3A_115 = tpu.memref_slice %arg4[%add3A_91, %dma_start3A_113, %dma_start3A_114] : memref<2048x512x32xf32, #tpu.memory_space<hbm>> -> memref<1x512x32xf32, #tpu.memory_space<hbm>>
      %dma_start3A_116 = tpu.memref_squeeze %dma_start3A_115 : memref<1x512x32xf32, #tpu.memory_space<hbm>> -> memref<512x32xf32, #tpu.memory_space<hbm>>
      tpu.enqueue_dma source(%arg8 : memref<512x32xf32, #tpu.memory_space<vmem>>) target(%dma_start3A_116 : memref<512x32xf32, #tpu.memory_space<hbm>>) target_semaphore(%arg12 : memref<!tpu.dma_semaphore, #tpu.memory_space<semaphore_mem>>)
      %mul3A_117 = arith.constant 2 : i32
      %mul3A_118 = arith.muli %mul3A_117, %scan3A_86 : i32
      %add3A_119 = arith.constant 1 : i32
      %add3A_120 = arith.addi %mul3A_118, %add3A_119 : i32
      %add3A_121 = arith.addi %add3A_35, %add3A_120 : i32
      %sub3A_122 = arith.constant 63 : i32
      %sub3A_123 = arith.subi %sub3A_122, %add3A_120 : i32
      %lt3A_124 = arith.constant 63 : i32
      %lt3A_125 = arith.cmpi slt, %add3A_120, %lt3A_124 : i32
      %convert_element_type3A_126 = arith.extui %lt3A_125 : i1 to i32
      %cond3A_127 = arith.constant 0 : i32
      %cond3A_128 = arith.cmpi ne, %convert_element_type3A_126, %cond3A_127 : i32
      scf.if %cond3A_128 {
        %add3A_151 = arith.constant 1 : i32
        %add3A_152 = arith.addi %add3A_121, %add3A_151 : i32
        %dma_start3A_153 = arith.constant 0 : i32
        %dma_start3A_154 = tpu.memref_slice %arg2[%add3A_152, %dma_start3A_153] : memref<2048x512xi32, #tpu.memory_space<hbm>> -> memref<1x512xi32, #tpu.memory_space<hbm>>
        %dma_start3A_155 = tpu.memref_squeeze %dma_start3A_154 : memref<1x512xi32, #tpu.memory_space<hbm>> -> memref<512xi32, #tpu.memory_space<hbm>>
        %dma_start3A_156 = arith.constant 0 : i32
        %dma_start3A_157 = tpu.memref_slice %arg2[%add3A_152, %dma_start3A_156] : memref<2048x512xi32, #tpu.memory_space<hbm>> -> memref<1x512xi32, #tpu.memory_space<hbm>>
        %dma_start3A_158 = tpu.memref_squeeze %dma_start3A_157 : memref<1x512xi32, #tpu.memory_space<hbm>> -> memref<512xi32, #tpu.memory_space<hbm>>
        tpu.enqueue_dma source(%dma_start3A_158 : memref<512xi32, #tpu.memory_space<hbm>>) target(%arg6 : memref<512xi32, #tpu.memory_space<vmem>>) target_semaphore(%arg10 : memref<!tpu.dma_semaphore, #tpu.memory_space<semaphore_mem>>)
      } else {
      }
      %dma_wait3A_129 = arith.constant 0 : i32
      %dma_wait3A_130 = tpu.memref_slice %arg2[%add3A_121, %dma_wait3A_129] : memref<2048x512xi32, #tpu.memory_space<hbm>> -> memref<1x512xi32, #tpu.memory_space<hbm>>
      %dma_wait3A_131 = tpu.memref_squeeze %dma_wait3A_130 : memref<1x512xi32, #tpu.memory_space<hbm>> -> memref<512xi32, #tpu.memory_space<hbm>>
      %dma_wait3A_132 = arith.constant 0 : i32
      %dma_wait3A_133 = tpu.memref_slice %arg2[%add3A_121, %dma_wait3A_132] : memref<2048x512xi32, #tpu.memory_space<hbm>> -> memref<1x512xi32, #tpu.memory_space<hbm>>
      %dma_wait3A_134 = tpu.memref_squeeze %dma_wait3A_133 : memref<1x512xi32, #tpu.memory_space<hbm>> -> memref<512xi32, #tpu.memory_space<hbm>>
      tpu.wait_dma2 semaphore(%arg11 : memref<!tpu.dma_semaphore, #tpu.memory_space<semaphore_mem>>) src(%dma_wait3A_134 : memref<512xi32, #tpu.memory_space<hbm>>) dst(%arg7 : memref<512xi32, #tpu.memory_space<vmem>>)
      %ge3A_135 = arith.constant 2 : i32
      %ge3A_136 = arith.cmpi sge, %add3A_120, %ge3A_135 : i32
      %convert_element_type3A_137 = arith.extui %ge3A_136 : i1 to i32
      %cond3A_138 = arith.constant 0 : i32
      %cond3A_139 = arith.cmpi ne, %convert_element_type3A_137, %cond3A_138 : i32
      scf.if %cond3A_139 {
        %dma_wait3A_151 = arith.constant 0 : i32
        %dma_wait3A_152 = arith.constant 0 : i32
        %dma_wait3A_153 = tpu.memref_slice %arg4[%add3A_121, %dma_wait3A_151, %dma_wait3A_152] : memref<2048x512x32xf32, #tpu.memory_space<hbm>> -> memref<1x512x32xf32, #tpu.memory_space<hbm>>
        %dma_wait3A_154 = tpu.memref_squeeze %dma_wait3A_153 : memref<1x512x32xf32, #tpu.memory_space<hbm>> -> memref<512x32xf32, #tpu.memory_space<hbm>>
        %dma_wait3A_155 = arith.constant 0 : i32
        %dma_wait3A_156 = arith.constant 0 : i32
        %dma_wait3A_157 = tpu.memref_slice %arg4[%add3A_121, %dma_wait3A_155, %dma_wait3A_156] : memref<2048x512x32xf32, #tpu.memory_space<hbm>> -> memref<1x512x32xf32, #tpu.memory_space<hbm>>
        %dma_wait3A_158 = tpu.memref_squeeze %dma_wait3A_157 : memref<1x512x32xf32, #tpu.memory_space<hbm>> -> memref<512x32xf32, #tpu.memory_space<hbm>>
        tpu.wait_dma2 semaphore(%arg13 : memref<!tpu.dma_semaphore, #tpu.memory_space<semaphore_mem>>) src(%arg9 : memref<512x32xf32, #tpu.memory_space<vmem>>) dst(%dma_wait3A_158 : memref<512x32xf32, #tpu.memory_space<hbm>>)
      } else {
      }
      %parallel_loop3A_140 = arith.constant 0 : i32
      %parallel_loop3A_141 = arith.constant 512 : i32
      %parallel_loop3A_142 = arith.constant 16 : i32
      scf.for %parallel_loop3A_151 = %parallel_loop3A_140 to %parallel_loop3A_141 step %parallel_loop3A_142  : i32 {
        %parallel_loop3A_152 = arith.index_cast %parallel_loop3A_151 : i32 to index
        %parallel_loop3A_153 = tpu.vector_load %arg7[%parallel_loop3A_152] {strides = array<i32>} : memref<512xi32, #tpu.memory_space<vmem>>, vector<16xi32>,
        %parallel_loop3A_154 = vector.shape_cast %parallel_loop3A_153 : vector<16xi32> to vector<16xi32>
        %parallel_loop3A_155 = arith.constant 576 : i32
        %parallel_loop3A_156 = vector.broadcast %parallel_loop3A_155 : i32 to vector<16xi32>
        %parallel_loop3A_157 = arith.muli %parallel_loop3A_154, %parallel_loop3A_156 : vector<16xi32>
        %parallel_loop3A_158 = arith.addi %parallel_loop3A_151, %sub3A_123 : i32
        %parallel_loop3A_159 = vector.broadcast %parallel_loop3A_158 : i32 to vector<16xi32>
        %parallel_loop3A_160 = arith.addi %iota3A, %parallel_loop3A_159 : vector<16xi32>
        %parallel_loop3A_161 = arith.addi %parallel_loop3A_157, %parallel_loop3A_160 : vector<16xi32>
        %parallel_loop3A_162 = vector.extract_strided_slice %parallel_loop3A_161 {offsets = [0], sizes = [1], strides = [1]} : vector<16xi32> to vector<1xi32>
        %parallel_loop3A_163 = vector.extract %parallel_loop3A_162[0] : i32 from vector<1xi32>
        %parallel_loop3A_164 = arith.index_cast %parallel_loop3A_163 : i32 to index
        %parallel_loop3A_165 = arith.constant 0 : index
        %parallel_loop3A_166 = tpu.vector_load %arg5[%parallel_loop3A_164, %parallel_loop3A_165] {strides = array<i32>} : memref<2304x32xf32, #tpu.memory_space<vmem>>, vector<1x16xf32>,
        %parallel_loop3A_167 = vector.shape_cast %parallel_loop3A_166 : vector<1x16xf32> to vector<16xf32>
        %parallel_loop3A_168 = arith.constant 0 : i32
        %parallel_loop3A_169 = arith.addi %parallel_loop3A_151, %parallel_loop3A_168 : i32
        %parallel_loop3A_170 = arith.index_cast %parallel_loop3A_169 : i32 to index
        %parallel_loop3A_171 = arith.constant 0 : index
        %parallel_loop3A_172 = tpu.vector_load %arg9[%parallel_loop3A_170, %parallel_loop3A_171] {strides = array<i32>} : memref<512x32xf32, #tpu.memory_space<vmem>>, vector<1x16xf32>,
        %parallel_loop3A_173 = vector.shape_cast %parallel_loop3A_172 : vector<1x16xf32> to vector<16xf32>
        %parallel_loop3A_174 = vector.shape_cast %parallel_loop3A_167 : vector<16xf32> to vector<1x16xf32>
        tpu.vector_store %arg9[%parallel_loop3A_170, %parallel_loop3A_171], %parallel_loop3A_174 {strides = array<i32>} : memref<512x32xf32, #tpu.memory_space<vmem>>, vector<1x16xf32>,
        %parallel_loop3A_175 = arith.index_cast %parallel_loop3A_163 : i32 to index
        %parallel_loop3A_176 = arith.constant 16 : index
        %parallel_loop3A_177 = tpu.vector_load %arg5[%parallel_loop3A_175, %parallel_loop3A_176] {strides = array<i32>} : memref<2304x32xf32, #tpu.memory_space<vmem>>, vector<1x16xf32>,
        %parallel_loop3A_178 = vector.shape_cast %parallel_loop3A_177 : vector<1x16xf32> to vector<16xf32>
        %parallel_loop3A_179 = arith.constant 0 : i32
        %parallel_loop3A_180 = arith.addi %parallel_loop3A_151, %parallel_loop3A_179 : i32
        %parallel_loop3A_181 = arith.index_cast %parallel_loop3A_180 : i32 to index
        %parallel_loop3A_182 = arith.constant 16 : index
        %parallel_loop3A_183 = tpu.vector_load %arg9[%parallel_loop3A_181, %parallel_loop3A_182] {strides = array<i32>} : memref<512x32xf32, #tpu.memory_space<vmem>>, vector<1x16xf32>,
        %parallel_loop3A_184 = vector.shape_cast %parallel_loop3A_183 : vector<1x16xf32> to vector<16xf32>
        %parallel_loop3A_185 = vector.shape_cast %parallel_loop3A_178 : vector<16xf32> to vector<1x16xf32>
        tpu.vector_store %arg9[%parallel_loop3A_181, %parallel_loop3A_182], %parallel_loop3A_185 {strides = array<i32>} : memref<512x32xf32, #tpu.memory_space<vmem>>, vector<1x16xf32>,
        %parallel_loop3A_186 = vector.extract_strided_slice %parallel_loop3A_161 {offsets = [1], sizes = [1], strides = [1]} : vector<16xi32> to vector<1xi32>
        %parallel_loop3A_187 = vector.extract %parallel_loop3A_186[0] : i32 from vector<1xi32>
        %parallel_loop3A_188 = arith.index_cast %parallel_loop3A_187 : i32 to index
        %parallel_loop3A_189 = arith.constant 0 : index
        %parallel_loop3A_190 = tpu.vector_load %arg5[%parallel_loop3A_188, %parallel_loop3A_189] {strides = array<i32>} : memref<2304x32xf32, #tpu.memory_space<vmem>>, vector<1x16xf32>,
        %parallel_loop3A_191 = vector.shape_cast %parallel_loop3A_190 : vector<1x16xf32> to vector<16xf32>
        %parallel_loop3A_192 = arith.constant 1 : i32
        %parallel_loop3A_193 = arith.addi %parallel_loop3A_151, %parallel_loop3A_192 : i32
        %parallel_loop3A_194 = arith.index_cast %parallel_loop3A_193 : i32 to index
        %parallel_loop3A_195 = arith.constant 0 : index
        %parallel_loop3A_196 = tpu.vector_load %arg9[%parallel_loop3A_194, %parallel_loop3A_195] {strides = array<i32>} : memref<512x32xf32, #tpu.memory_space<vmem>>, vector<1x16xf32>,
        %parallel_loop3A_197 = vector.shape_cast %parallel_loop3A_196 : vector<1x16xf32> to vector<16xf32>
        %parallel_loop3A_198 = vector.shape_cast %parallel_loop3A_191 : vector<16xf32> to vector<1x16xf32>
        tpu.vector_store %arg9[%parallel_loop3A_194, %parallel_loop3A_195], %parallel_loop3A_198 {strides = array<i32>} : memref<512x32xf32, #tpu.memory_space<vmem>>, vector<1x16xf32>,
        %parallel_loop3A_199 = arith.index_cast %parallel_loop3A_187 : i32 to index
        %parallel_loop3A_200 = arith.constant 16 : index
        %parallel_loop3A_201 = tpu.vector_load %arg5[%parallel_loop3A_199, %parallel_loop3A_200] {strides = array<i32>} : memref<2304x32xf32, #tpu.memory_space<vmem>>, vector<1x16xf32>,
        %parallel_loop3A_202 = vector.shape_cast %parallel_loop3A_201 : vector<1x16xf32> to vector<16xf32>
        %parallel_loop3A_203 = arith.constant 1 : i32
        %parallel_loop3A_204 = arith.addi %parallel_loop3A_151, %parallel_loop3A_203 : i32
        %parallel_loop3A_205 = arith.index_cast %parallel_loop3A_204 : i32 to index
        %parallel_loop3A_206 = arith.constant 16 : index
        %parallel_loop3A_207 = tpu.vector_load %arg9[%parallel_loop3A_205, %parallel_loop3A_206] {strides = array<i32>} : memref<512x32xf32, #tpu.memory_space<vmem>>, vector<1x16xf32>,
        %parallel_loop3A_208 = vector.shape_cast %parallel_loop3A_207 : vector<1x16xf32> to vector<16xf32>
        %parallel_loop3A_209 = vector.shape_cast %parallel_loop3A_202 : vector<16xf32> to vector<1x16xf32>
        tpu.vector_store %arg9[%parallel_loop3A_205, %parallel_loop3A_206], %parallel_loop3A_209 {strides = array<i32>} : memref<512x32xf32, #tpu.memory_space<vmem>>, vector<1x16xf32>,
        %parallel_loop3A_210 = vector.extract_strided_slice %parallel_loop3A_161 {offsets = [2], sizes = [1], strides = [1]} : vector<16xi32> to vector<1xi32>
        %parallel_loop3A_211 = vector.extract %parallel_loop3A_210[0] : i32 from vector<1xi32>
        %parallel_loop3A_212 = arith.index_cast %parallel_loop3A_211 : i32 to index
        %parallel_loop3A_213 = arith.constant 0 : index
        %parallel_loop3A_214 = tpu.vector_load %arg5[%parallel_loop3A_212, %parallel_loop3A_213] {strides = array<i32>} : memref<2304x32xf32, #tpu.memory_space<vmem>>, vector<1x16xf32>,
        %parallel_loop3A_215 = vector.shape_cast %parallel_loop3A_214 : vector<1x16xf32> to vector<16xf32>
        %parallel_loop3A_216 = arith.constant 2 : i32
        %parallel_loop3A_217 = arith.addi %parallel_loop3A_151, %parallel_loop3A_216 : i32
        %parallel_loop3A_218 = arith.index_cast %parallel_loop3A_217 : i32 to index
        %parallel_loop3A_219 = arith.constant 0 : index
        %parallel_loop3A_220 = tpu.vector_load %arg9[%parallel_loop3A_218, %parallel_loop3A_219] {strides = array<i32>} : memref<512x32xf32, #tpu.memory_space<vmem>>, vector<1x16xf32>,
        %parallel_loop3A_221 = vector.shape_cast %parallel_loop3A_220 : vector<1x16xf32> to vector<16xf32>
        %parallel_loop3A_222 = vector.shape_cast %parallel_loop3A_215 : vector<16xf32> to vector<1x16xf32>
        tpu.vector_store %arg9[%parallel_loop3A_218, %parallel_loop3A_219], %parallel_loop3A_222 {strides = array<i32>} : memref<512x32xf32, #tpu.memory_space<vmem>>, vector<1x16xf32>,
        %parallel_loop3A_223 = arith.index_cast %parallel_loop3A_211 : i32 to index
        %parallel_loop3A_224 = arith.constant 16 : index
        %parallel_loop3A_225 = tpu.vector_load %arg5[%parallel_loop3A_223, %parallel_loop3A_224] {strides = array<i32>} : memref<2304x32xf32, #tpu.memory_space<vmem>>, vector<1x16xf32>,
        %parallel_loop3A_226 = vector.shape_cast %parallel_loop3A_225 : vector<1x16xf32> to vector<16xf32>
        %parallel_loop3A_227 = arith.constant 2 : i32
        %parallel_loop3A_228 = arith.addi %parallel_loop3A_151, %parallel_loop3A_227 : i32
        %parallel_loop3A_229 = arith.index_cast %parallel_loop3A_228 : i32 to index
        %parallel_loop3A_230 = arith.constant 16 : index
        %parallel_loop3A_231 = tpu.vector_load %arg9[%parallel_loop3A_229, %parallel_loop3A_230] {strides = array<i32>} : memref<512x32xf32, #tpu.memory_space<vmem>>, vector<1x16xf32>,
        %parallel_loop3A_232 = vector.shape_cast %parallel_loop3A_231 : vector<1x16xf32> to vector<16xf32>
        %parallel_loop3A_233 = vector.shape_cast %parallel_loop3A_226 : vector<16xf32> to vector<1x16xf32>
        tpu.vector_store %arg9[%parallel_loop3A_229, %parallel_loop3A_230], %parallel_loop3A_233 {strides = array<i32>} : memref<512x32xf32, #tpu.memory_space<vmem>>, vector<1x16xf32>,
        %parallel_loop3A_234 = vector.extract_strided_slice %parallel_loop3A_161 {offsets = [3], sizes = [1], strides = [1]} : vector<16xi32> to vector<1xi32>
        %parallel_loop3A_235 = vector.extract %parallel_loop3A_234[0] : i32 from vector<1xi32>
        %parallel_loop3A_236 = arith.index_cast %parallel_loop3A_235 : i32 to index
        %parallel_loop3A_237 = arith.constant 0 : index
        %parallel_loop3A_238 = tpu.vector_load %arg5[%parallel_loop3A_236, %parallel_loop3A_237] {strides = array<i32>} : memref<2304x32xf32, #tpu.memory_space<vmem>>, vector<1x16xf32>,
        %parallel_loop3A_239 = vector.shape_cast %parallel_loop3A_238 : vector<1x16xf32> to vector<16xf32>
        %parallel_loop3A_240 = arith.constant 3 : i32
        %parallel_loop3A_241 = arith.addi %parallel_loop3A_151, %parallel_loop3A_240 : i32
        %parallel_loop3A_242 = arith.index_cast %parallel_loop3A_241 : i32 to index
        %parallel_loop3A_243 = arith.constant 0 : index
        %parallel_loop3A_244 = tpu.vector_load %arg9[%parallel_loop3A_242, %parallel_loop3A_243] {strides = array<i32>} : memref<512x32xf32, #tpu.memory_space<vmem>>, vector<1x16xf32>,
        %parallel_loop3A_245 = vector.shape_cast %parallel_loop3A_244 : vector<1x16xf32> to vector<16xf32>
        %parallel_loop3A_246 = vector.shape_cast %parallel_loop3A_239 : vector<16xf32> to vector<1x16xf32>
        tpu.vector_store %arg9[%parallel_loop3A_242, %parallel_loop3A_243], %parallel_loop3A_246 {strides = array<i32>} : memref<512x32xf32, #tpu.memory_space<vmem>>, vector<1x16xf32>,
        %parallel_loop3A_247 = arith.index_cast %parallel_loop3A_235 : i32 to index
        %parallel_loop3A_248 = arith.constant 16 : index
        %parallel_loop3A_249 = tpu.vector_load %arg5[%parallel_loop3A_247, %parallel_loop3A_248] {strides = array<i32>} : memref<2304x32xf32, #tpu.memory_space<vmem>>, vector<1x16xf32>,
        %parallel_loop3A_250 = vector.shape_cast %parallel_loop3A_249 : vector<1x16xf32> to vector<16xf32>
        %parallel_loop3A_251 = arith.constant 3 : i32
        %parallel_loop3A_252 = arith.addi %parallel_loop3A_151, %parallel_loop3A_251 : i32
        %parallel_loop3A_253 = arith.index_cast %parallel_loop3A_252 : i32 to index
        %parallel_loop3A_254 = arith.constant 16 : index
        %parallel_loop3A_255 = tpu.vector_load %arg9[%parallel_loop3A_253, %parallel_loop3A_254] {strides = array<i32>} : memref<512x32xf32, #tpu.memory_space<vmem>>, vector<1x16xf32>,
        %parallel_loop3A_256 = vector.shape_cast %parallel_loop3A_255 : vector<1x16xf32> to vector<16xf32>
        %parallel_loop3A_257 = vector.shape_cast %parallel_loop3A_250 : vector<16xf32> to vector<1x16xf32>
        tpu.vector_store %arg9[%parallel_loop3A_253, %parallel_loop3A_254], %parallel_loop3A_257 {strides = array<i32>} : memref<512x32xf32, #tpu.memory_space<vmem>>, vector<1x16xf32>,
        %parallel_loop3A_258 = vector.extract_strided_slice %parallel_loop3A_161 {offsets = [4], sizes = [1], strides = [1]} : vector<16xi32> to vector<1xi32>
        %parallel_loop3A_259 = vector.extract %parallel_loop3A_258[0] : i32 from vector<1xi32>
        %parallel_loop3A_260 = arith.index_cast %parallel_loop3A_259 : i32 to index
        %parallel_loop3A_261 = arith.constant 0 : index
        %parallel_loop3A_262 = tpu.vector_load %arg5[%parallel_loop3A_260, %parallel_loop3A_261] {strides = array<i32>} : memref<2304x32xf32, #tpu.memory_space<vmem>>, vector<1x16xf32>,
        %parallel_loop3A_263 = vector.shape_cast %parallel_loop3A_262 : vector<1x16xf32> to vector<16xf32>
        %parallel_loop3A_264 = arith.constant 4 : i32
        %parallel_loop3A_265 = arith.addi %parallel_loop3A_151, %parallel_loop3A_264 : i32
        %parallel_loop3A_266 = arith.index_cast %parallel_loop3A_265 : i32 to index
        %parallel_loop3A_267 = arith.constant 0 : index
        %parallel_loop3A_268 = tpu.vector_load %arg9[%parallel_loop3A_266, %parallel_loop3A_267] {strides = array<i32>} : memref<512x32xf32, #tpu.memory_space<vmem>>, vector<1x16xf32>,
        %parallel_loop3A_269 = vector.shape_cast %parallel_loop3A_268 : vector<1x16xf32> to vector<16xf32>
        %parallel_loop3A_270 = vector.shape_cast %parallel_loop3A_263 : vector<16xf32> to vector<1x16xf32>
        tpu.vector_store %arg9[%parallel_loop3A_266, %parallel_loop3A_267], %parallel_loop3A_270 {strides = array<i32>} : memref<512x32xf32, #tpu.memory_space<vmem>>, vector<1x16xf32>,
        %parallel_loop3A_271 = arith.index_cast %parallel_loop3A_259 : i32 to index
        %parallel_loop3A_272 = arith.constant 16 : index
        %parallel_loop3A_273 = tpu.vector_load %arg5[%parallel_loop3A_271, %parallel_loop3A_272] {strides = array<i32>} : memref<2304x32xf32, #tpu.memory_space<vmem>>, vector<1x16xf32>,
        %parallel_loop3A_274 = vector.shape_cast %parallel_loop3A_273 : vector<1x16xf32> to vector<16xf32>
        %parallel_loop3A_275 = arith.constant 4 : i32
        %parallel_loop3A_276 = arith.addi %parallel_loop3A_151, %parallel_loop3A_275 : i32
        %parallel_loop3A_277 = arith.index_cast %parallel_loop3A_276 : i32 to index
        %parallel_loop3A_278 = arith.constant 16 : index
        %parallel_loop3A_279 = tpu.vector_load %arg9[%parallel_loop3A_277, %parallel_loop3A_278] {strides = array<i32>} : memref<512x32xf32, #tpu.memory_space<vmem>>, vector<1x16xf32>,
        %parallel_loop3A_280 = vector.shape_cast %parallel_loop3A_279 : vector<1x16xf32> to vector<16xf32>
        %parallel_loop3A_281 = vector.shape_cast %parallel_loop3A_274 : vector<16xf32> to vector<1x16xf32>
        tpu.vector_store %arg9[%parallel_loop3A_277, %parallel_loop3A_278], %parallel_loop3A_281 {strides = array<i32>} : memref<512x32xf32, #tpu.memory_space<vmem>>, vector<1x16xf32>,
        %parallel_loop3A_282 = vector.extract_strided_slice %parallel_loop3A_161 {offsets = [5], sizes = [1], strides = [1]} : vector<16xi32> to vector<1xi32>
        %parallel_loop3A_283 = vector.extract %parallel_loop3A_282[0] : i32 from vector<1xi32>
        %parallel_loop3A_284 = arith.index_cast %parallel_loop3A_283 : i32 to index
        %parallel_loop3A_285 = arith.constant 0 : index
        %parallel_loop3A_286 = tpu.vector_load %arg5[%parallel_loop3A_284, %parallel_loop3A_285] {strides = array<i32>} : memref<2304x32xf32, #tpu.memory_space<vmem>>, vector<1x16xf32>,
        %parallel_loop3A_287 = vector.shape_cast %parallel_loop3A_286 : vector<1x16xf32> to vector<16xf32>
        %parallel_loop3A_288 = arith.constant 5 : i32
        %parallel_loop3A_289 = arith.addi %parallel_loop3A_151, %parallel_loop3A_288 : i32
        %parallel_loop3A_290 = arith.index_cast %parallel_loop3A_289 : i32 to index
        %parallel_loop3A_291 = arith.constant 0 : index
        %parallel_loop3A_292 = tpu.vector_load %arg9[%parallel_loop3A_290, %parallel_loop3A_291] {strides = array<i32>} : memref<512x32xf32, #tpu.memory_space<vmem>>, vector<1x16xf32>,
        %parallel_loop3A_293 = vector.shape_cast %parallel_loop3A_292 : vector<1x16xf32> to vector<16xf32>
        %parallel_loop3A_294 = vector.shape_cast %parallel_loop3A_287 : vector<16xf32> to vector<1x16xf32>
        tpu.vector_store %arg9[%parallel_loop3A_290, %parallel_loop3A_291], %parallel_loop3A_294 {strides = array<i32>} : memref<512x32xf32, #tpu.memory_space<vmem>>, vector<1x16xf32>,
        %parallel_loop3A_295 = arith.index_cast %parallel_loop3A_283 : i32 to index
        %parallel_loop3A_296 = arith.constant 16 : index
        %parallel_loop3A_297 = tpu.vector_load %arg5[%parallel_loop3A_295, %parallel_loop3A_296] {strides = array<i32>} : memref<2304x32xf32, #tpu.memory_space<vmem>>, vector<1x16xf32>,
        %parallel_loop3A_298 = vector.shape_cast %parallel_loop3A_297 : vector<1x16xf32> to vector<16xf32>
        %parallel_loop3A_299 = arith.constant 5 : i32
        %parallel_loop3A_300 = arith.addi %parallel_loop3A_151, %parallel_loop3A_299 : i32
        %parallel_loop3A_301 = arith.index_cast %parallel_loop3A_300 : i32 to index
        %parallel_loop3A_302 = arith.constant 16 : index
        %parallel_loop3A_303 = tpu.vector_load %arg9[%parallel_loop3A_301, %parallel_loop3A_302] {strides = array<i32>} : memref<512x32xf32, #tpu.memory_space<vmem>>, vector<1x16xf32>,
        %parallel_loop3A_304 = vector.shape_cast %parallel_loop3A_303 : vector<1x16xf32> to vector<16xf32>
        %parallel_loop3A_305 = vector.shape_cast %parallel_loop3A_298 : vector<16xf32> to vector<1x16xf32>
        tpu.vector_store %arg9[%parallel_loop3A_301, %parallel_loop3A_302], %parallel_loop3A_305 {strides = array<i32>} : memref<512x32xf32, #tpu.memory_space<vmem>>, vector<1x16xf32>,
        %parallel_loop3A_306 = vector.extract_strided_slice %parallel_loop3A_161 {offsets = [6], sizes = [1], strides = [1]} : vector<16xi32> to vector<1xi32>
        %parallel_loop3A_307 = vector.extract %parallel_loop3A_306[0] : i32 from vector<1xi32>
        %parallel_loop3A_308 = arith.index_cast %parallel_loop3A_307 : i32 to index
        %parallel_loop3A_309 = arith.constant 0 : index
        %parallel_loop3A_310 = tpu.vector_load %arg5[%parallel_loop3A_308, %parallel_loop3A_309] {strides = array<i32>} : memref<2304x32xf32, #tpu.memory_space<vmem>>, vector<1x16xf32>,
        %parallel_loop3A_311 = vector.shape_cast %parallel_loop3A_310 : vector<1x16xf32> to vector<16xf32>
        %parallel_loop3A_312 = arith.constant 6 : i32
        %parallel_loop3A_313 = arith.addi %parallel_loop3A_151, %parallel_loop3A_312 : i32
        %parallel_loop3A_314 = arith.index_cast %parallel_loop3A_313 : i32 to index
        %parallel_loop3A_315 = arith.constant 0 : index
        %parallel_loop3A_316 = tpu.vector_load %arg9[%parallel_loop3A_314, %parallel_loop3A_315] {strides = array<i32>} : memref<512x32xf32, #tpu.memory_space<vmem>>, vector<1x16xf32>,
        %parallel_loop3A_317 = vector.shape_cast %parallel_loop3A_316 : vector<1x16xf32> to vector<16xf32>
        %parallel_loop3A_318 = vector.shape_cast %parallel_loop3A_311 : vector<16xf32> to vector<1x16xf32>
        tpu.vector_store %arg9[%parallel_loop3A_314, %parallel_loop3A_315], %parallel_loop3A_318 {strides = array<i32>} : memref<512x32xf32, #tpu.memory_space<vmem>>, vector<1x16xf32>,
        %parallel_loop3A_319 = arith.index_cast %parallel_loop3A_307 : i32 to index
        %parallel_loop3A_320 = arith.constant 16 : index
        %parallel_loop3A_321 = tpu.vector_load %arg5[%parallel_loop3A_319, %parallel_loop3A_320] {strides = array<i32>} : memref<2304x32xf32, #tpu.memory_space<vmem>>, vector<1x16xf32>,
        %parallel_loop3A_322 = vector.shape_cast %parallel_loop3A_321 : vector<1x16xf32> to vector<16xf32>
        %parallel_loop3A_323 = arith.constant 6 : i32
        %parallel_loop3A_324 = arith.addi %parallel_loop3A_151, %parallel_loop3A_323 : i32
        %parallel_loop3A_325 = arith.index_cast %parallel_loop3A_324 : i32 to index
        %parallel_loop3A_326 = arith.constant 16 : index
        %parallel_loop3A_327 = tpu.vector_load %arg9[%parallel_loop3A_325, %parallel_loop3A_326] {strides = array<i32>} : memref<512x32xf32, #tpu.memory_space<vmem>>, vector<1x16xf32>,
        %parallel_loop3A_328 = vector.shape_cast %parallel_loop3A_327 : vector<1x16xf32> to vector<16xf32>
        %parallel_loop3A_329 = vector.shape_cast %parallel_loop3A_322 : vector<16xf32> to vector<1x16xf32>
        tpu.vector_store %arg9[%parallel_loop3A_325, %parallel_loop3A_326], %parallel_loop3A_329 {strides = array<i32>} : memref<512x32xf32, #tpu.memory_space<vmem>>, vector<1x16xf32>,
        %parallel_loop3A_330 = vector.extract_strided_slice %parallel_loop3A_161 {offsets = [7], sizes = [1], strides = [1]} : vector<16xi32> to vector<1xi32>
        %parallel_loop3A_331 = vector.extract %parallel_loop3A_330[0] : i32 from vector<1xi32>
        %parallel_loop3A_332 = arith.index_cast %parallel_loop3A_331 : i32 to index
        %parallel_loop3A_333 = arith.constant 0 : index
        %parallel_loop3A_334 = tpu.vector_load %arg5[%parallel_loop3A_332, %parallel_loop3A_333] {strides = array<i32>} : memref<2304x32xf32, #tpu.memory_space<vmem>>, vector<1x16xf32>,
        %parallel_loop3A_335 = vector.shape_cast %parallel_loop3A_334 : vector<1x16xf32> to vector<16xf32>
        %parallel_loop3A_336 = arith.constant 7 : i32
        %parallel_loop3A_337 = arith.addi %parallel_loop3A_151, %parallel_loop3A_336 : i32
        %parallel_loop3A_338 = arith.index_cast %parallel_loop3A_337 : i32 to index
        %parallel_loop3A_339 = arith.constant 0 : index
        %parallel_loop3A_340 = tpu.vector_load %arg9[%parallel_loop3A_338, %parallel_loop3A_339] {strides = array<i32>} : memref<512x32xf32, #tpu.memory_space<vmem>>, vector<1x16xf32>,
        %parallel_loop3A_341 = vector.shape_cast %parallel_loop3A_340 : vector<1x16xf32> to vector<16xf32>
        %parallel_loop3A_342 = vector.shape_cast %parallel_loop3A_335 : vector<16xf32> to vector<1x16xf32>
        tpu.vector_store %arg9[%parallel_loop3A_338, %parallel_loop3A_339], %parallel_loop3A_342 {strides = array<i32>} : memref<512x32xf32, #tpu.memory_space<vmem>>, vector<1x16xf32>,
        %parallel_loop3A_343 = arith.index_cast %parallel_loop3A_331 : i32 to index
        %parallel_loop3A_344 = arith.constant 16 : index
        %parallel_loop3A_345 = tpu.vector_load %arg5[%parallel_loop3A_343, %parallel_loop3A_344] {strides = array<i32>} : memref<2304x32xf32, #tpu.memory_space<vmem>>, vector<1x16xf32>,
        %parallel_loop3A_346 = vector.shape_cast %parallel_loop3A_345 : vector<1x16xf32> to vector<16xf32>
        %parallel_loop3A_347 = arith.constant 7 : i32
        %parallel_loop3A_348 = arith.addi %parallel_loop3A_151, %parallel_loop3A_347 : i32
        %parallel_loop3A_349 = arith.index_cast %parallel_loop3A_348 : i32 to index
        %parallel_loop3A_350 = arith.constant 16 : index
        %parallel_loop3A_351 = tpu.vector_load %arg9[%parallel_loop3A_349, %parallel_loop3A_350] {strides = array<i32>} : memref<512x32xf32, #tpu.memory_space<vmem>>, vector<1x16xf32>,
        %parallel_loop3A_352 = vector.shape_cast %parallel_loop3A_351 : vector<1x16xf32> to vector<16xf32>
        %parallel_loop3A_353 = vector.shape_cast %parallel_loop3A_346 : vector<16xf32> to vector<1x16xf32>
        tpu.vector_store %arg9[%parallel_loop3A_349, %parallel_loop3A_350], %parallel_loop3A_353 {strides = array<i32>} : memref<512x32xf32, #tpu.memory_space<vmem>>, vector<1x16xf32>,
        %parallel_loop3A_354 = vector.extract_strided_slice %parallel_loop3A_161 {offsets = [8], sizes = [1], strides = [1]} : vector<16xi32> to vector<1xi32>
        %parallel_loop3A_355 = vector.extract %parallel_loop3A_354[0] : i32 from vector<1xi32>
        %parallel_loop3A_356 = arith.index_cast %parallel_loop3A_355 : i32 to index
        %parallel_loop3A_357 = arith.constant 0 : index
        %parallel_loop3A_358 = tpu.vector_load %arg5[%parallel_loop3A_356, %parallel_loop3A_357] {strides = array<i32>} : memref<2304x32xf32, #tpu.memory_space<vmem>>, vector<1x16xf32>,
        %parallel_loop3A_359 = vector.shape_cast %parallel_loop3A_358 : vector<1x16xf32> to vector<16xf32>
        %parallel_loop3A_360 = arith.constant 8 : i32
        %parallel_loop3A_361 = arith.addi %parallel_loop3A_151, %parallel_loop3A_360 : i32
        %parallel_loop3A_362 = arith.index_cast %parallel_loop3A_361 : i32 to index
        %parallel_loop3A_363 = arith.constant 0 : index
        %parallel_loop3A_364 = tpu.vector_load %arg9[%parallel_loop3A_362, %parallel_loop3A_363] {strides = array<i32>} : memref<512x32xf32, #tpu.memory_space<vmem>>, vector<1x16xf32>,
        %parallel_loop3A_365 = vector.shape_cast %parallel_loop3A_364 : vector<1x16xf32> to vector<16xf32>
        %parallel_loop3A_366 = vector.shape_cast %parallel_loop3A_359 : vector<16xf32> to vector<1x16xf32>
        tpu.vector_store %arg9[%parallel_loop3A_362, %parallel_loop3A_363], %parallel_loop3A_366 {strides = array<i32>} : memref<512x32xf32, #tpu.memory_space<vmem>>, vector<1x16xf32>,
        %parallel_loop3A_367 = arith.index_cast %parallel_loop3A_355 : i32 to index
        %parallel_loop3A_368 = arith.constant 16 : index
        %parallel_loop3A_369 = tpu.vector_load %arg5[%parallel_loop3A_367, %parallel_loop3A_368] {strides = array<i32>} : memref<2304x32xf32, #tpu.memory_space<vmem>>, vector<1x16xf32>,
        %parallel_loop3A_370 = vector.shape_cast %parallel_loop3A_369 : vector<1x16xf32> to vector<16xf32>
        %parallel_loop3A_371 = arith.constant 8 : i32
        %parallel_loop3A_372 = arith.addi %parallel_loop3A_151, %parallel_loop3A_371 : i32
        %parallel_loop3A_373 = arith.index_cast %parallel_loop3A_372 : i32 to index
        %parallel_loop3A_374 = arith.constant 16 : index
        %parallel_loop3A_375 = tpu.vector_load %arg9[%parallel_loop3A_373, %parallel_loop3A_374] {strides = array<i32>} : memref<512x32xf32, #tpu.memory_space<vmem>>, vector<1x16xf32>,
        %parallel_loop3A_376 = vector.shape_cast %parallel_loop3A_375 : vector<1x16xf32> to vector<16xf32>
        %parallel_loop3A_377 = vector.shape_cast %parallel_loop3A_370 : vector<16xf32> to vector<1x16xf32>
        tpu.vector_store %arg9[%parallel_loop3A_373, %parallel_loop3A_374], %parallel_loop3A_377 {strides = array<i32>} : memref<512x32xf32, #tpu.memory_space<vmem>>, vector<1x16xf32>,
        %parallel_loop3A_378 = vector.extract_strided_slice %parallel_loop3A_161 {offsets = [9], sizes = [1], strides = [1]} : vector<16xi32> to vector<1xi32>
        %parallel_loop3A_379 = vector.extract %parallel_loop3A_378[0] : i32 from vector<1xi32>
        %parallel_loop3A_380 = arith.index_cast %parallel_loop3A_379 : i32 to index
        %parallel_loop3A_381 = arith.constant 0 : index
        %parallel_loop3A_382 = tpu.vector_load %arg5[%parallel_loop3A_380, %parallel_loop3A_381] {strides = array<i32>} : memref<2304x32xf32, #tpu.memory_space<vmem>>, vector<1x16xf32>,
        %parallel_loop3A_383 = vector.shape_cast %parallel_loop3A_382 : vector<1x16xf32> to vector<16xf32>
        %parallel_loop3A_384 = arith.constant 9 : i32
        %parallel_loop3A_385 = arith.addi %parallel_loop3A_151, %parallel_loop3A_384 : i32
        %parallel_loop3A_386 = arith.index_cast %parallel_loop3A_385 : i32 to index
        %parallel_loop3A_387 = arith.constant 0 : index
        %parallel_loop3A_388 = tpu.vector_load %arg9[%parallel_loop3A_386, %parallel_loop3A_387] {strides = array<i32>} : memref<512x32xf32, #tpu.memory_space<vmem>>, vector<1x16xf32>,
        %parallel_loop3A_389 = vector.shape_cast %parallel_loop3A_388 : vector<1x16xf32> to vector<16xf32>
        %parallel_loop3A_390 = vector.shape_cast %parallel_loop3A_383 : vector<16xf32> to vector<1x16xf32>
        tpu.vector_store %arg9[%parallel_loop3A_386, %parallel_loop3A_387], %parallel_loop3A_390 {strides = array<i32>} : memref<512x32xf32, #tpu.memory_space<vmem>>, vector<1x16xf32>,
        %parallel_loop3A_391 = arith.index_cast %parallel_loop3A_379 : i32 to index
        %parallel_loop3A_392 = arith.constant 16 : index
        %parallel_loop3A_393 = tpu.vector_load %arg5[%parallel_loop3A_391, %parallel_loop3A_392] {strides = array<i32>} : memref<2304x32xf32, #tpu.memory_space<vmem>>, vector<1x16xf32>,
        %parallel_loop3A_394 = vector.shape_cast %parallel_loop3A_393 : vector<1x16xf32> to vector<16xf32>
        %parallel_loop3A_395 = arith.constant 9 : i32
        %parallel_loop3A_396 = arith.addi %parallel_loop3A_151, %parallel_loop3A_395 : i32
        %parallel_loop3A_397 = arith.index_cast %parallel_loop3A_396 : i32 to index
        %parallel_loop3A_398 = arith.constant 16 : index
        %parallel_loop3A_399 = tpu.vector_load %arg9[%parallel_loop3A_397, %parallel_loop3A_398] {strides = array<i32>} : memref<512x32xf32, #tpu.memory_space<vmem>>, vector<1x16xf32>,
        %parallel_loop3A_400 = vector.shape_cast %parallel_loop3A_399 : vector<1x16xf32> to vector<16xf32>
        %parallel_loop3A_401 = vector.shape_cast %parallel_loop3A_394 : vector<16xf32> to vector<1x16xf32>
        tpu.vector_store %arg9[%parallel_loop3A_397, %parallel_loop3A_398], %parallel_loop3A_401 {strides = array<i32>} : memref<512x32xf32, #tpu.memory_space<vmem>>, vector<1x16xf32>,
        %parallel_loop3A_402 = vector.extract_strided_slice %parallel_loop3A_161 {offsets = [10], sizes = [1], strides = [1]} : vector<16xi32> to vector<1xi32>
        %parallel_loop3A_403 = vector.extract %parallel_loop3A_402[0] : i32 from vector<1xi32>
        %parallel_loop3A_404 = arith.index_cast %parallel_loop3A_403 : i32 to index
        %parallel_loop3A_405 = arith.constant 0 : index
        %parallel_loop3A_406 = tpu.vector_load %arg5[%parallel_loop3A_404, %parallel_loop3A_405] {strides = array<i32>} : memref<2304x32xf32, #tpu.memory_space<vmem>>, vector<1x16xf32>,
        %parallel_loop3A_407 = vector.shape_cast %parallel_loop3A_406 : vector<1x16xf32> to vector<16xf32>
        %parallel_loop3A_408 = arith.constant 10 : i32
        %parallel_loop3A_409 = arith.addi %parallel_loop3A_151, %parallel_loop3A_408 : i32
        %parallel_loop3A_410 = arith.index_cast %parallel_loop3A_409 : i32 to index
        %parallel_loop3A_411 = arith.constant 0 : index
        %parallel_loop3A_412 = tpu.vector_load %arg9[%parallel_loop3A_410, %parallel_loop3A_411] {strides = array<i32>} : memref<512x32xf32, #tpu.memory_space<vmem>>, vector<1x16xf32>,
        %parallel_loop3A_413 = vector.shape_cast %parallel_loop3A_412 : vector<1x16xf32> to vector<16xf32>
        %parallel_loop3A_414 = vector.shape_cast %parallel_loop3A_407 : vector<16xf32> to vector<1x16xf32>
        tpu.vector_store %arg9[%parallel_loop3A_410, %parallel_loop3A_411], %parallel_loop3A_414 {strides = array<i32>} : memref<512x32xf32, #tpu.memory_space<vmem>>, vector<1x16xf32>,
        %parallel_loop3A_415 = arith.index_cast %parallel_loop3A_403 : i32 to index
        %parallel_loop3A_416 = arith.constant 16 : index
        %parallel_loop3A_417 = tpu.vector_load %arg5[%parallel_loop3A_415, %parallel_loop3A_416] {strides = array<i32>} : memref<2304x32xf32, #tpu.memory_space<vmem>>, vector<1x16xf32>,
        %parallel_loop3A_418 = vector.shape_cast %parallel_loop3A_417 : vector<1x16xf32> to vector<16xf32>
        %parallel_loop3A_419 = arith.constant 10 : i32
        %parallel_loop3A_420 = arith.addi %parallel_loop3A_151, %parallel_loop3A_419 : i32
        %parallel_loop3A_421 = arith.index_cast %parallel_loop3A_420 : i32 to index
        %parallel_loop3A_422 = arith.constant 16 : index
        %parallel_loop3A_423 = tpu.vector_load %arg9[%parallel_loop3A_421, %parallel_loop3A_422] {strides = array<i32>} : memref<512x32xf32, #tpu.memory_space<vmem>>, vector<1x16xf32>,
        %parallel_loop3A_424 = vector.shape_cast %parallel_loop3A_423 : vector<1x16xf32> to vector<16xf32>
        %parallel_loop3A_425 = vector.shape_cast %parallel_loop3A_418 : vector<16xf32> to vector<1x16xf32>
        tpu.vector_store %arg9[%parallel_loop3A_421, %parallel_loop3A_422], %parallel_loop3A_425 {strides = array<i32>} : memref<512x32xf32, #tpu.memory_space<vmem>>, vector<1x16xf32>,
        %parallel_loop3A_426 = vector.extract_strided_slice %parallel_loop3A_161 {offsets = [11], sizes = [1], strides = [1]} : vector<16xi32> to vector<1xi32>
        %parallel_loop3A_427 = vector.extract %parallel_loop3A_426[0] : i32 from vector<1xi32>
        %parallel_loop3A_428 = arith.index_cast %parallel_loop3A_427 : i32 to index
        %parallel_loop3A_429 = arith.constant 0 : index
        %parallel_loop3A_430 = tpu.vector_load %arg5[%parallel_loop3A_428, %parallel_loop3A_429] {strides = array<i32>} : memref<2304x32xf32, #tpu.memory_space<vmem>>, vector<1x16xf32>,
        %parallel_loop3A_431 = vector.shape_cast %parallel_loop3A_430 : vector<1x16xf32> to vector<16xf32>
        %parallel_loop3A_432 = arith.constant 11 : i32
        %parallel_loop3A_433 = arith.addi %parallel_loop3A_151, %parallel_loop3A_432 : i32
        %parallel_loop3A_434 = arith.index_cast %parallel_loop3A_433 : i32 to index
        %parallel_loop3A_435 = arith.constant 0 : index
        %parallel_loop3A_436 = tpu.vector_load %arg9[%parallel_loop3A_434, %parallel_loop3A_435] {strides = array<i32>} : memref<512x32xf32, #tpu.memory_space<vmem>>, vector<1x16xf32>,
        %parallel_loop3A_437 = vector.shape_cast %parallel_loop3A_436 : vector<1x16xf32> to vector<16xf32>
        %parallel_loop3A_438 = vector.shape_cast %parallel_loop3A_431 : vector<16xf32> to vector<1x16xf32>
        tpu.vector_store %arg9[%parallel_loop3A_434, %parallel_loop3A_435], %parallel_loop3A_438 {strides = array<i32>} : memref<512x32xf32, #tpu.memory_space<vmem>>, vector<1x16xf32>,
        %parallel_loop3A_439 = arith.index_cast %parallel_loop3A_427 : i32 to index
        %parallel_loop3A_440 = arith.constant 16 : index
        %parallel_loop3A_441 = tpu.vector_load %arg5[%parallel_loop3A_439, %parallel_loop3A_440] {strides = array<i32>} : memref<2304x32xf32, #tpu.memory_space<vmem>>, vector<1x16xf32>,
        %parallel_loop3A_442 = vector.shape_cast %parallel_loop3A_441 : vector<1x16xf32> to vector<16xf32>
        %parallel_loop3A_443 = arith.constant 11 : i32
        %parallel_loop3A_444 = arith.addi %parallel_loop3A_151, %parallel_loop3A_443 : i32
        %parallel_loop3A_445 = arith.index_cast %parallel_loop3A_444 : i32 to index
        %parallel_loop3A_446 = arith.constant 16 : index
        %parallel_loop3A_447 = tpu.vector_load %arg9[%parallel_loop3A_445, %parallel_loop3A_446] {strides = array<i32>} : memref<512x32xf32, #tpu.memory_space<vmem>>, vector<1x16xf32>,
        %parallel_loop3A_448 = vector.shape_cast %parallel_loop3A_447 : vector<1x16xf32> to vector<16xf32>
        %parallel_loop3A_449 = vector.shape_cast %parallel_loop3A_442 : vector<16xf32> to vector<1x16xf32>
        tpu.vector_store %arg9[%parallel_loop3A_445, %parallel_loop3A_446], %parallel_loop3A_449 {strides = array<i32>} : memref<512x32xf32, #tpu.memory_space<vmem>>, vector<1x16xf32>,
        %parallel_loop3A_450 = vector.extract_strided_slice %parallel_loop3A_161 {offsets = [12], sizes = [1], strides = [1]} : vector<16xi32> to vector<1xi32>
        %parallel_loop3A_451 = vector.extract %parallel_loop3A_450[0] : i32 from vector<1xi32>
        %parallel_loop3A_452 = arith.index_cast %parallel_loop3A_451 : i32 to index
        %parallel_loop3A_453 = arith.constant 0 : index
        %parallel_loop3A_454 = tpu.vector_load %arg5[%parallel_loop3A_452, %parallel_loop3A_453] {strides = array<i32>} : memref<2304x32xf32, #tpu.memory_space<vmem>>, vector<1x16xf32>,
        %parallel_loop3A_455 = vector.shape_cast %parallel_loop3A_454 : vector<1x16xf32> to vector<16xf32>
        %parallel_loop3A_456 = arith.constant 12 : i32
        %parallel_loop3A_457 = arith.addi %parallel_loop3A_151, %parallel_loop3A_456 : i32
        %parallel_loop3A_458 = arith.index_cast %parallel_loop3A_457 : i32 to index
        %parallel_loop3A_459 = arith.constant 0 : index
        %parallel_loop3A_460 = tpu.vector_load %arg9[%parallel_loop3A_458, %parallel_loop3A_459] {strides = array<i32>} : memref<512x32xf32, #tpu.memory_space<vmem>>, vector<1x16xf32>,
        %parallel_loop3A_461 = vector.shape_cast %parallel_loop3A_460 : vector<1x16xf32> to vector<16xf32>
        %parallel_loop3A_462 = vector.shape_cast %parallel_loop3A_455 : vector<16xf32> to vector<1x16xf32>
        tpu.vector_store %arg9[%parallel_loop3A_458, %parallel_loop3A_459], %parallel_loop3A_462 {strides = array<i32>} : memref<512x32xf32, #tpu.memory_space<vmem>>, vector<1x16xf32>,
        %parallel_loop3A_463 = arith.index_cast %parallel_loop3A_451 : i32 to index
        %parallel_loop3A_464 = arith.constant 16 : index
        %parallel_loop3A_465 = tpu.vector_load %arg5[%parallel_loop3A_463, %parallel_loop3A_464] {strides = array<i32>} : memref<2304x32xf32, #tpu.memory_space<vmem>>, vector<1x16xf32>,
        %parallel_loop3A_466 = vector.shape_cast %parallel_loop3A_465 : vector<1x16xf32> to vector<16xf32>
        %parallel_loop3A_467 = arith.constant 12 : i32
        %parallel_loop3A_468 = arith.addi %parallel_loop3A_151, %parallel_loop3A_467 : i32
        %parallel_loop3A_469 = arith.index_cast %parallel_loop3A_468 : i32 to index
        %parallel_loop3A_470 = arith.constant 16 : index
        %parallel_loop3A_471 = tpu.vector_load %arg9[%parallel_loop3A_469, %parallel_loop3A_470] {strides = array<i32>} : memref<512x32xf32, #tpu.memory_space<vmem>>, vector<1x16xf32>,
        %parallel_loop3A_472 = vector.shape_cast %parallel_loop3A_471 : vector<1x16xf32> to vector<16xf32>
        %parallel_loop3A_473 = vector.shape_cast %parallel_loop3A_466 : vector<16xf32> to vector<1x16xf32>
        tpu.vector_store %arg9[%parallel_loop3A_469, %parallel_loop3A_470], %parallel_loop3A_473 {strides = array<i32>} : memref<512x32xf32, #tpu.memory_space<vmem>>, vector<1x16xf32>,
        %parallel_loop3A_474 = vector.extract_strided_slice %parallel_loop3A_161 {offsets = [13], sizes = [1], strides = [1]} : vector<16xi32> to vector<1xi32>
        %parallel_loop3A_475 = vector.extract %parallel_loop3A_474[0] : i32 from vector<1xi32>
        %parallel_loop3A_476 = arith.index_cast %parallel_loop3A_475 : i32 to index
        %parallel_loop3A_477 = arith.constant 0 : index
        %parallel_loop3A_478 = tpu.vector_load %arg5[%parallel_loop3A_476, %parallel_loop3A_477] {strides = array<i32>} : memref<2304x32xf32, #tpu.memory_space<vmem>>, vector<1x16xf32>,
        %parallel_loop3A_479 = vector.shape_cast %parallel_loop3A_478 : vector<1x16xf32> to vector<16xf32>
        %parallel_loop3A_480 = arith.constant 13 : i32
        %parallel_loop3A_481 = arith.addi %parallel_loop3A_151, %parallel_loop3A_480 : i32
        %parallel_loop3A_482 = arith.index_cast %parallel_loop3A_481 : i32 to index
        %parallel_loop3A_483 = arith.constant 0 : index
        %parallel_loop3A_484 = tpu.vector_load %arg9[%parallel_loop3A_482, %parallel_loop3A_483] {strides = array<i32>} : memref<512x32xf32, #tpu.memory_space<vmem>>, vector<1x16xf32>,
        %parallel_loop3A_485 = vector.shape_cast %parallel_loop3A_484 : vector<1x16xf32> to vector<16xf32>
        %parallel_loop3A_486 = vector.shape_cast %parallel_loop3A_479 : vector<16xf32> to vector<1x16xf32>
        tpu.vector_store %arg9[%parallel_loop3A_482, %parallel_loop3A_483], %parallel_loop3A_486 {strides = array<i32>} : memref<512x32xf32, #tpu.memory_space<vmem>>, vector<1x16xf32>,
        %parallel_loop3A_487 = arith.index_cast %parallel_loop3A_475 : i32 to index
        %parallel_loop3A_488 = arith.constant 16 : index
        %parallel_loop3A_489 = tpu.vector_load %arg5[%parallel_loop3A_487, %parallel_loop3A_488] {strides = array<i32>} : memref<2304x32xf32, #tpu.memory_space<vmem>>, vector<1x16xf32>,
        %parallel_loop3A_490 = vector.shape_cast %parallel_loop3A_489 : vector<1x16xf32> to vector<16xf32>
        %parallel_loop3A_491 = arith.constant 13 : i32
        %parallel_loop3A_492 = arith.addi %parallel_loop3A_151, %parallel_loop3A_491 : i32
        %parallel_loop3A_493 = arith.index_cast %parallel_loop3A_492 : i32 to index
        %parallel_loop3A_494 = arith.constant 16 : index
        %parallel_loop3A_495 = tpu.vector_load %arg9[%parallel_loop3A_493, %parallel_loop3A_494] {strides = array<i32>} : memref<512x32xf32, #tpu.memory_space<vmem>>, vector<1x16xf32>,
        %parallel_loop3A_496 = vector.shape_cast %parallel_loop3A_495 : vector<1x16xf32> to vector<16xf32>
        %parallel_loop3A_497 = vector.shape_cast %parallel_loop3A_490 : vector<16xf32> to vector<1x16xf32>
        tpu.vector_store %arg9[%parallel_loop3A_493, %parallel_loop3A_494], %parallel_loop3A_497 {strides = array<i32>} : memref<512x32xf32, #tpu.memory_space<vmem>>, vector<1x16xf32>,
        %parallel_loop3A_498 = vector.extract_strided_slice %parallel_loop3A_161 {offsets = [14], sizes = [1], strides = [1]} : vector<16xi32> to vector<1xi32>
        %parallel_loop3A_499 = vector.extract %parallel_loop3A_498[0] : i32 from vector<1xi32>
        %parallel_loop3A_500 = arith.index_cast %parallel_loop3A_499 : i32 to index
        %parallel_loop3A_501 = arith.constant 0 : index
        %parallel_loop3A_502 = tpu.vector_load %arg5[%parallel_loop3A_500, %parallel_loop3A_501] {strides = array<i32>} : memref<2304x32xf32, #tpu.memory_space<vmem>>, vector<1x16xf32>,
        %parallel_loop3A_503 = vector.shape_cast %parallel_loop3A_502 : vector<1x16xf32> to vector<16xf32>
        %parallel_loop3A_504 = arith.constant 14 : i32
        %parallel_loop3A_505 = arith.addi %parallel_loop3A_151, %parallel_loop3A_504 : i32
        %parallel_loop3A_506 = arith.index_cast %parallel_loop3A_505 : i32 to index
        %parallel_loop3A_507 = arith.constant 0 : index
        %parallel_loop3A_508 = tpu.vector_load %arg9[%parallel_loop3A_506, %parallel_loop3A_507] {strides = array<i32>} : memref<512x32xf32, #tpu.memory_space<vmem>>, vector<1x16xf32>,
        %parallel_loop3A_509 = vector.shape_cast %parallel_loop3A_508 : vector<1x16xf32> to vector<16xf32>
        %parallel_loop3A_510 = vector.shape_cast %parallel_loop3A_503 : vector<16xf32> to vector<1x16xf32>
        tpu.vector_store %arg9[%parallel_loop3A_506, %parallel_loop3A_507], %parallel_loop3A_510 {strides = array<i32>} : memref<512x32xf32, #tpu.memory_space<vmem>>, vector<1x16xf32>,
        %parallel_loop3A_511 = arith.index_cast %parallel_loop3A_499 : i32 to index
        %parallel_loop3A_512 = arith.constant 16 : index
        %parallel_loop3A_513 = tpu.vector_load %arg5[%parallel_loop3A_511, %parallel_loop3A_512] {strides = array<i32>} : memref<2304x32xf32, #tpu.memory_space<vmem>>, vector<1x16xf32>,
        %parallel_loop3A_514 = vector.shape_cast %parallel_loop3A_513 : vector<1x16xf32> to vector<16xf32>
        %parallel_loop3A_515 = arith.constant 14 : i32
        %parallel_loop3A_516 = arith.addi %parallel_loop3A_151, %parallel_loop3A_515 : i32
        %parallel_loop3A_517 = arith.index_cast %parallel_loop3A_516 : i32 to index
        %parallel_loop3A_518 = arith.constant 16 : index
        %parallel_loop3A_519 = tpu.vector_load %arg9[%parallel_loop3A_517, %parallel_loop3A_518] {strides = array<i32>} : memref<512x32xf32, #tpu.memory_space<vmem>>, vector<1x16xf32>,
        %parallel_loop3A_520 = vector.shape_cast %parallel_loop3A_519 : vector<1x16xf32> to vector<16xf32>
        %parallel_loop3A_521 = vector.shape_cast %parallel_loop3A_514 : vector<16xf32> to vector<1x16xf32>
        tpu.vector_store %arg9[%parallel_loop3A_517, %parallel_loop3A_518], %parallel_loop3A_521 {strides = array<i32>} : memref<512x32xf32, #tpu.memory_space<vmem>>, vector<1x16xf32>,
        %parallel_loop3A_522 = vector.extract_strided_slice %parallel_loop3A_161 {offsets = [15], sizes = [1], strides = [1]} : vector<16xi32> to vector<1xi32>
        %parallel_loop3A_523 = vector.extract %parallel_loop3A_522[0] : i32 from vector<1xi32>
        %parallel_loop3A_524 = arith.index_cast %parallel_loop3A_523 : i32 to index
        %parallel_loop3A_525 = arith.constant 0 : index
        %parallel_loop3A_526 = tpu.vector_load %arg5[%parallel_loop3A_524, %parallel_loop3A_525] {strides = array<i32>} : memref<2304x32xf32, #tpu.memory_space<vmem>>, vector<1x16xf32>,
        %parallel_loop3A_527 = vector.shape_cast %parallel_loop3A_526 : vector<1x16xf32> to vector<16xf32>
        %parallel_loop3A_528 = arith.constant 15 : i32
        %parallel_loop3A_529 = arith.addi %parallel_loop3A_151, %parallel_loop3A_528 : i32
        %parallel_loop3A_530 = arith.index_cast %parallel_loop3A_529 : i32 to index
        %parallel_loop3A_531 = arith.constant 0 : index
        %parallel_loop3A_532 = tpu.vector_load %arg9[%parallel_loop3A_530, %parallel_loop3A_531] {strides = array<i32>} : memref<512x32xf32, #tpu.memory_space<vmem>>, vector<1x16xf32>,
        %parallel_loop3A_533 = vector.shape_cast %parallel_loop3A_532 : vector<1x16xf32> to vector<16xf32>
        %parallel_loop3A_534 = vector.shape_cast %parallel_loop3A_527 : vector<16xf32> to vector<1x16xf32>
        tpu.vector_store %arg9[%parallel_loop3A_530, %parallel_loop3A_531], %parallel_loop3A_534 {strides = array<i32>} : memref<512x32xf32, #tpu.memory_space<vmem>>, vector<1x16xf32>,
        %parallel_loop3A_535 = arith.index_cast %parallel_loop3A_523 : i32 to index
        %parallel_loop3A_536 = arith.constant 16 : index
        %parallel_loop3A_537 = tpu.vector_load %arg5[%parallel_loop3A_535, %parallel_loop3A_536] {strides = array<i32>} : memref<2304x32xf32, #tpu.memory_space<vmem>>, vector<1x16xf32>,
        %parallel_loop3A_538 = vector.shape_cast %parallel_loop3A_537 : vector<1x16xf32> to vector<16xf32>
        %parallel_loop3A_539 = arith.constant 15 : i32
        %parallel_loop3A_540 = arith.addi %parallel_loop3A_151, %parallel_loop3A_539 : i32
        %parallel_loop3A_541 = arith.index_cast %parallel_loop3A_540 : i32 to index
        %parallel_loop3A_542 = arith.constant 16 : index
        %parallel_loop3A_543 = tpu.vector_load %arg9[%parallel_loop3A_541, %parallel_loop3A_542] {strides = array<i32>} : memref<512x32xf32, #tpu.memory_space<vmem>>, vector<1x16xf32>,
        %parallel_loop3A_544 = vector.shape_cast %parallel_loop3A_543 : vector<1x16xf32> to vector<16xf32>
        %parallel_loop3A_545 = vector.shape_cast %parallel_loop3A_538 : vector<16xf32> to vector<1x16xf32>
        tpu.vector_store %arg9[%parallel_loop3A_541, %parallel_loop3A_542], %parallel_loop3A_545 {strides = array<i32>} : memref<512x32xf32, #tpu.memory_space<vmem>>, vector<1x16xf32>,
      } {sc.loop_unroll_factor = 1 : i64, sc.parallel_access}
      %dma_start3A_143 = arith.constant 0 : i32
      %dma_start3A_144 = arith.constant 0 : i32
      %dma_start3A_145 = tpu.memref_slice %arg4[%add3A_121, %dma_start3A_143, %dma_start3A_144] : memref<2048x512x32xf32, #tpu.memory_space<hbm>> -> memref<1x512x32xf32, #tpu.memory_space<hbm>>
      %dma_start3A_146 = tpu.memref_squeeze %dma_start3A_145 : memref<1x512x32xf32, #tpu.memory_space<hbm>> -> memref<512x32xf32, #tpu.memory_space<hbm>>
      %dma_start3A_147 = arith.constant 0 : i32
      %dma_start3A_148 = arith.constant 0 : i32
      %dma_start3A_149 = tpu.memref_slice %arg4[%add3A_121, %dma_start3A_147, %dma_start3A_148] : memref<2048x512x32xf32, #tpu.memory_space<hbm>> -> memref<1x512x32xf32, #tpu.memory_space<hbm>>
      %dma_start3A_150 = tpu.memref_squeeze %dma_start3A_149 : memref<1x512x32xf32, #tpu.memory_space<hbm>> -> memref<512x32xf32, #tpu.memory_space<hbm>>
      tpu.enqueue_dma source(%arg9 : memref<512x32xf32, #tpu.memory_space<vmem>>) target(%dma_start3A_150 : memref<512x32xf32, #tpu.memory_space<hbm>>) target_semaphore(%arg13 : memref<!tpu.dma_semaphore, #tpu.memory_space<semaphore_mem>>)
    }
    %scan3A_58 = arith.constant 32 : i32
    %add3A_59 = arith.constant 64 : i32
    %add3A_60 = arith.addi %add3A_35, %add3A_59 : i32
    %sub3A_61 = arith.constant 2 : i32
    %sub3A_62 = arith.subi %add3A_60, %sub3A_61 : i32
    %add3A_63 = arith.constant 0 : i32
    %add3A_64 = arith.addi %sub3A_62, %add3A_63 : i32
    %dma_wait3A = arith.constant 0 : i32
    %dma_wait3A_65 = arith.constant 0 : i32
    %dma_wait3A_66 = tpu.memref_slice %arg4[%add3A_64, %dma_wait3A, %dma_wait3A_65] : memref<2048x512x32xf32, #tpu.memory_space<hbm>> -> memref<1x512x32xf32, #tpu.memory_space<hbm>>
    %dma_wait3A_67 = tpu.memref_squeeze %dma_wait3A_66 : memref<1x512x32xf32, #tpu.memory_space<hbm>> -> memref<512x32xf32, #tpu.memory_space<hbm>>
    %dma_wait3A_68 = arith.constant 0 : i32
    %dma_wait3A_69 = arith.constant 0 : i32
    %dma_wait3A_70 = tpu.memref_slice %arg4[%add3A_64, %dma_wait3A_68, %dma_wait3A_69] : memref<2048x512x32xf32, #tpu.memory_space<hbm>> -> memref<1x512x32xf32, #tpu.memory_space<hbm>>
    %dma_wait3A_71 = tpu.memref_squeeze %dma_wait3A_70 : memref<1x512x32xf32, #tpu.memory_space<hbm>> -> memref<512x32xf32, #tpu.memory_space<hbm>>
    tpu.wait_dma2 semaphore(%arg12 : memref<!tpu.dma_semaphore, #tpu.memory_space<semaphore_mem>>) src(%arg8 : memref<512x32xf32, #tpu.memory_space<vmem>>) dst(%dma_wait3A_71 : memref<512x32xf32, #tpu.memory_space<hbm>>)
    %add3A_72 = arith.constant 64 : i32
    %add3A_73 = arith.addi %add3A_35, %add3A_72 : i32
    %sub3A_74 = arith.constant 2 : i32
    %sub3A_75 = arith.subi %add3A_73, %sub3A_74 : i32
    %add3A_76 = arith.constant 1 : i32
    %add3A_77 = arith.addi %sub3A_75, %add3A_76 : i32
    %dma_wait3A_78 = arith.constant 0 : i32
    %dma_wait3A_79 = arith.constant 0 : i32
    %dma_wait3A_80 = tpu.memref_slice %arg4[%add3A_77, %dma_wait3A_78, %dma_wait3A_79] : memref<2048x512x32xf32, #tpu.memory_space<hbm>> -> memref<1x512x32xf32, #tpu.memory_space<hbm>>
    %dma_wait3A_81 = tpu.memref_squeeze %dma_wait3A_80 : memref<1x512x32xf32, #tpu.memory_space<hbm>> -> memref<512x32xf32, #tpu.memory_space<hbm>>
    %dma_wait3A_82 = arith.constant 0 : i32
    %dma_wait3A_83 = arith.constant 0 : i32
    %dma_wait3A_84 = tpu.memref_slice %arg4[%add3A_77, %dma_wait3A_82, %dma_wait3A_83] : memref<2048x512x32xf32, #tpu.memory_space<hbm>> -> memref<1x512x32xf32, #tpu.memory_space<hbm>>
    %dma_wait3A_85 = tpu.memref_squeeze %dma_wait3A_84 : memref<1x512x32xf32, #tpu.memory_space<hbm>> -> memref<512x32xf32, #tpu.memory_space<hbm>>
    tpu.wait_dma2 semaphore(%arg13 : memref<!tpu.dma_semaphore, #tpu.memory_space<semaphore_mem>>) src(%arg9 : memref<512x32xf32, #tpu.memory_space<vmem>>) dst(%dma_wait3A_85 : memref<512x32xf32, #tpu.memory_space<hbm>>)
    return
  }
}

</mosaic_0001>

<sc_bundles>
// kernel: kernel.4.cloned.1.call-start
scs
__scs_entry_jumppad:
0x0: {  	(pc) =	sbr.rel $0x88, $3  }
0x1: {  	(tag) =	ssettag $0x0;
	lr =	simm.s32 $0x1  }
0x2: {  	[smem:$0x3F9E] =	sst lr;
	_ =	strace $0xD0000000  }
0x3: {  	_ = 	snop  }
0x4: {  	_ = 	snop  }
0x5: {  	_ = 	snop  }
0x6: {  	_ = 	snop  }
0x7: {  	_ = 	snop  }
__scs_overlays_trampoline_lowered:
0x8: {  	[smem:$0x3FAD] =	sst s0  }
0x9: {  	[smem:$0x3FAE] =	sst s1  }
0xa: {  	[smem:$0x3FAF] =	sst s2  }
0xb: {  	[smem:$0x3FB0] =	sst s3  }
0xc: {  	[smem:$0x3FB1] =	sst s4  }
0xd: {  	[smem:$0x3FB2] =	sst s5  }
0xe: {  	[smem:$0x3FB3] =	sst s6  }
0xf: {  	[smem:$0x3FB4] =	sst s7  }
0x10: {  	[smem:$0x3FB5] =	sst s8  }
0x11: {  	[smem:$0x3FB6] =	sst s9;
	s0 =	simm.s32 @!p0 $0x0  }
0x12: {  	s1 =	sld [smem:$0x3F9C];
	s0 =	simm.s32 @p0 $0x1  }
0x13: {  	[smem:$0x3FB7] =	sst s0;
	s0 =	simm.s32 @!p1 $0x0  }
0x14: {  	s2 =	sld [smem:$0x3F9B];
	s0 =	simm.s32 @p1 $0x1  }
0x15: {  	[smem:$0x3FB8] =	sst s0;
	s0 =	simm.s32 @!p2 $0x0  }
0x16: {  	s3 =	sld [smem:$0x3FDB];
	s0 =	simm.s32 @p2 $0x1  }
0x17: {  	s4 =	simm.s32 $0x1BF5;
	[smem:$0x3FBA] =	sst s0  }
0x18: {  	s0 =	sld [smem:$0x3F9D];
	_ =	swait.ge [sflag:s4], $0x0  }
0x19: {  	s7 =	sld [smem:$0x3F9E]  }
0x1a: {  	s8 =	sadd.s32 $0xFFFFE003, lr  }
0x1b: {  	s9 =	sadd.s32 $0xFFFFFEF7, lr;
	s5 =	simm.s32 $0xFFFFFFFF;
	p2 =	slt.u32 s8, $0xFFFFF086  }
0x1c: {  	p1 =	slt.u32 s9, $0xF7A;
	s5 =	simm.s32 @!p2 $0x0  }
0x1d: {  	s5 =	simm.s32 @p1 $0x1;
	p0 =	seq.s32 s7, s2  }
0x1e: {  	s7 =	smul.u32 @!p0 $0xF7A, s2;
	p2 =	seq.s32 @!p0 s5, $0x0  }
0x1f: {  	s9 =	smul.u32 $0xF7A, s1;
	s8 =	simm.s32 @!p0 $0x1BF5;
	p2 =	por !p2, p0  }
0x20: {  	[sflag:s8] =	ssyncset.s32 @!p0 $0xFFFFF086;
	s6 =	sadd.s32 @!p0 s3, s7;
	s7 =	simm.s32 @!p0 $0x108  }
0x21: {  	s3 =	sadd.s32 s3, s9;
	s6 =	sadd.s32 @!p0 $0x88, s6;
	s7 =	simm.s32 @p2 $0x1082  }
0x22: {  	[simem:s7], [sflag:s8] =	dma.local @!p0 [hbm:s6], $0xF7A  }
0x23: {  	s9 =	sor.u32 $0xD0000000, s2;
	s6 =	simm.s32 $0x108;
	_ =	swait.ge @!p0 [sflag:s8], $0x0  }
0x24: {  	s3 =	sadd.s32 $0x88, s3;
	s6 =	simm.s32 @!p1 $0x1082;
	[sflag:s4] =	ssyncset.s32 $0xFFFFF086  }
0x25: {  	[simem:s6], [sflag:s4] =	dma.local [hbm:s3], $0xF7A  }
0x26: {  	[smem:$0x3F9E] =	sst s1;
	(tag) =	ssettag s2;
	_ =	strace s9  }
0x27: {  	s1 =	sld [smem:$0x3FAE]  }
0x28: {  	s2 =	sld [smem:$0x3FAF]  }
0x29: {  	s4 =	sld [smem:$0x3FB1]  }
0x2a: {  	p0 =	seq.s32 s5, $0x0;
	s5 =	sld [smem:$0x3FB2]  }
0x2b: {  	s6 =	sld [smem:$0x3FB3]  }
0x2c: {  	s7 =	sld [smem:$0x3FB4]  }
0x2d: {  	s3 =	simm.s32 $0x108;
	s8 =	sld [smem:$0x3FB5]  }
0x2e: {  	s3 =	simm.s32 @!p0 $0x1082;
	s9 =	sld [smem:$0x3FB6]  }
0x2f: {  	lr =	sadd.s32 s0, s3;
	s0 =	sld [smem:$0x3FAD]  }
0x30: {  	s3 =	sld [smem:$0x3FB0]  }
0x31: {  	[smem:$0x3FB9] =	sst s10  }
0x32: {  	s10 =	sld [smem:$0x3FB7];
	_ =	sdelay $0x3  }
0x33: {  	p0 =	seq.s32 s10, $0x1;
	s10 =	sld [smem:$0x3FB9];
	_ =	sdelay $0x3  }
0x34: {  	[smem:$0x3FB9] =	sst s10  }
0x35: {  	s10 =	sld [smem:$0x3FB8];
	_ =	sdelay $0x3  }
0x36: {  	p1 =	seq.s32 s10, $0x1;
	s10 =	sld [smem:$0x3FB9];
	_ =	sdelay $0x3  }
0x37: {  	[smem:$0x3FB9] =	sst s10  }
0x38: {  	s10 =	sld [smem:$0x3FBA]  }
0x39: {  	_ = 	snop;
	(pc) =	sbr.ind lr, $3  }
0x3a: {  	_ = 	snop  }
0x3b: {  	_ = 	snop  }
0x3c: {  	p2 =	seq.s32 s10, $0x1;
	s10 =	sld [smem:$0x3FB9]  }
0x3d: {  	_ =	shalt  }
0x3e: {  	_ =	shalt  }
0x3f: {  	_ =	shalt  }
0x40: {  	_ =	shalt  }
0x41: {  	_ =	shalt  }
0x42: {  	_ =	shalt  }
0x43: {  	_ =	shalt  }
0x44: {  	_ =	shalt  }
0x45: {  	_ =	shalt  }
0x46: {  	_ =	shalt  }
0x47: {  	_ =	shalt  }
0x48: {  	_ =	shalt  }
0x49: {  	_ =	shalt  }
0x4a: {  	_ =	shalt  }
0x4b: {  	_ =	shalt  }
0x4c: {  	_ =	shalt  }
0x4d: {  	_ =	shalt  }
0x4e: {  	_ =	shalt  }
0x4f: {  	_ =	shalt  }
0x50: {  	_ =	shalt  }
0x51: {  	_ =	shalt  }
0x52: {  	_ =	shalt  }
0x53: {  	_ =	shalt  }
0x54: {  	_ =	shalt  }
0x55: {  	_ =	shalt  }
0x56: {  	_ =	shalt  }
0x57: {  	_ =	shalt  }
0x58: {  	_ =	shalt  }
0x59: {  	_ =	shalt  }
0x5a: {  	_ =	shalt  }
0x5b: {  	_ =	shalt  }
0x5c: {  	_ =	shalt  }
0x5d: {  	_ =	shalt  }
0x5e: {  	_ =	shalt  }
0x5f: {  	_ =	shalt  }
0x60: {  	_ =	shalt  }
0x61: {  	_ =	shalt  }
0x62: {  	_ =	shalt  }
0x63: {  	_ =	shalt  }
0x64: {  	_ =	shalt  }
0x65: {  	_ =	shalt  }
0x66: {  	_ =	shalt  }
0x67: {  	_ =	shalt  }
0x68: {  	_ =	shalt  }
0x69: {  	_ =	shalt  }
0x6a: {  	_ =	shalt  }
0x6b: {  	_ =	shalt  }
0x6c: {  	_ =	shalt  }
0x6d: {  	_ =	shalt  }
0x6e: {  	_ =	shalt  }
0x6f: {  	_ =	shalt  }
0x70: {  	_ =	shalt  }
0x71: {  	_ =	shalt  }
0x72: {  	_ =	shalt  }
0x73: {  	_ =	shalt  }
0x74: {  	_ =	shalt  }
0x75: {  	_ =	shalt  }
0x76: {  	_ =	shalt  }
0x77: {  	_ =	shalt  }
0x78: {  	_ =	shalt  }
0x79: {  	_ =	shalt  }
0x7a: {  	_ =	shalt  }
0x7b: {  	_ =	shalt  }
0x7c: {  	_ =	shalt  }
0x7d: {  	_ =	shalt  }
0x7e: {  	_ =	shalt  }
0x7f: {  	_ =	shalt  }
0x80: {  	_ =	shalt  }
0x81: {  	_ =	shalt  }
0x82: {  	_ =	shalt  }
0x83: {  	_ =	shalt  }
0x84: {  	_ =	shalt  }
0x85: {  	_ =	shalt  }
0x86: {  	_ =	shalt  }
0x87: {  	_ =	shalt  }
.Lfunc_end0:
.L_simem_size_0:
called_computation.1_lowered:
.L_overlay_start_0:
0x88: {  	s2 =	sld [smem:$0x3FD9]  }
0x89: {  	s3 =	sld [smem:$0x3FFE];
	_ =	sdelay $0x1  }
0x8a: {  	s1 =	srdreg.scid  }
0x8b: {  	s0 =	sand.u32 $0x1, s1  }
0x8c: {  	s17 =	sshll.u32 s0, $0xA;
	s2 =	sadd.s32 s3, s2  }
0x8d: {  	s2 =	sadd.s32 s2, s17  }
0x8e: {  	[smem:$0x3FC5] =	sst s2  }
0x8f: {  	_ = 	snop  }
0x90: {  	s2 =	sld [smem:$0x3FD0];
	(tm) =	ssettm $0x1  }
0x91: {  	s18 =	sld [smem:$0x3FFB];
	_ =	sdelay $0x3  }
0x92: {  	_ =	strace s18  }
0x93: {  	s3 =	sld [smem:$0x3FFC];
	_ =	sdelay $0x3  }
0x94: {  	_ =	strace s3  }
0x95: {  	s3 =	sld [smem:$0x3FFD];
	_ =	sdelay $0x3  }
0x96: {  	_ =	strace s3  }
0x97: {  	_ =	strace $0x8FFFFFFF  }
0x98: {  	s19 =	sld [smem:$0x3FDB];
	_ =	sdelay $0x1  }
0x99: {  	s4 =	simm.s32 $_scs_section_size  }
0x9a: {  	s5 =	simm.s32 $_size__tile_overlayer_lowered;
	s6 =	simm.s32 $_tile_overlayer_lowered  }
0x9b: {  	s22 =	simm.s32 $0x1BFF;
	s21 =	sshll.u32 s6, $0x1;
	s3 =	sadd.s32 s4, s19  }
0x9c: {  	s7 =	simm.s32 $0x0;
	s20 =	sshll.u32 s5, $0x1;
	s5 =	sadd.s32 s21, s3  }
0x9d: {  	[timem:s7], [sflag:s22] =	dma.local [hbm:s5], s20  }
0x9e: {  	_ =	swait.ge [sflag:s22], s20  }
0x9f: {  	s4 =	ssub.s32 $0x0, s20;
	[sflag:s22] =	ssyncset.done $0x0  }
0xa0: {  	[sflag:s22] =	ssyncadd.s32 s4;
	_ =	sdelay $0x1  }
0xa1: {  	s23 =	simm.s32 $0x1B8B  }
0xa2: {  	_ =	swait.ge [sflag:s23], $0x1  }
0xa3: {  	[sflag:s23] =	ssyncset.done $0x0  }
0xa4: {  	s25 =	simm.s32 $0x1B8E;
	s24 =	sld [smem:$0x3FFE];
	[sflag:s23] =	ssyncadd.s32 $0xFFFFFFFF  }
0xa5: {  	s26 =	simm.s32 $execute0_lowered;
	[smem:$0x3FD2] =	sst s25  }
0xa6: {  	s5 =	sshll.u32 s26, $0x1;
	_ =	strace $0x80000046;
	[dreg:$0x1] =	wrdreg $0xFFFFFFFF  }
0xa7: {  	s28 =	simm.s32 $_size_execute0_lowered;
	s3 =	sadd.s32 s3, s5;
	[dreg:$0x0] =	wrdreg $0x0  }
0xa8: {  	s5 =	sshll.u32 s28, $0x1;
	[dreg:$0x2] =	wrdreg s3  }
0xa9: {  	[dreg:$0x3] =	wrdreg s5  }
0xaa: {  	[dreg:$0x4] =	wrdreg $0xC0  }
0xab: {  	_ =	task [dreg:s7], $0x5FFFF  }
0xac: {  	[dreg:$0x1] =	wrdreg $0xFFFFFFFF  }
0xad: {  	[dreg:$0x0] =	wrdreg $0x60  }
0xae: {  	[dreg:$0x2] =	wrdreg s24  }
0xaf: {  	[dreg:$0x3] =	wrdreg s2  }
0xb0: {  	[dreg:$0x4] =	wrdreg $0x9  }
0xb1: {  	_ =	task.clear_ibuf [dreg:s7], $0x5FFFF;
	_ =	strace $0x90000046  }
0xb2: {  	s29 =	simm.s32 $0x9;
	_ =	strace $0x80000048  }
0xb3: {  	_ =	swait.ge [sflag:s29], $0x1  }
0xb4: {  	[sflag:s29] =	ssyncadd.s32 $0xFFFFFFFF  }
0xb5: {  	_ =	strace $0x90000048  }
0xb6: {  	_ =	sfence  }
0xb7: {  	s30 =	sld [smem:$0x0];
	_ =	sdelay $0x2  }
0xb8: {  	s31 =	sshll.u32 s1, $0xD;
	s1 =	sshrl.u32 s1, $0x2  }
0xb9: {  	s3 =	sand.u32 $0x4000, s31;
	s1 =	sadd.s32 s1, s30  }
0xba: {  	s0 =	sor.u32 s3, s0;
	s1 =	sshll.u32 s1, $0x11  }
0xbb: {  	s0 =	sor.u32 s1, s0  }
0xbc: {  	s0 =	sadd.s32 $0x8F2B, s0  }
0xbd: {  	[sflag:s0] =	ssyncadd.remote.s32 $0x1  }
0xbe: {  	_ =	sfence.sel $0xFFFF  }
0xbf: {  	[dreg:$0x0] =	wrdreg $0xFFFFFFFF;
	(pc) =	sbr.abs _section_cstart, $3  }
0xc0: {  	[dreg:$0x1] =	wrdreg $0xFFFFFFFF  }
0xc1: {  	_ =	task.clear_ibuf [dreg:s7], $0x2FFFF;
	_ =	strace $0x9FFFFFFF  }
0xc2: {  	(tm) =	ssettm $0x7FFFFFFF  }
0xc3: {  	_ =	shalt  }
tec
execute0_lowered:
.L_overlay_start_1:
0x0: {  	(tag) =	ssettag $0x1  }
0x1: {  	s6 =	rddreg [dreg:$0x0]  }
0x2: {  	s2 =	rddreg [dreg:$0x1];
	s3 =	srdreg.scid  }
0x3: {  	s0 =	rddreg [dreg:$0x2];
	s1 =	stileid.u32;
	s12 =	simm.s32 $0x2020  }
0x4: {  	s13 =	simm.s32 $0x20A0;
	s14 =	simm.s32 $0x24A0;
	s15 =	simm.s32 $0x28A0  }
0x5: {  	s16 =	simm.s32 $0x2CA0;
	s17 =	simm.s32 $0x0;
	s5 =	sand.u32 $0x1, s3  }
0x6: {  	s3 =	simm.s32 $0x0;
	s7 =	sshll.u32 s1, $0x5;
	s4 =	sshll.u32 s5, $0x9  }
0x7: {  	[smem:$0x7FF] =	sst s3;
	s31 =	ssub.s32 $0x2, s5;
	s4 =	sor.u32 s7, s4  }
0x8: {  	s5 =	sadd.s32 $0xC00, s6;
	s9 =	sshrl.u32 s31, $0x1;
	s8 =	sshll.u32 s4, $0x2  }
0x9: {  	_ =	strace $0x80000047;
	s11 =	ssub.s32 s31, s9;
	s10 =	sadd.s32 s8, s6  }
0xa: {  	s6 =	sadd.s32 $0xE00, s10;
	s7 =	sadd.s32 $0x1E00, s10;
	s8 =	sadd.s32 $0x2E00, s10  }
0xb: {  	s9 =	sadd.s32 $0x3E00, s10;
	s10 =	smax.u32 s11, $0x1;
	s11 =	simm.s32 $0x1  }
.LBB2_1:
0xc: {  	[tilespmem:s3], [sflag:$0x1] =	stream.linear.gather [hbm4b:s2+s3], $0x2020, $0x38;
	[tilespmem:$0x30A0] =	vst v63  }
0xd: {  	_ =	swait.ge [sflag:s11], $0x2020  }
0xe: {  	s18 =	sadd.s32 $0x0, s4;
	[sflag:s11] =	ssyncset.done $0x0  }
0xf: {  	p0 =	sgt.s32 s18, $0x17F;
	[sflag:s11] =	ssyncadd.s32 $0xFFFFDFE0  }
0x10: {  	[tilespmem:s12], [sflag:$0x1] =	stream.linear.gather [hbm4b:s5+s3], $0x80, $0x38;
	[tilespmem:$0x30A0] =	vst v63  }
0x11: {  	s18 =	simm.s32 @!p0 $0x17F;
	_ =	swait.ge [sflag:s11], $0x80  }
0x12: {  	s18 =	smin.u32 s18, $0x27F;
	[sflag:s11] =	ssyncset.done $0x0  }
0x13: {  	s18 =	sshll.u32 s18, $0x5;
	[sflag:s11] =	ssyncadd.s32 $0xFFFFFF80  }
0x14: {  	v0 =	vld [tilespmem:s18+$0xFFFFD020]  }
0x15: {  	v1 =	vld [tilespmem:$0x2020];
	_ =	sdelay $0x4  }
0x16: {  	v1 =	vadd.f32 v1, v0;
	_ =	sdelay $0x1  }
0x17: {  	[tilespmem:s15+$0xFFFFF800] =	vst v1  }
0x18: {  	v1 =	vld [tilespmem:$0x2040];
	_ =	sdelay $0x4  }
0x19: {  	v1 =	vadd.f32 v1, v0;
	_ =	sdelay $0x1  }
0x1a: {  	[tilespmem:s15+$0xFFFFFC00] =	vst v1  }
0x1b: {  	v1 =	vld [tilespmem:$0x2060];
	_ =	sdelay $0x4  }
0x1c: {  	v1 =	vadd.f32 v1, v0;
	_ =	sdelay $0x1  }
0x1d: {  	[tilespmem:s15+$0x0] =	vst v1  }
0x1e: {  	v1 =	vld [tilespmem:$0x2080];
	_ =	sdelay $0x4  }
0x1f: {  	v0 =	vadd.f32 v1, v0;
	_ =	sdelay $0x1  }
0x20: {  	[tilespmem:s15+$0x400] =	vst v0  }
0x21: {  	v0 =	vld [tilespmem:s18+$0xFFFFD030]  }
0x22: {  	v1 =	vld [tilespmem:$0x2030];
	_ =	sdelay $0x4  }
0x23: {  	v1 =	vadd.f32 v1, v0;
	_ =	sdelay $0x1  }
0x24: {  	[tilespmem:s15+$0xFFFFF810] =	vst v1  }
0x25: {  	v1 =	vld [tilespmem:$0x2050];
	_ =	sdelay $0x4  }
0x26: {  	v1 =	vadd.f32 v1, v0;
	_ =	sdelay $0x1  }
0x27: {  	[tilespmem:s15+$0xFFFFFC10] =	vst v1  }
0x28: {  	v1 =	vld [tilespmem:$0x2070];
	_ =	sdelay $0x4  }
0x29: {  	v1 =	vadd.f32 v1, v0;
	_ =	sdelay $0x1  }
0x2a: {  	[tilespmem:s15+$0x10] =	vst v1  }
0x2b: {  	v1 =	vld [tilespmem:$0x2090];
	_ =	sdelay $0x2  }
0x2c: {  	s20 =	sadd.s32 $0x1, s4  }
0x2d: {  	p0 =	sgt.s32 s20, $0x17F  }
0x2e: {  	s19 =	simm.s32 $0x2;
	s20 =	simm.s32 @!p0 $0x17F;
	s18 =	simm.s32 $0x28A0;
	v0 =	vadd.f32 v1, v0  }
.LBB2_2:
0x2f: {  	p0 =	sne.s32 s19, $0x1F;
	s20 =	smin.u32 s20, $0x27F  }
0x30: {  	s20 =	sshll.u32 s20, $0x5;
	[tilespmem:s18+$0x410] =	vst v0  }
0x31: {  	v0 =	vld [tilespmem:s20+$0xFFFFD020]  }
0x32: {  	v1 =	vld [tilespmem:$0x2020];
	_ =	sdelay $0x4  }
0x33: {  	v1 =	vadd.f32 v1, v0  }
0x34: {  	s18 =	sadd.s32 $0x20, s18  }
0x35: {  	[tilespmem:s18+$0xFFFFF800] =	vst v1  }
0x36: {  	v1 =	vld [tilespmem:$0x2040];
	_ =	sdelay $0x4  }
0x37: {  	v1 =	vadd.f32 v1, v0;
	_ =	sdelay $0x1  }
0x38: {  	[tilespmem:s18+$0xFFFFFC00] =	vst v1  }
0x39: {  	v1 =	vld [tilespmem:$0x2060];
	_ =	sdelay $0x4  }
0x3a: {  	v1 =	vadd.f32 v1, v0;
	_ =	sdelay $0x1  }
0x3b: {  	[tilespmem:s18+$0x0] =	vst v1  }
0x3c: {  	v1 =	vld [tilespmem:$0x2080];
	_ =	sdelay $0x4  }
0x3d: {  	v0 =	vadd.f32 v1, v0;
	_ =	sdelay $0x1  }
0x3e: {  	[tilespmem:s18+$0x400] =	vst v0  }
0x3f: {  	v0 =	vld [tilespmem:s20+$0xFFFFD030]  }
0x40: {  	v1 =	vld [tilespmem:$0x2030];
	_ =	sdelay $0x4  }
0x41: {  	v1 =	vadd.f32 v1, v0;
	_ =	sdelay $0x1  }
0x42: {  	[tilespmem:s18+$0xFFFFF810] =	vst v1  }
0x43: {  	v1 =	vld [tilespmem:$0x2050];
	_ =	sdelay $0x4  }
0x44: {  	v1 =	vadd.f32 v1, v0;
	_ =	sdelay $0x1  }
0x45: {  	[tilespmem:s18+$0xFFFFFC10] =	vst v1  }
0x46: {  	v1 =	vld [tilespmem:$0x2070];
	_ =	sdelay $0x4  }
0x47: {  	v1 =	vadd.f32 v1, v0;
	_ =	sdelay $0x1  }
0x48: {  	[tilespmem:s18+$0x10] =	vst v1  }
0x49: {  	v1 =	vld [tilespmem:$0x2090]  }
.Ltmp0:
0x4a: {  	(pc) =	sbr.rel @p0 .LBB2_2-.Ltmp0, $4  }
0x4b: {  	_ = 	snop  }
0x4c: {  	s20 =	sadd.s32 s19, s4  }
0x4d: {  	p1 =	sgt.s32 s20, $0x17F  }
0x4e: {  	s19 =	sadd.s32 $0x1, s19;
	s20 =	simm.s32 @!p1 $0x17F;
	v0 =	vadd.f32 v1, v0  }
0x4f: {  	s19 =	smin.u32 s20, $0x27F  }
0x50: {  	s19 =	sshll.u32 s19, $0x5;
	[tilespmem:s18+$0x410] =	vst v0  }
0x51: {  	v0 =	vld [tilespmem:s19+$0xFFFFD020]  }
0x52: {  	v1 =	vld [tilespmem:$0x2020];
	_ =	sdelay $0x4  }
0x53: {  	v1 =	vadd.f32 v1, v0  }
0x54: {  	s31 =	sadd.s32 $0x20, s18  }
0x55: {  	[tilespmem:s31+$0xFFFFF800] =	vst v1  }
0x56: {  	v1 =	vld [tilespmem:$0x2040];
	_ =	sdelay $0x4  }
0x57: {  	v1 =	vadd.f32 v1, v0;
	_ =	sdelay $0x1  }
0x58: {  	[tilespmem:s31+$0xFFFFFC00] =	vst v1  }
0x59: {  	v1 =	vld [tilespmem:$0x2060];
	_ =	sdelay $0x4  }
0x5a: {  	v1 =	vadd.f32 v1, v0;
	_ =	sdelay $0x1  }
0x5b: {  	[tilespmem:s31+$0x0] =	vst v1  }
0x5c: {  	v1 =	vld [tilespmem:$0x2080];
	_ =	sdelay $0x4  }
0x5d: {  	v0 =	vadd.f32 v1, v0;
	_ =	sdelay $0x1  }
0x5e: {  	[tilespmem:s31+$0x400] =	vst v0  }
0x5f: {  	v0 =	vld [tilespmem:s19+$0xFFFFD030]  }
0x60: {  	v63 =	vld [tilespmem:$0x2030];
	_ =	sdelay $0x4  }
0x61: {  	v1 =	vadd.f32 v63, v0;
	_ =	sdelay $0x1  }
0x62: {  	[tilespmem:s31+$0xFFFFF810] =	vst v1  }
0x63: {  	v1 =	vld [tilespmem:$0x2050];
	_ =	sdelay $0x4  }
0x64: {  	v1 =	vadd.f32 v1, v0;
	_ =	sdelay $0x1  }
0x65: {  	[tilespmem:s31+$0xFFFFFC10] =	vst v1  }
0x66: {  	v1 =	vld [tilespmem:$0x2070];
	_ =	sdelay $0x4  }
0x67: {  	v1 =	vadd.f32 v1, v0;
	_ =	sdelay $0x1  }
0x68: {  	[tilespmem:s31+$0x10] =	vst v1  }
0x69: {  	v1 =	vld [tilespmem:$0x2090];
	_ =	sdelay $0x4  }
0x6a: {  	v0 =	vadd.f32 v1, v0;
	_ =	sdelay $0x1  }
0x6b: {  	[tilespmem:s31+$0x410] =	vst v0  }
0x6c: {  	[hbm4b:s6+s3] =	stream.linear.scatter [tilespmem:s13], [sflag:$0x1], $0x400, $0x38;
	[tilespmem:$0x30A0] =	vst v63  }
0x6d: {  	_ =	swait.ge [sflag:s11], $0x400  }
0x6e: {  	[sflag:s11] =	ssyncset.done $0x0  }
0x6f: {  	[sflag:s11] =	ssyncadd.s32 $0xFFFFFC00  }
0x70: {  	[hbm4b:s7+s3] =	stream.linear.scatter [tilespmem:s14], [sflag:$0x1], $0x400, $0x38;
	[tilespmem:$0x30A0] =	vst v63  }
0x71: {  	_ =	swait.ge [sflag:s11], $0x400  }
0x72: {  	[sflag:s11] =	ssyncset.done $0x0  }
0x73: {  	[sflag:s11] =	ssyncadd.s32 $0xFFFFFC00  }
0x74: {  	[hbm4b:s8+s3] =	stream.linear.scatter [tilespmem:s15], [sflag:$0x1], $0x400, $0x38;
	[tilespmem:$0x30A0] =	vst v63  }
0x75: {  	s17 =	sadd.s32 $0x1, s17;
	_ =	swait.ge [sflag:s11], $0x400  }
0x76: {  	p0 =	sne.s32 s17, s10;
	[sflag:s11] =	ssyncset.done $0x0  }
.Ltmp1:
0x77: {  	[sflag:s11] =	ssyncadd.s32 $0xFFFFFC00;
	(pc) =	sbr.rel @p0 .LBB2_1-.Ltmp1, $4  }
0x78: {  	[hbm4b:s9+s3] =	stream.linear.scatter [tilespmem:s16], [sflag:$0x1], $0x400, $0x38;
	[tilespmem:$0x30A0] =	vst v63  }
0x79: {  	_ =	swait.ge [sflag:s11], $0x400  }
0x7a: {  	[sflag:s11] =	ssyncset.done $0x0  }
0x7b: {  	[sflag:s11] =	ssyncadd.s32 $0xFFFFFC00  }
0x7c: {  	_ =	sfence.sel $0x180000  }
0x7d: {  	[bflag:$0x0] =	sbarrier.arrive $0xFFFF  }
0x7e: {  	p0 =	sne.s32 s1, $0x0;
	_ =	strace $0x90000047  }
0x7f: {  	s0 =	sadd.s32 @!p0 $0x100000, s0;
	[bflag:$0x2] =	sbarrier.arrive $0xFFFF  }
0x80: {  	[sflag:s0] =	ssyncadd.tile.s32 @!p0 $0x1;
	_ =	shalt  }
.Lfunc_end2:
_tile_overlayer_lowered:
.L_overlay_start_2:
0x81: {  	(tag) =	ssettag $0x2  }
0x82: {  	s0 =	rddreg [dreg:$0x0];
	s2 =	stileid.u32  }
0x83: {  	s1 =	rddreg [dreg:$0x1];
	p0 =	sne.s32 s2, $0x0  }
0x84: {  	s3 =	rddreg [dreg:$0x2];
	[bflag:$0x3] =	sbarrier.arrive $0xFFFF;
	s2 =	simm.s32 @!p0 $0x1C01  }
0x85: {  	[timem:s3], [sflag:s2] =	dma.local @!p0 [hbm:s0], s1  }
0x86: {  	s0 =	simm.s32 @!p0 $0x1  }
0x87: {  	_ =	swait.ge @!p0 [sflag:s0], s1  }
0x88: {  	s1 =	ssub.s32 @!p0 $0x0, s1;
	[sflag:s0] =	ssyncset.done @!p0 $0x0  }
0x89: {  	[sflag:s0] =	ssyncadd.s32 @!p0 s1  }
0x8a: {  	[bflag:$0x3] =	sbarrier.arrive $0xFFFF  }
0x8b: {  	_ =	shalt  }

// kernel: kernel.7.cloned.1.call-start
scs
__scs_entry_jumppad:
0x0: {  	(pc) =	sbr.rel $0x88, $3  }
0x1: {  	(tag) =	ssettag $0x0;
	lr =	simm.s32 $0x1  }
0x2: {  	[smem:$0x3F9E] =	sst lr;
	_ =	strace $0xD0000000  }
0x3: {  	_ = 	snop  }
0x4: {  	_ = 	snop  }
0x5: {  	_ = 	snop  }
0x6: {  	_ = 	snop  }
0x7: {  	_ = 	snop  }
__scs_overlays_trampoline_lowered:
0x8: {  	[smem:$0x3FAD] =	sst s0  }
0x9: {  	[smem:$0x3FAE] =	sst s1  }
0xa: {  	[smem:$0x3FAF] =	sst s2  }
0xb: {  	[smem:$0x3FB0] =	sst s3  }
0xc: {  	[smem:$0x3FB1] =	sst s4  }
0xd: {  	[smem:$0x3FB2] =	sst s5  }
0xe: {  	[smem:$0x3FB3] =	sst s6  }
0xf: {  	[smem:$0x3FB4] =	sst s7  }
0x10: {  	[smem:$0x3FB5] =	sst s8  }
0x11: {  	[smem:$0x3FB6] =	sst s9;
	s0 =	simm.s32 @!p0 $0x0  }
0x12: {  	s1 =	sld [smem:$0x3F9C];
	s0 =	simm.s32 @p0 $0x1  }
0x13: {  	[smem:$0x3FB7] =	sst s0;
	s0 =	simm.s32 @!p1 $0x0  }
0x14: {  	s2 =	sld [smem:$0x3F9B];
	s0 =	simm.s32 @p1 $0x1  }
0x15: {  	[smem:$0x3FB8] =	sst s0;
	s0 =	simm.s32 @!p2 $0x0  }
0x16: {  	s3 =	sld [smem:$0x3FDB];
	s0 =	simm.s32 @p2 $0x1  }
0x17: {  	s4 =	simm.s32 $0x1BF5;
	[smem:$0x3FBA] =	sst s0  }
0x18: {  	s0 =	sld [smem:$0x3F9D];
	_ =	swait.ge [sflag:s4], $0x0  }
0x19: {  	s7 =	sld [smem:$0x3F9E]  }
0x1a: {  	s8 =	sadd.s32 $0xFFFFE003, lr  }
0x1b: {  	s9 =	sadd.s32 $0xFFFFFEF7, lr;
	s5 =	simm.s32 $0xFFFFFFFF;
	p2 =	slt.u32 s8, $0xFFFFF086  }
0x1c: {  	p1 =	slt.u32 s9, $0xF7A;
	s5 =	simm.s32 @!p2 $0x0  }
0x1d: {  	s5 =	simm.s32 @p1 $0x1;
	p0 =	seq.s32 s7, s2  }
0x1e: {  	s7 =	smul.u32 @!p0 $0xF7A, s2;
	p2 =	seq.s32 @!p0 s5, $0x0  }
0x1f: {  	s9 =	smul.u32 $0xF7A, s1;
	s8 =	simm.s32 @!p0 $0x1BF5;
	p2 =	por !p2, p0  }
0x20: {  	[sflag:s8] =	ssyncset.s32 @!p0 $0xFFFFF086;
	s6 =	sadd.s32 @!p0 s3, s7;
	s7 =	simm.s32 @!p0 $0x108  }
0x21: {  	s3 =	sadd.s32 s3, s9;
	s6 =	sadd.s32 @!p0 $0x88, s6;
	s7 =	simm.s32 @p2 $0x1082  }
0x22: {  	[simem:s7], [sflag:s8] =	dma.local @!p0 [hbm:s6], $0xF7A  }
0x23: {  	s9 =	sor.u32 $0xD0000000, s2;
	s6 =	simm.s32 $0x108;
	_ =	swait.ge @!p0 [sflag:s8], $0x0  }
0x24: {  	s3 =	sadd.s32 $0x88, s3;
	s6 =	simm.s32 @!p1 $0x1082;
	[sflag:s4] =	ssyncset.s32 $0xFFFFF086  }
0x25: {  	[simem:s6], [sflag:s4] =	dma.local [hbm:s3], $0xF7A  }
0x26: {  	[smem:$0x3F9E] =	sst s1;
	(tag) =	ssettag s2;
	_ =	strace s9  }
0x27: {  	s1 =	sld [smem:$0x3FAE]  }
0x28: {  	s2 =	sld [smem:$0x3FAF]  }
0x29: {  	s4 =	sld [smem:$0x3FB1]  }
0x2a: {  	p0 =	seq.s32 s5, $0x0;
	s5 =	sld [smem:$0x3FB2]  }
0x2b: {  	s6 =	sld [smem:$0x3FB3]  }
0x2c: {  	s7 =	sld [smem:$0x3FB4]  }
0x2d: {  	s3 =	simm.s32 $0x108;
	s8 =	sld [smem:$0x3FB5]  }
0x2e: {  	s3 =	simm.s32 @!p0 $0x1082;
	s9 =	sld [smem:$0x3FB6]  }
0x2f: {  	lr =	sadd.s32 s0, s3;
	s0 =	sld [smem:$0x3FAD]  }
0x30: {  	s3 =	sld [smem:$0x3FB0]  }
0x31: {  	[smem:$0x3FB9] =	sst s10  }
0x32: {  	s10 =	sld [smem:$0x3FB7];
	_ =	sdelay $0x3  }
0x33: {  	p0 =	seq.s32 s10, $0x1;
	s10 =	sld [smem:$0x3FB9];
	_ =	sdelay $0x3  }
0x34: {  	[smem:$0x3FB9] =	sst s10  }
0x35: {  	s10 =	sld [smem:$0x3FB8];
	_ =	sdelay $0x3  }
0x36: {  	p1 =	seq.s32 s10, $0x1;
	s10 =	sld [smem:$0x3FB9];
	_ =	sdelay $0x3  }
0x37: {  	[smem:$0x3FB9] =	sst s10  }
0x38: {  	s10 =	sld [smem:$0x3FBA]  }
0x39: {  	_ = 	snop;
	(pc) =	sbr.ind lr, $3  }
0x3a: {  	_ = 	snop  }
0x3b: {  	_ = 	snop  }
0x3c: {  	p2 =	seq.s32 s10, $0x1;
	s10 =	sld [smem:$0x3FB9]  }
0x3d: {  	_ =	shalt  }
0x3e: {  	_ =	shalt  }
0x3f: {  	_ =	shalt  }
0x40: {  	_ =	shalt  }
0x41: {  	_ =	shalt  }
0x42: {  	_ =	shalt  }
0x43: {  	_ =	shalt  }
0x44: {  	_ =	shalt  }
0x45: {  	_ =	shalt  }
0x46: {  	_ =	shalt  }
0x47: {  	_ =	shalt  }
0x48: {  	_ =	shalt  }
0x49: {  	_ =	shalt  }
0x4a: {  	_ =	shalt  }
0x4b: {  	_ =	shalt  }
0x4c: {  	_ =	shalt  }
0x4d: {  	_ =	shalt  }
0x4e: {  	_ =	shalt  }
0x4f: {  	_ =	shalt  }
0x50: {  	_ =	shalt  }
0x51: {  	_ =	shalt  }
0x52: {  	_ =	shalt  }
0x53: {  	_ =	shalt  }
0x54: {  	_ =	shalt  }
0x55: {  	_ =	shalt  }
0x56: {  	_ =	shalt  }
0x57: {  	_ =	shalt  }
0x58: {  	_ =	shalt  }
0x59: {  	_ =	shalt  }
0x5a: {  	_ =	shalt  }
0x5b: {  	_ =	shalt  }
0x5c: {  	_ =	shalt  }
0x5d: {  	_ =	shalt  }
0x5e: {  	_ =	shalt  }
0x5f: {  	_ =	shalt  }
0x60: {  	_ =	shalt  }
0x61: {  	_ =	shalt  }
0x62: {  	_ =	shalt  }
0x63: {  	_ =	shalt  }
0x64: {  	_ =	shalt  }
0x65: {  	_ =	shalt  }
0x66: {  	_ =	shalt  }
0x67: {  	_ =	shalt  }
0x68: {  	_ =	shalt  }
0x69: {  	_ =	shalt  }
0x6a: {  	_ =	shalt  }
0x6b: {  	_ =	shalt  }
0x6c: {  	_ =	shalt  }
0x6d: {  	_ =	shalt  }
0x6e: {  	_ =	shalt  }
0x6f: {  	_ =	shalt  }
0x70: {  	_ =	shalt  }
0x71: {  	_ =	shalt  }
0x72: {  	_ =	shalt  }
0x73: {  	_ =	shalt  }
0x74: {  	_ =	shalt  }
0x75: {  	_ =	shalt  }
0x76: {  	_ =	shalt  }
0x77: {  	_ =	shalt  }
0x78: {  	_ =	shalt  }
0x79: {  	_ =	shalt  }
0x7a: {  	_ =	shalt  }
0x7b: {  	_ =	shalt  }
0x7c: {  	_ =	shalt  }
0x7d: {  	_ =	shalt  }
0x7e: {  	_ =	shalt  }
0x7f: {  	_ =	shalt  }
0x80: {  	_ =	shalt  }
0x81: {  	_ =	shalt  }
0x82: {  	_ =	shalt  }
0x83: {  	_ =	shalt  }
0x84: {  	_ =	shalt  }
0x85: {  	_ =	shalt  }
0x86: {  	_ =	shalt  }
0x87: {  	_ =	shalt  }
.Lfunc_end0:
.L_simem_size_0:
called_computation.2_lowered:
.L_overlay_start_0:
0x88: {  	s2 =	sld [smem:$0x3FD9]  }
0x89: {  	s3 =	sld [smem:$0x3FFE];
	_ =	sdelay $0x1  }
0x8a: {  	s1 =	srdreg.scid  }
0x8b: {  	s0 =	sand.u32 $0x1, s1  }
0x8c: {  	s17 =	sshll.u32 s0, $0xA;
	s2 =	sadd.s32 s3, s2  }
0x8d: {  	s2 =	sadd.s32 s2, s17  }
0x8e: {  	[smem:$0x3FC5] =	sst s2  }
0x8f: {  	_ = 	snop  }
0x90: {  	s2 =	sld [smem:$0x3FD0];
	(tm) =	ssettm $0x1  }
0x91: {  	s18 =	sld [smem:$0x3FFB];
	_ =	sdelay $0x3  }
0x92: {  	_ =	strace s18  }
0x93: {  	s3 =	sld [smem:$0x3FFC];
	_ =	sdelay $0x3  }
0x94: {  	_ =	strace s3  }
0x95: {  	s3 =	sld [smem:$0x3FFD];
	_ =	sdelay $0x3  }
0x96: {  	_ =	strace s3  }
0x97: {  	_ =	strace $0x8FFFFFFF  }
0x98: {  	s19 =	sld [smem:$0x3FDB];
	_ =	sdelay $0x1  }
0x99: {  	s4 =	simm.s32 $_scs_section_size  }
0x9a: {  	s5 =	simm.s32 $_size__tile_overlayer_lowered;
	s6 =	simm.s32 $_tile_overlayer_lowered  }
0x9b: {  	s22 =	simm.s32 $0x1BFF;
	s21 =	sshll.u32 s6, $0x1;
	s3 =	sadd.s32 s4, s19  }
0x9c: {  	s7 =	simm.s32 $0x0;
	s20 =	sshll.u32 s5, $0x1;
	s5 =	sadd.s32 s21, s3  }
0x9d: {  	[timem:s7], [sflag:s22] =	dma.local [hbm:s5], s20  }
0x9e: {  	_ =	swait.ge [sflag:s22], s20  }
0x9f: {  	s4 =	ssub.s32 $0x0, s20;
	[sflag:s22] =	ssyncset.done $0x0  }
0xa0: {  	[sflag:s22] =	ssyncadd.s32 s4;
	_ =	sdelay $0x1  }
0xa1: {  	s23 =	simm.s32 $0x1B8B  }
0xa2: {  	_ =	swait.ge [sflag:s23], $0x1  }
0xa3: {  	[sflag:s23] =	ssyncset.done $0x0  }
0xa4: {  	s25 =	simm.s32 $0x1B8E;
	s24 =	sld [smem:$0x3FFE];
	[sflag:s23] =	ssyncadd.s32 $0xFFFFFFFF  }
0xa5: {  	s26 =	simm.s32 $execute0_lowered;
	[smem:$0x3FD2] =	sst s25  }
0xa6: {  	s5 =	sshll.u32 s26, $0x1;
	_ =	strace $0x80000049;
	[dreg:$0x1] =	wrdreg $0xFFFFFFFF  }
0xa7: {  	s28 =	simm.s32 $_size_execute0_lowered;
	s3 =	sadd.s32 s3, s5;
	[dreg:$0x0] =	wrdreg $0x0  }
0xa8: {  	s5 =	sshll.u32 s28, $0x1;
	[dreg:$0x2] =	wrdreg s3  }
0xa9: {  	[dreg:$0x3] =	wrdreg s5  }
0xaa: {  	[dreg:$0x4] =	wrdreg $0xC0  }
0xab: {  	_ =	task [dreg:s7], $0x5FFFF  }
0xac: {  	[dreg:$0x1] =	wrdreg $0xFFFFFFFF  }
0xad: {  	[dreg:$0x0] =	wrdreg $0x60  }
0xae: {  	[dreg:$0x2] =	wrdreg s24  }
0xaf: {  	[dreg:$0x3] =	wrdreg s2  }
0xb0: {  	[dreg:$0x4] =	wrdreg $0x9  }
0xb1: {  	_ =	task.clear_ibuf [dreg:s7], $0x5FFFF;
	_ =	strace $0x90000049  }
0xb2: {  	s29 =	simm.s32 $0x9;
	_ =	strace $0x8000004B  }
0xb3: {  	_ =	swait.ge [sflag:s29], $0x1  }
0xb4: {  	[sflag:s29] =	ssyncadd.s32 $0xFFFFFFFF  }
0xb5: {  	_ =	strace $0x9000004B  }
0xb6: {  	_ =	sfence  }
0xb7: {  	s30 =	sld [smem:$0x0];
	_ =	sdelay $0x2  }
0xb8: {  	s31 =	sshll.u32 s1, $0xD;
	s1 =	sshrl.u32 s1, $0x2  }
0xb9: {  	s3 =	sand.u32 $0x4000, s31;
	s1 =	sadd.s32 s1, s30  }
0xba: {  	s0 =	sor.u32 s3, s0;
	s1 =	sshll.u32 s1, $0x11  }
0xbb: {  	s0 =	sor.u32 s1, s0  }
0xbc: {  	s0 =	sadd.s32 $0x8F2B, s0  }
0xbd: {  	[sflag:s0] =	ssyncadd.remote.s32 $0x1  }
0xbe: {  	_ =	sfence.sel $0xFFFF  }
0xbf: {  	[dreg:$0x0] =	wrdreg $0xFFFFFFFF;
	(pc) =	sbr.abs _section_cstart, $3  }
0xc0: {  	[dreg:$0x1] =	wrdreg $0xFFFFFFFF  }
0xc1: {  	_ =	task.clear_ibuf [dreg:s7], $0x2FFFF;
	_ =	strace $0x9FFFFFFF  }
0xc2: {  	(tm) =	ssettm $0x7FFFFFFF  }
0xc3: {  	_ =	shalt  }
tec
execute0_lowered:
.L_overlay_start_1:
0x0: {  	(tag) =	ssettag $0x1  }
0x1: {  	s0 =	rddreg [dreg:$0x0];
	s8 =	simm.s32 $0x0;
	s1 =	srdreg.scid  }
0x2: {  	s3 =	stileid.u32;
	[smem:$0x7FF] =	sst s8  }
0x3: {  	s1 =	sand.u32 $0x1, s1;
	s9 =	sadd.s32 $0x4E00, s0;
	s4 =	sadd.s32 $0xE00, s0  }
0x4: {  	s0 =	sadd.s32 $0x4E40, s0;
	_ =	strace $0x8000004A;
	[dreg:$0x3] =	wrdreg s9  }
0x5: {  	s2 =	sshll.u32 s1, $0x4;
	s1 =	ssub.s32 $0x2, s1;
	[dreg:$0xa] =	wrdreg s0  }
0x6: {  	s2 =	sor.u32 s3, s2;
	s3 =	sand.u32 $0x7, s3;
	s5 =	sshrl.u32 s1, $0x1  }
0x7: {  	p0 =	seq.s32 s2, $0x0;
	p1 =	sne.s32 s3, $0x0;
	s1 =	ssub.s32 s1, s5  }
0x8: {  	s5 =	simm.s32 $0x1;
	s24 =	sshll.u32 s3, $0x6;
	s3 =	sshll.u32 s3, $0x8  }
0x9: {  	s2 =	sshrl.u32 s2, $0x3;
	p0 =	por !p1, !p0;
	s6 =	sxor.u32 $0x700, s3  }
0xa: {  	s7 =	sxor.u32 $0x1700, s3;
	s28 =	sxor.u32 $0x2700, s3;
	p0 =	por !p0, !p0  }
0xb: {  	s3 =	sxor.u32 $0x3700, s3;
	s31 =	smax.u32 s1, $0x1;
	s5 =	simm.s32 @!p0 $0x0  }
0xc: {  	s25 =	sadd.s32 s4, s6;
	[dreg:$0xb] =	wrdreg s31;
	s2 =	ssub.s32 s2, s5  }
0xd: {  	s26 =	sadd.s32 s4, s7;
	[dreg:$0x5] =	wrdreg s25;
	s2 =	sshll.u32 s2, $0x9  }
.Ltmp0:
0xe: {  	[dreg:$0x6] =	wrdreg s26;
	s5 =	sor.u32 s24, s2;
	(pc) =	sbr.rel .LBB2_1-.Ltmp0, $4  }
0xf: {  	s29 =	sadd.s32 s4, s3;
	[dreg:$0x4] =	wrdreg s5;
	s5 =	sshll.u32 s5, $0x6  }
0x10: {  	[dreg:$0x8] =	wrdreg s29;
	s2 =	sadd.s32 s4, s28;
	s30 =	sand.u32 $0x1FFFF000, s5  }
0x11: {  	[dreg:$0x7] =	wrdreg s2;
	s2 =	sadd.s32 s9, s30  }
0x12: {  	v0 =	vlaneseq.u32;
	[dreg:$0x9] =	wrdreg s2;
	s2 =	simm.s32 $0x0  }
.LBB2_34:
0x13: {  	s0 =	simm.s32 $0x3  }
0x14: {  	_ =	swait.ge [sflag:s0], $0x4000  }
0x15: {  	[sflag:s0] =	ssyncset.done $0x0  }
0x16: {  	s1 =	simm.s32 $0x4;
	[sflag:s0] =	ssyncadd.s32 $0xFFFFC000  }
0x17: {  	_ =	swait.ge [sflag:s1], $0x4000  }
0x18: {  	s2 =	rddreg [dreg:$0xc]  }
0x19: {  	s31 =	rddreg [dreg:$0xb];
	s2 =	sadd.s32 $0x1, s2  }
0x1a: {  	p0 =	sne.s32 s2, s31  }
.Ltmp1:
0x1b: {  	_ = 	snop;
	(pc) =	sbr.rel @!p0 .LBB2_35-.Ltmp1, $3  }
0x1c: {  	_ =	sdelay $0x1  }
0x1d: {  	[sflag:s1] =	ssyncset.done $0x0  }
0x1e: {  	[sflag:s1] =	ssyncadd.s32 $0xFFFFC000  }
.LBB2_1:
0x1f: {  	[dreg:$0xc] =	wrdreg s2  }
0x20: {  	s0 =	rddreg [dreg:$0x5];
	s1 =	simm.s32 $0x5  }
0x21: {  	[tilespmem:s8], [sflag:$0x5] =	stream.linear.gather [hbm4b:s0+s8], $0x4800, $0x38;
	[tilespmem:$0x1A400] =	vst v63  }
0x22: {  	_ =	swait.ge [sflag:s1], $0x4800  }
0x23: {  	[sflag:s1] =	ssyncset.done $0x0  }
0x24: {  	s24 =	simm.s32 $0x4800;
	s23 =	rddreg [dreg:$0x6];
	[sflag:s1] =	ssyncadd.s32 $0xFFFFB800  }
0x25: {  	[tilespmem:s24], [sflag:$0x5] =	stream.linear.gather [hbm4b:s23+s8], $0x4800, $0x38;
	[tilespmem:$0x1A400] =	vst v63  }
0x26: {  	_ =	swait.ge [sflag:s1], $0x4800  }
0x27: {  	[sflag:s1] =	ssyncset.done $0x0  }
0x28: {  	s26 =	simm.s32 $0x9000;
	s25 =	rddreg [dreg:$0x7];
	[sflag:s1] =	ssyncadd.s32 $0xFFFFB800  }
0x29: {  	[tilespmem:s26], [sflag:$0x5] =	stream.linear.gather [hbm4b:s25+s8], $0x4800, $0x38;
	[tilespmem:$0x1A400] =	vst v63  }
0x2a: {  	_ =	swait.ge [sflag:s1], $0x4800  }
0x2b: {  	[sflag:s1] =	ssyncset.done $0x0  }
0x2c: {  	s29 =	simm.s32 $0xD800;
	s28 =	rddreg [dreg:$0x8];
	[sflag:s1] =	ssyncadd.s32 $0xFFFFB800  }
0x2d: {  	[tilespmem:s29], [sflag:$0x5] =	stream.linear.gather [hbm4b:s28+s8], $0x4800, $0x38;
	[tilespmem:$0x1A400] =	vst v63  }
0x2e: {  	_ =	swait.ge [sflag:s1], $0x4800  }
0x2f: {  	s31 =	simm.s32 $0x12000;
	s7 =	simm.s32 $0x0;
	[sflag:s1] =	ssyncset.done $0x0  }
0x30: {  	s26 =	simm.s32 $0x0;
	s30 =	rddreg [dreg:$0x9];
	[sflag:s1] =	ssyncadd.s32 $0xFFFFB800  }
0x31: {  	[tilespmem:s31], [sflag:$0x1] =	stream.linear.gather [hbm4b:s30+s8], $0x200, $0x38;
	[tilespmem:$0x1A400] =	vst v63  }
.LBB2_2:
0x32: {  	s14 =	sshll.u32 s7, $0x1;
	s0 =	rddreg [dreg:$0x4]  }
0x33: {  	s17 =	sor.u32 s0, s14  }
0x34: {  	s0 =	sshll.u32 s17, $0x6  }
0x35: {  	s1 =	rddreg [dreg:$0xa];
	s0 =	sand.u32 $0x1FFFFF80, s0  }
0x36: {  	s28 =	simm.s32 $0x12200;
	s29 =	simm.s32 $0x1;
	s0 =	sadd.s32 s0, s1  }
0x37: {  	[tilespmem:s28], [sflag:$0x2] =	stream.linear.gather [hbm4b:s0+s8], $0x200, $0x38;
	[tilespmem:$0x1A400] =	vst v63  }
0x38: {  	_ =	swait.ge [sflag:s29], $0x200  }
0x39: {  	p1 =	seq.s32 s7, $0x0;
	[sflag:s29] =	ssyncset.done $0x0  }
0x3a: {  	s0 =	simm.s32 @!p1 $0x3;
	[sflag:s29] =	ssyncadd.s32 $0xFFFFFE00  }
0x3b: {  	_ =	swait.ge @!p1 [sflag:s0], $0x4000  }
0x3c: {  	[sflag:s0] =	ssyncset.done @!p1 $0x0  }
0x3d: {  	s30 =	simm.s32 $0x12000;
	[sflag:s0] =	ssyncadd.s32 @!p1 $0xFFFFC000  }
0x3e: {  	v1 =	vld [tilespmem:s30+$0x0];
	_ =	sdelay $0x4  }
0x3f: {  	v1 =	vmul.u32 $0x240, v1  }
0x40: {  	s31 =	sadd.s32 $0x3F, s26;
	p0 =	por $0x1, $0x1  }
.Ltmp2:
0x41: {  	v1 =	vadd.s32 s31, v1;
	(pc) =	sbr.rel @!p0 .LBB2_3-.Ltmp2, $4  }
0x42: {  	s4 =	simm.s32 $0x12500;
	v1 =	vadd.s32 v0, v1  }
0x43: {  	p2 =	por $0x0, $0x0;
	p3 =	por $0x0, $0x0;
	[dreg:$0xd] =	wrdreg s7;
	v1 =	vshll.u32 v1, $0x7  }
0x44: {  	p4 =	por $0x0, $0x0;
	p5 =	por $0x0, $0x0;
	[dreg:$0xe] =	wrdreg s14;
	v1 =	vshra.s32 v1, $0x2  }
0x45: {  	p6 =	por $0x0, $0x0;
	s0 =	simm.s32 $0x12010;
	[dreg:$0x10] =	wrdreg s17;
	(v2sf) =	vpush v1, $0x0  }
0x46: {  	_ =	sdelay $0xa  }
0x47: {  	(v2sf) =	vpush v1, $0x1;
	_ =	sdelay $0x2  }
0x48: {  	s1 =	spop (v2sf)  }
0x49: {  	v2 =	vld [tilespmem:s1+$0x0];
	_ =	sdelay $0x4  }
0x4a: {  	[tilespmem:s4+$0xFFFFFF00] =	vst v2  }
0x4b: {  	v2 =	vld [tilespmem:s1+$0x10];
	_ =	sdelay $0x1  }
0x4c: {  	(v2sf) =	vpush v1, $0x2;
	_ =	sdelay $0x2  }
0x4d: {  	v3 =	vld [tilespmem:s0+$0x0];
	s30 =	spop (v2sf);
	[tilespmem:s4+$0xFFFFFF10] =	vst v2  }
0x4e: {  	v2 =	vld [tilespmem:s30+$0x0];
	_ =	sdelay $0x4  }
0x4f: {  	v3 =	vmul.u32 $0x240, v3;
	[tilespmem:s4+$0xFFFFFF20] =	vst v2  }
0x50: {  	s31 =	sadd.s32 $0x4F, s26;
	v4 =	vld [tilespmem:s30+$0x10]  }
0x51: {  	p0 =	por $0x1, $0x1;
	v2 =	vadd.s32 s31, v3  }
.Ltmp3:
0x52: {  	v2 =	vadd.s32 v0, v2;
	(pc) =	sbr.rel @!p0 .LBB2_5-.Ltmp3, $4  }
0x53: {  	v2 =	vshll.u32 v2, $0x7  }
0x54: {  	v2 =	vshra.s32 v2, $0x2  }
0x55: {  	s25 =	spop (v2sf);
	(v2sf) =	vpush v2, $0x0;
	[tilespmem:s4+$0xFFFFFF30] =	vst v4  }
0x56: {  	p2 =	por $0x1, $0x1;
	s1 =	simm.s32 $0x12020;
	(v2sf) =	vpush v1, $0x3;
	v18 =	vld [tilespmem:s25+$0x0]  }
0x57: {  	_ =	sdelay $0x7  }
0x58: {  	[tilespmem:s4+$0xFFFFFF40] =	vst v18  }
0x59: {  	v3 =	vld [tilespmem:s25+$0x10]  }
0x5a: {  	(v2sf) =	vpush v2, $0x1  }
0x5b: {  	(v2sf) =	vpush v1, $0x4;
	_ =	sdelay $0x1  }
0x5c: {  	s2 =	spop (v2sf)  }
0x5d: {  	[tilespmem:s4+$0xFFFFFF50] =	vst v3;
	v4 =	vld [tilespmem:s2+$0x0];
	s3 =	spop (v2sf)  }
0x5e: {  	v3 =	vld [tilespmem:s3+$0x0];
	_ =	sdelay $0x2  }
0x5f: {  	s0 =	simm.s32 $0x12700  }
0x60: {  	[tilespmem:s0+$0xFFFFFF00] =	vst v4  }
0x61: {  	v4 =	vld [tilespmem:s2+$0x10];
	[tilespmem:s4+$0xFFFFFF60] =	vst v3  }
0x62: {  	v3 =	vld [tilespmem:s3+$0x10]  }
0x63: {  	(v2sf) =	vpush v2, $0x2;
	_ =	sdelay $0x2  }
0x64: {  	v5 =	vld [tilespmem:s1+$0x0];
	s29 =	spop (v2sf);
	[tilespmem:s0+$0xFFFFFF10] =	vst v4  }
0x65: {  	s30 =	spop (v2sf);
	v4 =	vld [tilespmem:s29+$0x0];
	[tilespmem:s4+$0xFFFFFF70] =	vst v3  }
0x66: {  	v3 =	vld [tilespmem:s30+$0x0];
	_ =	sdelay $0x2  }
0x67: {  	v5 =	vmul.u32 $0x240, v5  }
0x68: {  	s31 =	sadd.s32 $0x5F, s26;
	[tilespmem:s0+$0xFFFFFF20] =	vst v4  }
0x69: {  	v4 =	vadd.s32 s31, v5;
	v6 =	vld [tilespmem:s29+$0x10];
	[tilespmem:s4+$0xFFFFFF80] =	vst v3  }
0x6a: {  	p0 =	por $0x1, $0x1;
	v3 =	vadd.s32 v0, v4;
	v4 =	vld [tilespmem:s30+$0x10]  }
.Ltmp4:
0x6b: {  	v3 =	vshll.u32 v3, $0x7;
	(pc) =	sbr.rel @!p0 .LBB2_7-.Ltmp4, $4  }
0x6c: {  	(v2sf) =	vpush v1, $0x5;
	v5 =	vshra.s32 v3, $0x2  }
0x6d: {  	(v2sf) =	vpush v5, $0x0  }
0x6e: {  	s25 =	spop (v2sf);
	(v2sf) =	vpush v2, $0x3;
	[tilespmem:s0+$0xFFFFFF30] =	vst v6  }
0x6f: {  	s1 =	simm.s32 $0x12030;
	p3 =	por $0x1, $0x1;
	(v2sf) =	vpush v1, $0x6;
	v18 =	vld [tilespmem:s25+$0x0];
	[tilespmem:s4+$0xFFFFFF90] =	vst v4  }
0x70: {  	_ =	sdelay $0xa  }
0x71: {  	s2 =	spop (v2sf)  }
0x72: {  	[tilespmem:s0+$0xFFFFFF40] =	vst v18;
	v3 =	vld [tilespmem:s2+$0x0]  }
0x73: {  	v4 =	vld [tilespmem:s25+$0x10];
	(v2sf) =	vpush v5, $0x1;
	_ =	sdelay $0x1  }
0x74: {  	(v2sf) =	vpush v2, $0x4  }
0x75: {  	s5 =	spop (v2sf)  }
0x76: {  	v6 =	vld [tilespmem:s5+$0x0];
	[tilespmem:s4+$0xFFFFFFA0] =	vst v3  }
0x77: {  	[tilespmem:s0+$0xFFFFFF50] =	vst v4;
	s24 =	spop (v2sf);
	v3 =	vld [tilespmem:s2+$0x10]  }
0x78: {  	v4 =	vld [tilespmem:s24+$0x0]  }
0x79: {  	(v2sf) =	vpush v1, $0x7  }
0x7a: {  	s21 =	simm.s32 $0x12900  }
0x7b: {  	[tilespmem:s21+$0xFFFFFF00] =	vst v6  }
0x7c: {  	s25 =	spop (v2sf);
	v6 =	vld [tilespmem:s5+$0x10];
	[tilespmem:s4+$0xFFFFFFB0] =	vst v3  }
0x7d: {  	[tilespmem:s0+$0xFFFFFF60] =	vst v4;
	v3 =	vld [tilespmem:s25+$0x0]  }
0x7e: {  	(v2sf) =	vpush v5, $0x2;
	v4 =	vld [tilespmem:s24+$0x10];
	_ =	sdelay $0x2  }
0x7f: {  	v7 =	vld [tilespmem:s1+$0x0];
	[tilespmem:s21+$0xFFFFFF10] =	vst v6;
	s28 =	spop (v2sf)  }
0x80: {  	v6 =	vld [tilespmem:s28+$0x0];
	[tilespmem:s4+$0xFFFFFFC0] =	vst v3  }
0x81: {  	[tilespmem:s0+$0xFFFFFF70] =	vst v4;
	s29 =	spop (v2sf);
	v3 =	vld [tilespmem:s25+$0x10]  }
0x82: {  	v4 =	vld [tilespmem:s29+$0x0];
	_ =	sdelay $0x2  }
0x83: {  	v7 =	vmul.u32 $0x240, v7;
	[tilespmem:s21+$0xFFFFFF20] =	vst v6  }
0x84: {  	s30 =	sadd.s32 $0x6F, s26;
	s31 =	spop (v2sf);
	v6 =	vld [tilespmem:s28+$0x10];
	[tilespmem:s4+$0xFFFFFFD0] =	vst v3  }
0x85: {  	[tilespmem:s0+$0xFFFFFF80] =	vst v4;
	v3 =	vadd.s32 s30, v7;
	v7 =	vld [tilespmem:s31+$0x0]  }
0x86: {  	p0 =	por $0x1, $0x1;
	v4 =	vld [tilespmem:s29+$0x10];
	v3 =	vadd.s32 v0, v3  }
.Ltmp5:
0x87: {  	(v2sf) =	vpush v2, $0x5;
	v3 =	vshll.u32 v3, $0x7;
	(pc) =	sbr.rel @!p0 .LBB2_9-.Ltmp5, $4  }
0x88: {  	(v2sf) =	vpush v1, $0x8;
	v10 =	vshra.s32 v3, $0x2  }
0x89: {  	s25 =	spop (v2sf);
	[tilespmem:s21+$0xFFFFFF30] =	vst v6;
	(v2sf) =	vpush v10, $0x0  }
0x8a: {  	v18 =	vld [tilespmem:s25+$0x0];
	(v2sf) =	vpush v5, $0x3;
	[tilespmem:s4+$0xFFFFFFE0] =	vst v7  }
0x8b: {  	s1 =	simm.s32 $0x12040;
	p4 =	por $0x1, $0x1;
	[tilespmem:s0+$0xFFFFFF90] =	vst v4;
	(v2sf) =	vpush v2, $0x6;
	v16 =	vld [tilespmem:s31+$0x10]  }
0x8c: {  	_ =	sdelay $0x8  }
0x8d: {  	[tilespmem:s21+$0xFFFFFF40] =	vst v18  }
0x8e: {  	v4 =	vld [tilespmem:s25+$0x10];
	s2 =	spop (v2sf);
	(v2sf) =	vpush v1, $0x9  }
0x8f: {  	v3 =	vld [tilespmem:s2+$0x0];
	(v2sf) =	vpush v10, $0x1  }
0x90: {  	s5 =	spop (v2sf);
	(v2sf) =	vpush v5, $0x4  }
0x91: {  	[tilespmem:s4+$0xFFFFFFF0] =	vst v16  }
0x92: {  	v6 =	vld [tilespmem:s5+$0x0];
	s6 =	spop (v2sf)  }
0x93: {  	[tilespmem:s21+$0xFFFFFF50] =	vst v4;
	v7 =	vld [tilespmem:s6+$0x0];
	s23 =	spop (v2sf)  }
0x94: {  	v4 =	vld [tilespmem:s23+$0x0];
	[tilespmem:s0+$0xFFFFFFA0] =	vst v3  }
0x95: {  	v3 =	vld [tilespmem:s2+$0x10];
	_ =	sdelay $0x1  }
0x96: {  	s8 =	simm.s32 $0x12B00;
	(v2sf) =	vpush v2, $0x7;
	[tilespmem:s4+$0x0] =	vst v6  }
0x97: {  	v6 =	vld [tilespmem:s5+$0x10];
	[tilespmem:s8+$0xFFFFFF00] =	vst v7  }
0x98: {  	v7 =	vld [tilespmem:s6+$0x10];
	[tilespmem:s21+$0xFFFFFF60] =	vst v4  }
0x99: {  	s24 =	spop (v2sf);
	v4 =	vld [tilespmem:s23+$0x10];
	[tilespmem:s0+$0xFFFFFFB0] =	vst v3  }
0x9a: {  	(v2sf) =	vpush v1, $0xA;
	v3 =	vld [tilespmem:s24+$0x0]  }
0x9b: {  	(v2sf) =	vpush v10, $0x2  }
0x9c: {  	v8 =	vld [tilespmem:s1+$0x0];
	[tilespmem:s4+$0x10] =	vst v6;
	s25 =	spop (v2sf)  }
0x9d: {  	[tilespmem:s8+$0xFFFFFF10] =	vst v7;
	v6 =	vld [tilespmem:s25+$0x0];
	s28 =	spop (v2sf)  }
0x9e: {  	[tilespmem:s21+$0xFFFFFF70] =	vst v4;
	v7 =	vld [tilespmem:s28+$0x0];
	s29 =	spop (v2sf)  }
0x9f: {  	[tilespmem:s0+$0xFFFFFFC0] =	vst v3;
	v4 =	vld [tilespmem:s29+$0x0]  }
0xa0: {  	v3 =	vld [tilespmem:s24+$0x10];
	_ =	sdelay $0x1  }
0xa1: {  	v8 =	vmul.u32 $0x240, v8;
	[tilespmem:s4+$0x20] =	vst v6  }
0xa2: {  	s30 =	sadd.s32 $0x7F, s26;
	v6 =	vld [tilespmem:s25+$0x10];
	[tilespmem:s8+$0xFFFFFF20] =	vst v7  }
0xa3: {  	v7 =	vadd.s32 s30, v8;
	v8 =	vld [tilespmem:s28+$0x10];
	[tilespmem:s21+$0xFFFFFF80] =	vst v4  }
0xa4: {  	s31 =	spop (v2sf);
	[tilespmem:s0+$0xFFFFFFD0] =	vst v3;
	v4 =	vld [tilespmem:s29+$0x10]  }
0xa5: {  	v3 =	vadd.s32 v0, v7;
	v7 =	vld [tilespmem:s31+$0x0]  }
0xa6: {  	p0 =	por $0x1, $0x1;
	(v2sf) =	vpush v5, $0x5;
	v3 =	vshll.u32 v3, $0x7  }
.Ltmp6:
0xa7: {  	(v2sf) =	vpush v2, $0x8;
	v11 =	vshra.s32 v3, $0x2;
	[tilespmem:s4+$0x30] =	vst v6;
	(pc) =	sbr.rel @!p0 .LBB2_11-.Ltmp6, $4  }
0xa8: {  	s16 =	spop (v2sf);
	(v2sf) =	vpush v11, $0x0;
	[tilespmem:s8+$0xFFFFFF30] =	vst v8  }
0xa9: {  	s25 =	spop (v2sf);
	(v2sf) =	vpush v1, $0xB;
	v3 =	vld [tilespmem:s16+$0x0];
	[tilespmem:s21+$0xFFFFFF90] =	vst v4  }
0xaa: {  	(v2sf) =	vpush v10, $0x3;
	v18 =	vld [tilespmem:s25+$0x0];
	[tilespmem:s0+$0xFFFFFFE0] =	vst v7  }
0xab: {  	s1 =	simm.s32 $0x12050;
	p5 =	por $0x1, $0x1;
	(v2sf) =	vpush v5, $0x6;
	v9 =	vld [tilespmem:s31+$0x10];
	[dreg:$0x11] =	wrdreg s16  }
0xac: {  	_ =	sdelay $0x7  }
0xad: {  	[tilespmem:s4+$0x40] =	vst v3  }
0xae: {  	(v2sf) =	vpush v2, $0x9;
	v6 =	vld [tilespmem:s16+$0x10];
	s2 =	spop (v2sf)  }
0xaf: {  	(v2sf) =	vpush v11, $0x1;
	[tilespmem:s8+$0xFFFFFF40] =	vst v18;
	v4 =	vld [tilespmem:s2+$0x0]  }
0xb0: {  	v7 =	vld [tilespmem:s25+$0x10];
	s5 =	spop (v2sf);
	(v2sf) =	vpush v1, $0xC  }
0xb1: {  	[tilespmem:s0+$0xFFFFFFF0] =	vst v9  }
0xb2: {  	v8 =	vld [tilespmem:s5+$0x0];
	s6 =	spop (v2sf);
	(v2sf) =	vpush v10, $0x4  }
0xb3: {  	[tilespmem:s4+$0x50] =	vst v6;
	v12 =	vld [tilespmem:s6+$0x0];
	s22 =	spop (v2sf)  }
0xb4: {  	v6 =	vld [tilespmem:s22+$0x0];
	[tilespmem:s21+$0xFFFFFFA0] =	vst v4  }
0xb5: {  	[tilespmem:s8+$0xFFFFFF50] =	vst v7;
	s7 =	spop (v2sf);
	v4 =	vld [tilespmem:s2+$0x10]  }
0xb6: {  	v7 =	vld [tilespmem:s7+$0x0]  }
0xb7: {  	s10 =	simm.s32 $0x12D00;
	(v2sf) =	vpush v5, $0x7;
	[tilespmem:s0+$0x0] =	vst v8  }
0xb8: {  	v8 =	vld [tilespmem:s5+$0x10];
	[tilespmem:s10+$0xFFFFFF00] =	vst v12  }
0xb9: {  	v12 =	vld [tilespmem:s6+$0x10];
	[tilespmem:s4+$0x60] =	vst v6  }
0xba: {  	s23 =	spop (v2sf);
	v6 =	vld [tilespmem:s22+$0x10];
	[tilespmem:s21+$0xFFFFFFB0] =	vst v4  }
0xbb: {  	(v2sf) =	vpush v2, $0xA;
	[tilespmem:s8+$0xFFFFFF60] =	vst v7;
	v4 =	vld [tilespmem:s23+$0x0]  }
0xbc: {  	(v2sf) =	vpush v11, $0x2;
	v7 =	vld [tilespmem:s7+$0x10]  }
0xbd: {  	v13 =	vld [tilespmem:s1+$0x0];
	s24 =	spop (v2sf);
	(v2sf) =	vpush v1, $0xD;
	[tilespmem:s0+$0x10] =	vst v8  }
0xbe: {  	s25 =	spop (v2sf);
	v8 =	vld [tilespmem:s24+$0x0];
	[tilespmem:s10+$0xFFFFFF10] =	vst v12  }
0xbf: {  	v12 =	vld [tilespmem:s25+$0x0];
	[tilespmem:s4+$0x70] =	vst v6;
	s28 =	spop (v2sf)  }
0xc0: {  	v6 =	vld [tilespmem:s28+$0x0];
	[tilespmem:s21+$0xFFFFFFC0] =	vst v4  }
0xc1: {  	[tilespmem:s8+$0xFFFFFF70] =	vst v7;
	s29 =	spop (v2sf);
	v4 =	vld [tilespmem:s23+$0x10]  }
0xc2: {  	v7 =	vld [tilespmem:s29+$0x0]  }
0xc3: {  	v13 =	vmul.u32 $0x240, v13;
	[tilespmem:s0+$0x20] =	vst v8  }
0xc4: {  	s30 =	sadd.s32 $0x8F, s26;
	v8 =	vld [tilespmem:s24+$0x10];
	[tilespmem:s10+$0xFFFFFF20] =	vst v12  }
0xc5: {  	v12 =	vadd.s32 s30, v13;
	v14 =	vld [tilespmem:s25+$0x10];
	[tilespmem:s4+$0x80] =	vst v6  }
0xc6: {  	s31 =	spop (v2sf);
	v6 =	vld [tilespmem:s28+$0x10];
	[tilespmem:s21+$0xFFFFFFD0] =	vst v4;
	v4 =	vadd.s32 v0, v12  }
0xc7: {  	[tilespmem:s8+$0xFFFFFF80] =	vst v7;
	v12 =	vld [tilespmem:s31+$0x0];
	v4 =	vshll.u32 v4, $0x7  }
0xc8: {  	v13 =	vshra.s32 v4, $0x2;
	v4 =	vld [tilespmem:s29+$0x10]  }
0xc9: {  	(v2sf) =	vpush v10, $0x5;
	[tilespmem:s0+$0x30] =	vst v8  }
0xca: {  	p0 =	por $0x1, $0x1;
	(v2sf) =	vpush v5, $0x8;
	s2 =	spop (v2sf);
	[tilespmem:s10+$0xFFFFFF30] =	vst v14  }
.Ltmp7:
0xcb: {  	s25 =	spop (v2sf);
	v7 =	vld [tilespmem:s2+$0x0];
	(v2sf) =	vpush v13, $0x0;
	[tilespmem:s4+$0x90] =	vst v6;
	(pc) =	sbr.rel @!p0 .LBB2_13-.Ltmp7, $4  }
0xcc: {  	s13 =	spop (v2sf);
	v18 =	vld [tilespmem:s25+$0x0];
	(v2sf) =	vpush v2, $0xB;
	[tilespmem:s21+$0xFFFFFFE0] =	vst v12  }
0xcd: {  	(v2sf) =	vpush v11, $0x3;
	v6 =	vld [tilespmem:s13+$0x0];
	[tilespmem:s8+$0xFFFFFF90] =	vst v4  }
0xce: {  	(v2sf) =	vpush v1, $0xE;
	v12 =	vld [tilespmem:s31+$0x10];
	[dreg:$0x13] =	wrdreg s13  }
0xcf: {  	s1 =	simm.s32 $0x12060;
	p6 =	por $0x1, $0x1;
	(v2sf) =	vpush v10, $0x6;
	[dreg:$0x15] =	wrdreg s2  }
0xd0: {  	_ =	sdelay $0x7  }
0xd1: {  	v4 =	vld [tilespmem:s1+$0x0];
	(v2sf) =	vpush v5, $0x9;
	s17 =	spop (v2sf)  }
0xd2: {  	[tilespmem:s0+$0x40] =	vst v7;
	v8 =	vld [tilespmem:s17+$0x0]  }
0xd3: {  	(v2sf) =	vpush v13, $0x1;
	[tilespmem:s10+$0xFFFFFF40] =	vst v18;
	v14 =	vld [tilespmem:s2+$0x10]  }
0xd4: {  	v15 =	vld [tilespmem:s25+$0x10];
	[tilespmem:s21+$0xFFFFFFF0] =	vst v12;
	s18 =	spop (v2sf)  }
0xd5: {  	[tilespmem:s4+$0xA0] =	vst v6;
	(v2sf) =	vpush v2, $0xC;
	v16 =	vld [tilespmem:s18+$0x0]  }
0xd6: {  	v17 =	vld [tilespmem:s13+$0x10];
	s5 =	spop (v2sf);
	(v2sf) =	vpush v11, $0x4  }
0xd7: {  	v18 =	vld [tilespmem:s5+$0x0];
	[tilespmem:s8+$0xFFFFFFA0] =	vst v8  }
0xd8: {  	[tilespmem:s0+$0x50] =	vst v14;
	s19 =	spop (v2sf);
	(v2sf) =	vpush v1, $0xF;
	v8 =	vld [tilespmem:s17+$0x10]  }
0xd9: {  	[tilespmem:s10+$0xFFFFFF50] =	vst v15;
	s6 =	spop (v2sf);
	v14 =	vld [tilespmem:s19+$0x0]  }
0xda: {  	(v2sf) =	vpush v10, $0x7;
	v15 =	vld [tilespmem:s6+$0x0];
	[tilespmem:s21+$0x0] =	vst v16  }
0xdb: {  	s23 =	simm.s32 $0x12F00;
	[tilespmem:s4+$0xB0] =	vst v17;
	s20 =	spop (v2sf);
	v16 =	vld [tilespmem:s18+$0x10]  }
0xdc: {  	v17 =	vld [tilespmem:s20+$0x0];
	[tilespmem:s23+$0xFFFFFF00] =	vst v18  }
0xdd: {  	s22 =	spop (v2sf);
	(v2sf) =	vpush v5, $0xA;
	v18 =	vld [tilespmem:s5+$0x10];
	[tilespmem:s8+$0xFFFFFFB0] =	vst v8  }
0xde: {  	(v2sf) =	vpush v13, $0x2;
	[tilespmem:s0+$0x60] =	vst v14;
	v8 =	vld [tilespmem:s22+$0x0]  }
0xdf: {  	[tilespmem:s10+$0xFFFFFF60] =	vst v15;
	v14 =	vld [tilespmem:s19+$0x10]  }
0xe0: {  	s24 =	spop (v2sf);
	v15 =	vld [tilespmem:s6+$0x10];
	[tilespmem:s21+$0x10] =	vst v16  }
0xe1: {  	(v2sf) =	vpush v2, $0xD;
	[tilespmem:s4+$0xC0] =	vst v17;
	v16 =	vld [tilespmem:s24+$0x0]  }
0xe2: {  	v4 =	vmul.u32 $0x240, v4;
	s25 =	spop (v2sf);
	v17 =	vld [tilespmem:s20+$0x10];
	[tilespmem:s23+$0xFFFFFF10] =	vst v18  }
0xe3: {  	s7 =	sadd.s32 $0x9F, s26;
	(v2sf) =	vpush v11, $0x5;
	v18 =	vld [tilespmem:s25+$0x0];
	[tilespmem:s8+$0xFFFFFFC0] =	vst v8  }
0xe4: {  	v4 =	vadd.s32 s7, v4;
	[tilespmem:s0+$0x70] =	vst v14;
	s28 =	spop (v2sf);
	v8 =	vld [tilespmem:s22+$0x10]  }
0xe5: {  	v4 =	vadd.s32 v0, v4;
	[tilespmem:s10+$0xFFFFFF70] =	vst v15;
	s29 =	spop (v2sf);
	v14 =	vld [tilespmem:s28+$0x0]  }
0xe6: {  	v4 =	vshll.u32 v4, $0x7;
	(v2sf) =	vpush v10, $0x8;
	v15 =	vld [tilespmem:s29+$0x0];
	[tilespmem:s21+$0x20] =	vst v16  }
0xe7: {  	v4 =	vshra.s32 v4, $0x2;
	[tilespmem:s4+$0xD0] =	vst v17;
	s30 =	spop (v2sf);
	v16 =	vld [tilespmem:s24+$0x10]  }
0xe8: {  	(v2sf) =	vpush v4, $0x0;
	v17 =	vld [tilespmem:s30+$0x0];
	[tilespmem:s23+$0xFFFFFF20] =	vst v18  }
0xe9: {  	s31 =	spop (v2sf);
	v18 =	vld [tilespmem:s25+$0x10];
	[tilespmem:s8+$0xFFFFFFD0] =	vst v8  }
0xea: {  	(v2sf) =	vpush v5, $0xB;
	[tilespmem:s0+$0x80] =	vst v14;
	v19 =	vld [tilespmem:s31+$0x0]  }
0xeb: {  	(v2sf) =	vpush v13, $0x3;
	[tilespmem:s10+$0xFFFFFF80] =	vst v15;
	v14 =	vld [tilespmem:s28+$0x10]  }
0xec: {  	p0 =	por $0x1, $0x1;
	s16 =	spop (v2sf);
	v20 =	vld [tilespmem:s29+$0x10];
	[tilespmem:s21+$0x30] =	vst v16  }
.Ltmp8:
0xed: {  	s25 =	spop (v2sf);
	(v2sf) =	vpush v2, $0xE;
	[tilespmem:s4+$0xE0] =	vst v17;
	v15 =	vld [tilespmem:s16+$0x0];
	(pc) =	sbr.rel @!p0 .LBB2_15-.Ltmp8, $4  }
0xee: {  	v8 =	vld [tilespmem:s30+$0x10];
	[tilespmem:s23+$0xFFFFFF30] =	vst v18  }
0xef: {  	s1 =	simm.s32 $0x9F;
	(v2sf) =	vpush v11, $0x6;
	v18 =	vld [tilespmem:s25+$0x0];
	[tilespmem:s8+$0xFFFFFFE0] =	vst v19  }
0xf0: {  	s9 =	simm.s32 $0x12900;
	s15 =	simm.s32 $0x12500;
	s13 =	spop (v2sf);
	[tilespmem:s0+$0x90] =	vst v14;
	v16 =	vld [tilespmem:s31+$0x10]  }
0xf1: {  	s11 =	simm.s32 $0x12B00;
	s2 =	simm.s32 $0x12070;
	s18 =	simm.s32 $0x12700;
	v17 =	vmov v10;
	[tilespmem:s10+$0xFFFFFF90] =	vst v20;
	v14 =	vld [tilespmem:s13+$0x0];
	v20 =	vmov v2;
	v19 =	vmov v5  }
.LBB2_16:
0xf2: {  	v21 =	vld [tilespmem:s2+$0x0];
	s5 =	spop (v2sf);
	(v2sf) =	vpush v17, $0x9;
	[tilespmem:s9+$0x40] =	vst v15  }
0xf3: {  	v15 =	vld [tilespmem:s5+$0x0];
	[tilespmem:s15+$0xF0] =	vst v8;
	s15 =	smov.u32 s18;
	s18 =	smov.u32 s9;
	s9 =	smov.u32 s11  }
0xf4: {  	s11 =	smov.u32 s10;
	s10 =	smov.u32 s23;
	(v2sf) =	vpush v4, $0x1;
	[tilespmem:s23+$0xFFFFFF40] =	vst v18;
	v8 =	vld [tilespmem:s16+$0x10]  }
0xf5: {  	v18 =	vld [tilespmem:s25+$0x10];
	[tilespmem:s9+$0xFFFFFFF0] =	vst v16;
	s6 =	spop (v2sf)  }
0xf6: {  	v16 =	vld [tilespmem:s6+$0x0];
	(v2sf) =	vpush v19, $0xC;
	[tilespmem:s15+$0xA0] =	vst v14  }
0xf7: {  	s7 =	spop (v2sf);
	(v2sf) =	vpush v13, $0x4;
	v14 =	vld [tilespmem:s13+$0x10]  }
0xf8: {  	v22 =	vld [tilespmem:s7+$0x0];
	[tilespmem:s11+$0xFFFFFFA0] =	vst v15  }
0xf9: {  	v15 =	vld [tilespmem:s5+$0x10];
	[tilespmem:s18+$0x50] =	vst v8;
	s5 =	spop (v2sf);
	(v2sf) =	vpush v20, $0xF;
	v20 =	vmovc v19;
	v19 =	vmovc v17;
	v17 =	vmov v11;
	v11 =	vmov v13  }
0xfa: {  	v13 =	vmov v4;
	[tilespmem:s23+$0xFFFFFF50] =	vst v18;
	s12 =	spop (v2sf);
	v8 =	vld [tilespmem:s5+$0x0]  }
0xfb: {  	v4 =	vld [tilespmem:s12+$0x0];
	(v2sf) =	vpush v17, $0x7;
	[tilespmem:s9+$0x0] =	vst v16  }
0xfc: {  	s23 =	sadd.s32 $0x200, s23;
	v16 =	vld [tilespmem:s6+$0x10];
	[tilespmem:s15+$0xB0] =	vst v14;
	s6 =	spop (v2sf)  }
0xfd: {  	[tilespmem:s23+$0xFFFFFF00] =	vst v22;
	v14 =	vld [tilespmem:s6+$0x0]  }
0xfe: {  	v18 =	vld [tilespmem:s7+$0x10];
	[tilespmem:s11+$0xFFFFFFB0] =	vst v15;
	s7 =	spop (v2sf);
	(v2sf) =	vpush v19, $0xA  }
0xff: {  	s1 =	sadd.s32 $0x10, s1;
	v15 =	vld [tilespmem:s7+$0x0];
	[tilespmem:s18+$0x60] =	vst v8  }
0x100: {  	s13 =	sadd.s32 $0xFFFFFFC1, s1;
	(v2sf) =	vpush v13, $0x2;
	[tilespmem:s10+$0xFFFFFF60] =	vst v4;
	v4 =	vld [tilespmem:s5+$0x10]  }
0x101: {  	p0 =	slt.u32 s13, $0x1F0;
	v8 =	vld [tilespmem:s12+$0x10];
	[tilespmem:s9+$0x10] =	vst v16;
	s5 =	spop (v2sf)  }
0x102: {  	v16 =	vld [tilespmem:s5+$0x0];
	(v2sf) =	vpush v20, $0xD;
	[tilespmem:s15+$0xC0] =	vst v14  }
0x103: {  	v14 =	vmul.u32 $0x240, v21;
	[tilespmem:s23+$0xFFFFFF10] =	vst v18;
	s12 =	spop (v2sf);
	v18 =	vld [tilespmem:s6+$0x10]  }
0x104: {  	s6 =	sadd.s32 s1, s26;
	v21 =	vld [tilespmem:s12+$0x0];
	(v2sf) =	vpush v11, $0x5;
	[tilespmem:s11+$0xFFFFFFC0] =	vst v15  }
0x105: {  	v14 =	vadd.s32 s6, v14;
	v15 =	vld [tilespmem:s7+$0x10];
	[tilespmem:s18+$0x70] =	vst v4;
	s6 =	spop (v2sf)  }
0x106: {  	v4 =	vadd.s32 v0, v14;
	[tilespmem:s10+$0xFFFFFF70] =	vst v8;
	s7 =	spop (v2sf);
	v8 =	vld [tilespmem:s6+$0x0]  }
0x107: {  	v4 =	vshll.u32 v4, $0x7;
	v14 =	vld [tilespmem:s7+$0x0];
	(v2sf) =	vpush v17, $0x8;
	[tilespmem:s9+$0x20] =	vst v16  }
0x108: {  	v4 =	vshra.s32 v4, $0x2;
	v16 =	vld [tilespmem:s5+$0x10];
	[tilespmem:s15+$0xD0] =	vst v18;
	s5 =	spop (v2sf)  }
0x109: {  	(v2sf) =	vpush v4, $0x0;
	[tilespmem:s23+$0xFFFFFF20] =	vst v21;
	v18 =	vld [tilespmem:s5+$0x0]  }
0x10a: {  	v21 =	vld [tilespmem:s12+$0x10];
	[tilespmem:s11+$0xFFFFFFD0] =	vst v15;
	s12 =	spop (v2sf)  }
0x10b: {  	v22 =	vld [tilespmem:s12+$0x0];
	(v2sf) =	vpush v19, $0xB;
	[tilespmem:s18+$0x80] =	vst v8  }
0x10c: {  	(v2sf) =	vpush v13, $0x3;
	[tilespmem:s10+$0xFFFFFF80] =	vst v14;
	v14 =	vld [tilespmem:s6+$0x10]  }
0x10d: {  	v23 =	vld [tilespmem:s7+$0x10];
	[tilespmem:s9+$0x30] =	vst v16;
	s16 =	spop (v2sf)  }
.Ltmp9:
0x10e: {  	v15 =	vld [tilespmem:s16+$0x0];
	(v2sf) =	vpush v20, $0xE;
	[tilespmem:s15+$0xE0] =	vst v18;
	(pc) =	sbr.rel @p0 .LBB2_16-.Ltmp9, $4  }
0x10f: {  	[tilespmem:s23+$0xFFFFFF30] =	vst v21;
	s25 =	spop (v2sf);
	v8 =	vld [tilespmem:s5+$0x10]  }
0x110: {  	v18 =	vld [tilespmem:s25+$0x0];
	(v2sf) =	vpush v11, $0x6;
	[tilespmem:s11+$0xFFFFFFE0] =	vst v22  }
0x111: {  	v16 =	vld [tilespmem:s12+$0x10];
	[tilespmem:s18+$0x90] =	vst v14;
	s13 =	spop (v2sf)  }
0x112: {  	s2 =	sadd.s32 $0x10, s2;
	[tilespmem:s10+$0xFFFFFF90] =	vst v23;
	v14 =	vld [tilespmem:s13+$0x0]  }
0x113: {  	p0 =	por $0x1, $0x1  }
.LBB2_18:
0x114: {  	_ = 	snop  }
0x115: {  	(v2sf) =	vpush @p4 v17, $0x9  }
0x116: {  	s28 =	spop @p3 (v2sf);
	(v2sf) =	vpush v4, $0x1  }
0x117: {  	s29 =	spop @p4 (v2sf)  }
0x118: {  	s1 =	spop (v2sf)  }
0x119: {  	v21 =	vld [tilespmem:s1+$0x0];
	_ =	sdelay $0x2  }
0x11a: {  	s2 =	sadd.s32 @p2 $0x200, s23;
	s31 =	smov.u32 s4;
	(v2sf) =	vpush @p5 v19, $0xC  }
0x11b: {  	s31 =	smov.u32 @p2 s2;
	(v2sf) =	vpush @p2 v13, $0x4  }
0x11c: {  	(v2sf) =	vpush @p6 v20, $0xF;
	s2 =	spop @p5 (v2sf);
	[tilespmem:s31+$0xFFFFFF00] =	vst v21  }
0x11d: {  	(v2sf) =	vpush @p3 v11, $0x7;
	[smem:$0x7FC] =	sst s2  }
0x11e: {  	v58 =	vld [tilespmem:s1+$0x10];
	s1 =	spop @p2 (v2sf);
	(v2sf) =	vpush @p4 v17, $0xA;
	_ =	sdelay $0x1  }
0x11f: {  	s2 =	spop @p6 (v2sf);
	(v2sf) =	vpush v4, $0x2  }
0x120: {  	s30 =	spop @p3 (v2sf)  }
0x121: {  	[dreg:$0x19] =	wrdreg s2;
	s6 =	spop @p4 (v2sf)  }
0x122: {  	s22 =	spop (v2sf);
	[tilespmem:s31+$0xFFFFFF10] =	vst v58  }
0x123: {  	v20 =	vld [tilespmem:s22+$0x0];
	_ =	sdelay $0x2  }
0x124: {  	(v2sf) =	vpush @p5 v19, $0xD;
	_ =	sdelay $0x1  }
0x125: {  	(v2sf) =	vpush @p2 v13, $0x5;
	s2 =	spop @p5 (v2sf);
	[tilespmem:s31+$0xFFFFFF20] =	vst v20  }
0x126: {  	(v2sf) =	vpush @p3 v11, $0x8;
	s7 =	spop @p2 (v2sf);
	v20 =	vld [tilespmem:s22+$0x10]  }
0x127: {  	(v2sf) =	vpush @p4 v17, $0xB;
	[smem:$0x7FD] =	sst s2;
	s2 =	spop @p6 (v2sf)  }
0x128: {  	(v2sf) =	vpush v4, $0x3;
	s17 =	spop @p3 (v2sf)  }
0x129: {  	[dreg:$0x17] =	wrdreg s2;
	s2 =	spop @p4 (v2sf)  }
0x12a: {  	[smem:$0x7FB] =	sst s2  }
0x12b: {  	s5 =	spop (v2sf);
	[tilespmem:s31+$0xFFFFFF30] =	vst v20  }
0x12c: {  	[tilespmem:s23+$0xFFFFFF40] =	vst @p2 v18;
	v20 =	vld [tilespmem:s5+$0x0]  }
0x12d: {  	v18 =	vld @p2 [tilespmem:s25+$0x10];
	_ =	sdelay $0x2  }
0x12e: {  	(v2sf) =	vpush @p5 v19, $0xE  }
0x12f: {  	v5 =	vpsel p3, v11, v5;
	(v2sf) =	vpush @p2 v13, $0x6;
	[tilespmem:s31+$0xFFFFFF40] =	vst v20  }
0x130: {  	v17 =	vpsel p4, v17, v2;
	(v2sf) =	vpush @p3 v5, $0x9;
	s2 =	spop @p5 (v2sf);
	[tilespmem:s23+$0xFFFFFF50] =	vst @p2 v18;
	v59 =	vld [tilespmem:s5+$0x10]  }
0x131: {  	(v2sf) =	vpush @p4 v17, $0xC;
	[dreg:$0x1e] =	wrdreg s2  }
0x132: {  	s14 =	spop @p2 (v2sf);
	(v2sf) =	vpush v4, $0x4;
	v18 =	vld @p2 [tilespmem:s1+$0x0]  }
0x133: {  	s19 =	spop @p3 (v2sf)  }
0x134: {  	s25 =	spop @p4 (v2sf)  }
0x135: {  	s24 =	spop (v2sf);
	[tilespmem:s31+$0xFFFFFF50] =	vst v59  }
0x136: {  	s22 =	smov.u32 @p2 s23;
	v11 =	vld [tilespmem:s24+$0x0]  }
0x137: {  	[tilespmem:s22+$0xFFFFFF60] =	vst @p2 v18  }
0x138: {  	v18 =	vld @p2 [tilespmem:s1+$0x10]  }
0x139: {  	v19 =	vpsel p5, v19, v1  }
0x13a: {  	v10 =	vpsel p2, v13, v10;
	(v2sf) =	vpush @p5 v19, $0xF  }
0x13b: {  	(v2sf) =	vpush @p2 v10, $0x7;
	[tilespmem:s31+$0xFFFFFF60] =	vst v11  }
0x13c: {  	v13 =	vmov @p4 v17;
	(v2sf) =	vpush @p3 v5, $0xA;
	v11 =	vld [tilespmem:s24+$0x10]  }
0x13d: {  	(v2sf) =	vpush @p4 v13, $0xD;
	s23 =	spop @p5 (v2sf);
	[tilespmem:s22+$0xFFFFFF70] =	vst @p2 v18  }
0x13e: {  	(v2sf) =	vpush v4, $0x5;
	s1 =	spop @p2 (v2sf);
	v17 =	vld @p2 [tilespmem:s7+$0x0]  }
0x13f: {  	s20 =	spop @p3 (v2sf)  }
0x140: {  	s5 =	spop @p4 (v2sf)  }
0x141: {  	s12 =	spop (v2sf);
	[tilespmem:s31+$0xFFFFFF70] =	vst v11  }
0x142: {  	v11 =	vld [tilespmem:s12+$0x0]  }
0x143: {  	[tilespmem:s22+$0xFFFFFF80] =	vst @p2 v17  }
0x144: {  	v17 =	vld @p2 [tilespmem:s7+$0x10];
	_ =	sdelay $0x2  }
0x145: {  	(v2sf) =	vpush @p2 v10, $0x8;
	v18 =	vld @p3 [tilespmem:s28+$0x0];
	[tilespmem:s31+$0xFFFFFF80] =	vst v11  }
0x146: {  	(v2sf) =	vpush @p3 v5, $0xB;
	v11 =	vld [tilespmem:s12+$0x10]  }
0x147: {  	(v2sf) =	vpush @p4 v13, $0xE;
	s2 =	spop @p5 (v2sf);
	[tilespmem:s22+$0xFFFFFF90] =	vst @p2 v17  }
0x148: {  	(v2sf) =	vpush v4, $0x6;
	s7 =	spop @p2 (v2sf);
	[dreg:$0x1b] =	wrdreg s2  }
0x149: {  	s8 =	smov.u32 @p2 s22;
	s24 =	spop @p3 (v2sf);
	s22 =	smov.u32 @p3 s10;
	v17 =	vld @p2 [tilespmem:s14+$0x0]  }
0x14a: {  	s12 =	spop @p4 (v2sf);
	[tilespmem:s22+$0xFFFFFFA0] =	vst @p3 v18  }
0x14b: {  	s2 =	spop (v2sf);
	v18 =	vld @p3 [tilespmem:s28+$0x10];
	[tilespmem:s31+$0xFFFFFF90] =	vst v11  }
0x14c: {  	v11 =	vld [tilespmem:s2+$0x0]  }
0x14d: {  	s3 =	smov.u32 @p2 s8  }
0x14e: {  	[tilespmem:s3+$0xFFFFFFA0] =	vst @p2 v17  }
0x14f: {  	v17 =	vld @p2 [tilespmem:s14+$0x10]  }
0x150: {  	v2 =	vpsel p2, v10, v2;
	[tilespmem:s22+$0xFFFFFFB0] =	vst @p3 v18  }
0x151: {  	v1 =	vpsel p3, v5, v1;
	(v2sf) =	vpush @p2 v2, $0x9;
	[tilespmem:s31+$0xFFFFFFA0] =	vst v11;
	v11 =	vld @p3 [tilespmem:s30+$0x0]  }
0x152: {  	v10 =	vpsel p4, v13, v0;
	(v2sf) =	vpush @p3 v1, $0xC;
	v60 =	vld [tilespmem:s2+$0x10]  }
0x153: {  	(v2sf) =	vpush @p4 v10, $0xF  }
0x154: {  	(v2sf) =	vpush v4, $0x7;
	s2 =	spop @p2 (v2sf);
	[tilespmem:s3+$0xFFFFFFB0] =	vst @p2 v17  }
0x155: {  	s28 =	spop @p3 (v2sf);
	v10 =	vld @p2 [tilespmem:s1+$0x0]  }
0x156: {  	s10 =	spop @p4 (v2sf);
	[tilespmem:s22+$0xFFFFFFC0] =	vst @p3 v11  }
0x157: {  	s14 =	spop (v2sf);
	[tilespmem:s31+$0xFFFFFFB0] =	vst v60;
	v11 =	vld @p3 [tilespmem:s30+$0x10]  }
0x158: {  	v5 =	vld [tilespmem:s14+$0x0];
	_ =	sdelay $0x1  }
0x159: {  	[tilespmem:s3+$0xFFFFFFC0] =	vst @p2 v10  }
0x15a: {  	v10 =	vld @p2 [tilespmem:s1+$0x10]  }
0x15b: {  	[tilespmem:s22+$0xFFFFFFD0] =	vst @p3 v11  }
0x15c: {  	[tilespmem:s31+$0xFFFFFFC0] =	vst v5;
	v11 =	vld @p3 [tilespmem:s17+$0x0]  }
0x15d: {  	(v2sf) =	vpush @p2 v2, $0xA;
	v5 =	vld [tilespmem:s14+$0x10]  }
0x15e: {  	(v2sf) =	vpush @p3 v1, $0xD  }
0x15f: {  	(v2sf) =	vpush v4, $0x8;
	s1 =	spop @p2 (v2sf);
	[tilespmem:s3+$0xFFFFFFD0] =	vst @p2 v10  }
0x160: {  	s30 =	spop @p3 (v2sf);
	v10 =	vld @p2 [tilespmem:s7+$0x0]  }
0x161: {  	s8 =	spop @p4 (v2sf);
	[tilespmem:s22+$0xFFFFFFE0] =	vst @p3 v11  }
0x162: {  	s14 =	spop (v2sf);
	[tilespmem:s31+$0xFFFFFFD0] =	vst v5;
	v11 =	vld @p3 [tilespmem:s17+$0x10]  }
0x163: {  	v5 =	vld [tilespmem:s14+$0x0];
	_ =	sdelay $0x1  }
0x164: {  	[tilespmem:s3+$0xFFFFFFE0] =	vst @p2 v10  }
0x165: {  	s21 =	smov.u32 @p3 s22;
	s22 =	smov.u32 @p4 s11;
	v10 =	vld @p2 [tilespmem:s7+$0x10]  }
0x166: {  	[tilespmem:s22+$0xFFFFFFF0] =	vst @p4 v16  }
0x167: {  	v11 =	vpsel p3, v11, v12;
	v12 =	vld @p4 [tilespmem:s29+$0x0];
	[tilespmem:s31+$0xFFFFFFE0] =	vst v5  }
0x168: {  	(v2sf) =	vpush @p2 v2, $0xB;
	v5 =	vld [tilespmem:s14+$0x10]  }
0x169: {  	(v2sf) =	vpush @p3 v1, $0xE;
	s17 =	smov.u32 s0;
	s0 =	smov.u32 @p2 s3;
	s14 =	smov.u32 @p3 s21  }
0x16a: {  	(v2sf) =	vpush v4, $0x9;
	s7 =	smov.u32 @p2 s0;
	[tilespmem:s14+$0xFFFFFFF0] =	vst @p3 v11;
	v9 =	vpsel p2, v10, v9  }
0x16b: {  	s0 =	spop @p2 (v2sf);
	v10 =	vld @p3 [tilespmem:s19+$0x0];
	[tilespmem:s7+$0xFFFFFFF0] =	vst @p2 v9  }
0x16c: {  	s11 =	spop @p3 (v2sf);
	v9 =	vld @p2 [tilespmem:s2+$0x0];
	[tilespmem:s22+$0x0] =	vst @p4 v12  }
0x16d: {  	s21 =	spop (v2sf);
	v11 =	vld @p4 [tilespmem:s29+$0x10];
	[tilespmem:s31+$0xFFFFFFF0] =	vst v5  }
0x16e: {  	v5 =	vld [tilespmem:s21+$0x0];
	_ =	sdelay $0x1  }
0x16f: {  	[tilespmem:s14+$0x0] =	vst @p3 v10  }
0x170: {  	v10 =	vld @p3 [tilespmem:s19+$0x10];
	[tilespmem:s7+$0x0] =	vst @p2 v9  }
0x171: {  	v9 =	vld @p2 [tilespmem:s2+$0x10];
	[tilespmem:s22+$0x10] =	vst @p4 v11  }
0x172: {  	v11 =	vld @p4 [tilespmem:s6+$0x0];
	[tilespmem:s31+$0x0] =	vst v5  }
0x173: {  	v2 =	vpsel p2, v2, v0;
	v5 =	vld [tilespmem:s21+$0x10]  }
0x174: {  	v1 =	vpsel p3, v1, v0;
	(v2sf) =	vpush @p2 v2, $0xC  }
0x175: {  	(v2sf) =	vpush @p3 v1, $0xF;
	[tilespmem:s14+$0x10] =	vst @p3 v10  }
0x176: {  	(v2sf) =	vpush v4, $0xA;
	s29 =	spop @p2 (v2sf);
	v1 =	vld @p3 [tilespmem:s20+$0x0];
	[tilespmem:s7+$0x10] =	vst @p2 v9  }
0x177: {  	s3 =	spop @p3 (v2sf);
	v9 =	vld @p2 [tilespmem:s1+$0x0];
	[tilespmem:s22+$0x20] =	vst @p4 v11  }
0x178: {  	s21 =	spop (v2sf);
	v10 =	vld @p4 [tilespmem:s6+$0x10];
	[tilespmem:s31+$0x10] =	vst v5  }
0x179: {  	v5 =	vld [tilespmem:s21+$0x0];
	_ =	sdelay $0x1  }
0x17a: {  	[tilespmem:s14+$0x20] =	vst @p3 v1  }
0x17b: {  	[tilespmem:s7+$0x20] =	vst @p2 v9  }
0x17c: {  	v1 =	vld @p3 [tilespmem:s20+$0x10];
	[tilespmem:s22+$0x30] =	vst @p4 v10  }
0x17d: {  	v9 =	vld @p2 [tilespmem:s1+$0x10];
	[tilespmem:s31+$0x20] =	vst v5  }
0x17e: {  	v5 =	vld [tilespmem:s21+$0x10];
	s21 =	sld [smem:$0x7FB];
	_ =	sdelay $0x2  }
0x17f: {  	[tilespmem:s14+$0x30] =	vst @p3 v1;
	v10 =	vld @p4 [tilespmem:s21+$0x0]  }
0x180: {  	s19 =	spop @p2 (v2sf);
	v1 =	vld @p3 [tilespmem:s24+$0x0];
	[tilespmem:s7+$0x30] =	vst @p2 v9  }
0x181: {  	(v2sf) =	vpush @p2 v2, $0xD;
	s20 =	spop @p3 (v2sf);
	v9 =	vld @p2 [tilespmem:s0+$0x0]  }
0x182: {  	(v2sf) =	vpush v4, $0xB;
	s1 =	spop (v2sf);
	[tilespmem:s31+$0x30] =	vst v5  }
0x183: {  	[tilespmem:s9+$0x40] =	vst @p5 v15;
	v61 =	vld [tilespmem:s1+$0x0]  }
0x184: {  	s17 =	smov.u32 @p4 s22;
	s2 =	rddreg [dreg:$0x15];
	v5 =	vpsel p4, v10, v7;
	v10 =	vld @p5 [tilespmem:s16+$0x10]  }
0x185: {  	s6 =	smov.u32 s4;
	s4 =	smov.u32 @p3 s14;
	s2 =	smov.u32 @p4 s21;
	v1 =	vpsel p3, v1, v3;
	[tilespmem:s17+$0x40] =	vst @p4 v5  }
0x186: {  	v3 =	vld @p4 [tilespmem:s2+$0x10];
	s14 =	rddreg [dreg:$0x11];
	[tilespmem:s4+$0x40] =	vst @p3 v1;
	v1 =	vpsel p2, v9, v0;
	s2 =	smov.u32 @p2 s7  }
0x187: {  	s0 =	smov.u32 @p2 s0;
	[tilespmem:s2+$0x40] =	vst @p2 v1  }
0x188: {  	[tilespmem:s31+$0x40] =	vst v61;
	v1 =	vld @p2 [tilespmem:s0+$0x10];
	s0 =	smov.u32 @p5 s9  }
0x189: {  	s14 =	smov.u32 @p3 s24;
	[tilespmem:s0+$0x50] =	vst @p5 v10  }
0x18a: {  	s16 =	smov.u32 @p4 s17;
	v5 =	vld @p3 [tilespmem:s14+$0x10];
	s17 =	sld [smem:$0x7FC];
	_ =	sdelay $0x1  }
0x18b: {  	v7 =	vld [tilespmem:s1+$0x10]  }
0x18c: {  	v9 =	vld @p5 [tilespmem:s17+$0x0]  }
0x18d: {  	s9 =	smov.u32 @p3 s4;
	[tilespmem:s16+$0x50] =	vst @p4 v3  }
0x18e: {  	s14 =	smov.u32 @p2 s2;
	v3 =	vld @p4 [tilespmem:s25+$0x0];
	[tilespmem:s9+$0x50] =	vst @p3 v5  }
0x18f: {  	(v2sf) =	vpush @p2 v2, $0xE;
	s7 =	spop @p2 (v2sf);
	[tilespmem:s14+$0x50] =	vst @p2 v1;
	v5 =	vld @p3 [tilespmem:s28+$0x0]  }
0x190: {  	(v2sf) =	vpush v4, $0xC;
	s4 =	spop (v2sf);
	[tilespmem:s31+$0x50] =	vst v7;
	v1 =	vld @p2 [tilespmem:s29+$0x0]  }
0x191: {  	v7 =	vld [tilespmem:s4+$0x0];
	[tilespmem:s0+$0x60] =	vst @p5 v9  }
0x192: {  	v9 =	vld @p5 [tilespmem:s17+$0x10]  }
0x193: {  	[tilespmem:s16+$0x60] =	vst @p4 v3  }
0x194: {  	[tilespmem:s9+$0x60] =	vst @p3 v5  }
0x195: {  	[tilespmem:s14+$0x60] =	vst @p2 v1  }
0x196: {  	[tilespmem:s31+$0x60] =	vst v7  }
0x197: {  	v3 =	vld @p4 [tilespmem:s25+$0x10];
	[tilespmem:s0+$0x70] =	vst @p5 v9  }
0x198: {  	v5 =	vld @p3 [tilespmem:s28+$0x10];
	s2 =	sld [smem:$0x7FD]  }
0x199: {  	v1 =	vld @p2 [tilespmem:s29+$0x10]  }
0x19a: {  	v7 =	vld [tilespmem:s4+$0x10]  }
0x19b: {  	v9 =	vld @p5 [tilespmem:s2+$0x0]  }
0x19c: {  	v2 =	vpsel p2, v2, v0;
	[tilespmem:s16+$0x70] =	vst @p4 v3  }
0x19d: {  	(v2sf) =	vpush @p2 v2, $0xF;
	[tilespmem:s9+$0x70] =	vst @p3 v5;
	v3 =	vld @p4 [tilespmem:s5+$0x0]  }
0x19e: {  	(v2sf) =	vpush v4, $0xD;
	s4 =	spop @p2 (v2sf);
	[tilespmem:s14+$0x70] =	vst @p2 v1;
	v2 =	vld @p3 [tilespmem:s30+$0x0]  }
0x19f: {  	s17 =	spop (v2sf);
	[tilespmem:s31+$0x70] =	vst v7;
	v1 =	vld @p2 [tilespmem:s19+$0x0]  }
0x1a0: {  	v62 =	vld [tilespmem:s17+$0x0];
	[tilespmem:s0+$0x80] =	vst @p5 v9  }
0x1a1: {  	v7 =	vld @p5 [tilespmem:s2+$0x10]  }
0x1a2: {  	[tilespmem:s16+$0x80] =	vst @p4 v3  }
0x1a3: {  	[tilespmem:s9+$0x80] =	vst @p3 v2  }
0x1a4: {  	[tilespmem:s14+$0x80] =	vst @p2 v1;
	v3 =	vld @p4 [tilespmem:s5+$0x10]  }
0x1a5: {  	[tilespmem:s31+$0x80] =	vst v62;
	v2 =	vld @p3 [tilespmem:s30+$0x10]  }
0x1a6: {  	v1 =	vld @p2 [tilespmem:s19+$0x10];
	[tilespmem:s0+$0x90] =	vst @p5 v7  }
0x1a7: {  	s1 =	smov.u32 @p6 s18;
	v5 =	vld [tilespmem:s17+$0x10];
	s17 =	rddreg [dreg:$0x1e]  }
0x1a8: {  	[tilespmem:s1+$0xA0] =	vst @p6 v14;
	v7 =	vld @p5 [tilespmem:s17+$0x0]  }
0x1a9: {  	[tilespmem:s16+$0x90] =	vst @p4 v3;
	v9 =	vld @p6 [tilespmem:s13+$0x10]  }
0x1aa: {  	[tilespmem:s9+$0x90] =	vst @p3 v2;
	v3 =	vld @p4 [tilespmem:s12+$0x0]  }
0x1ab: {  	(v2sf) =	vpush v4, $0xE;
	[tilespmem:s14+$0x90] =	vst @p2 v1;
	v2 =	vld @p3 [tilespmem:s11+$0x0]  }
0x1ac: {  	s5 =	spop @p2 (v2sf);
	v1 =	vld @p2 [tilespmem:s7+$0x0]  }
0x1ad: {  	s6 =	smov.u32 @p5 s0;
	s18 =	spop (v2sf);
	[tilespmem:s31+$0x90] =	vst v5  }
0x1ae: {  	s2 =	smov.u32 @p5 s6;
	s0 =	smov.u32 @p4 s16;
	s16 =	rddreg [dreg:$0x13];
	v6 =	vpsel p5, v7, v6;
	[tilespmem:s1+$0xB0] =	vst @p6 v9  }
0x1af: {  	s6 =	smov.u32 @p4 s0;
	s0 =	smov.u32 @p3 s9;
	v5 =	vld [tilespmem:s18+$0x0];
	s16 =	smov.u32 @p5 s17;
	v3 =	vpsel p4, v3, v0;
	[tilespmem:s2+$0xA0] =	vst @p5 v6  }
0x1b0: {  	s12 =	smov.u32 @p4 s12;
	s9 =	smov.u32 @p3 s0;
	s0 =	smov.u32 @p2 s14;
	v2 =	vpsel p3, v2, v0;
	[tilespmem:s6+$0xA0] =	vst @p4 v3;
	v6 =	vld @p5 [tilespmem:s16+$0x10]  }
0x1b1: {  	v1 =	vpsel p2, v1, v0;
	[tilespmem:s9+$0xA0] =	vst @p3 v2;
	v3 =	vld @p4 [tilespmem:s12+$0x10];
	s12 =	smov.u32 @p3 s11;
	s11 =	smov.u32 @p2 s0  }
0x1b2: {  	s0 =	smov.u32 @p2 s7;
	v2 =	vld @p3 [tilespmem:s12+$0x10];
	[tilespmem:s11+$0xA0] =	vst @p2 v1  }
0x1b3: {  	v1 =	vld @p2 [tilespmem:s0+$0x10];
	s0 =	rddreg [dreg:$0x19]  }
0x1b4: {  	[tilespmem:s31+$0xA0] =	vst v5;
	v7 =	vld @p6 [tilespmem:s0+$0x0]  }
0x1b5: {  	v5 =	vld [tilespmem:s18+$0x10];
	[tilespmem:s2+$0xB0] =	vst @p5 v6  }
0x1b6: {  	[tilespmem:s6+$0xB0] =	vst @p4 v3;
	v6 =	vld @p5 [tilespmem:s23+$0x0]  }
0x1b7: {  	v3 =	vld @p4 [tilespmem:s10+$0x0];
	[tilespmem:s9+$0xB0] =	vst @p3 v2  }
0x1b8: {  	(v2sf) =	vpush v4, $0xF;
	v2 =	vld @p3 [tilespmem:s3+$0x0];
	[tilespmem:s11+$0xB0] =	vst @p2 v1  }
0x1b9: {  	[tilespmem:s1+$0xC0] =	vst @p6 v7;
	v1 =	vld @p2 [tilespmem:s4+$0x0]  }
0x1ba: {  	s19 =	spop (v2sf);
	[tilespmem:s31+$0xB0] =	vst v5;
	v4 =	vld @p6 [tilespmem:s0+$0x10]  }
0x1bb: {  	v5 =	vld [tilespmem:s19+$0x0];
	[tilespmem:s2+$0xC0] =	vst @p5 v6  }
0x1bc: {  	[tilespmem:s6+$0xC0] =	vst @p4 v3;
	v6 =	vld @p5 [tilespmem:s23+$0x10]  }
0x1bd: {  	[tilespmem:s9+$0xC0] =	vst @p3 v2  }
0x1be: {  	v3 =	vld @p4 [tilespmem:s10+$0x10];
	[tilespmem:s11+$0xC0] =	vst @p2 v1  }
0x1bf: {  	v2 =	vld @p3 [tilespmem:s3+$0x10];
	[tilespmem:s1+$0xD0] =	vst @p6 v4  }
0x1c0: {  	v1 =	vld @p2 [tilespmem:s4+$0x10];
	s3 =	rddreg [dreg:$0x17];
	[tilespmem:s31+$0xC0] =	vst v5  }
0x1c1: {  	v4 =	vld @p6 [tilespmem:s3+$0x0];
	[tilespmem:s2+$0xD0] =	vst @p5 v6  }
0x1c2: {  	v5 =	vld [tilespmem:s19+$0x10];
	s4 =	rddreg [dreg:$0x1b]  }
0x1c3: {  	[tilespmem:s6+$0xD0] =	vst @p4 v3;
	v6 =	vld @p5 [tilespmem:s4+$0x0]  }
0x1c4: {  	[tilespmem:s9+$0xD0] =	vst @p3 v2;
	v3 =	vld @p4 [tilespmem:s8+$0x0]  }
0x1c5: {  	v2 =	vld @p3 [tilespmem:s20+$0x0];
	[tilespmem:s11+$0xD0] =	vst @p2 v1  }
0x1c6: {  	v1 =	vld @p2 [tilespmem:s5+$0x0];
	[tilespmem:s1+$0xE0] =	vst @p6 v4  }
0x1c7: {  	s0 =	spop (v2sf);
	[tilespmem:s31+$0xD0] =	vst v5;
	v4 =	vld @p6 [tilespmem:s3+$0x10]  }
0x1c8: {  	v5 =	vld [tilespmem:s0+$0x0];
	[tilespmem:s2+$0xE0] =	vst @p5 v6  }
0x1c9: {  	[tilespmem:s6+$0xE0] =	vst @p4 v3;
	v6 =	vld @p5 [tilespmem:s4+$0x10]  }
0x1ca: {  	[tilespmem:s9+$0xE0] =	vst @p3 v2;
	v3 =	vld @p4 [tilespmem:s8+$0x10]  }
0x1cb: {  	[tilespmem:s15+$0xF0] =	vst @p0 v8;
	v2 =	vld @p3 [tilespmem:s20+$0x10]  }
0x1cc: {  	[tilespmem:s11+$0xE0] =	vst @p2 v1  }
0x1cd: {  	s1 =	smov.u32 @p6 s1;
	v1 =	vld @p2 [tilespmem:s5+$0x10];
	v4 =	vpsel p6, v4, v0;
	[tilespmem:s31+$0xE0] =	vst v5  }
0x1ce: {  	[tilespmem:s1+$0xF0] =	vst @p6 v4;
	v63 =	vld [tilespmem:s0+$0x10];
	s0 =	smov.u32 @p5 s2;
	v5 =	vpsel p5, v6, v0  }
0x1cf: {  	v3 =	vpsel p4, v3, v0;
	[tilespmem:s0+$0xF0] =	vst @p5 v5;
	s0 =	smov.u32 @p4 s6  }
0x1d0: {  	v2 =	vpsel p3, v2, v0;
	[tilespmem:s0+$0xF0] =	vst @p4 v3;
	s0 =	smov.u32 @p3 s9  }
0x1d1: {  	[tilespmem:s0+$0xF0] =	vst @p3 v2  }
0x1d2: {  	v1 =	vpsel p2, v1, v0;
	s0 =	smov.u32 @p2 s11;
	s1 =	rddreg [dreg:$0x10]  }
0x1d3: {  	[tilespmem:s0+$0xF0] =	vst @p2 v1;
	s1 =	sshll.u32 s1, $0xB  }
0x1d4: {  	s22 =	rddreg [dreg:$0x1];
	s24 =	simm.s32 $0x12400;
	[tilespmem:s31+$0xF0] =	vst v63;
	s21 =	sand.u32 $0x1FFFF000, s1  }
0x1d5: {  	s23 =	simm.s32 $0x0;
	s25 =	rddreg [dreg:$0xe];
	s0 =	sadd.s32 s22, s21  }
0x1d6: {  	[hbm4b:s0+s23] =	stream.linear.scatter [tilespmem:s24], [sflag:$0x3], $0x4000, $0x38;
	[tilespmem:$0x1A400] =	vst v63  }
0x1d7: {  	s28 =	rddreg [dreg:$0x4];
	s0 =	sor.u32 $0x1, s25  }
0x1d8: {  	s12 =	sor.u32 s28, s0;
	p0 =	sgt.u32 s0, $0x3E  }
0x1d9: {  	s0 =	sshll.u32 @!p0 s12, $0x9  }
0x1da: {  	s0 =	sadd.s32 @!p0 $0x200, s0  }
0x1db: {  	s29 =	simm.s32 $0x2;
	s1 =	rddreg [dreg:$0x3];
	s0 =	sshrl.u32 @!p0 s0, $0x3  }
0x1dc: {  	s2 =	simm.s32 @!p0 $0x12000;
	s0 =	sadd.s32 @!p0 s1, s0;
	s1 =	simm.s32 @!p0 $0x0  }
0x1dd: {  	[tilespmem:s2], [sflag:$0x1] =	stream.linear.gather @!p0 [hbm4b:s0+s1], $0x200, $0x38;
	[tilespmem:$0x1A400] =	vst v63  }
0x1de: {  	_ =	swait.ge [sflag:s29], $0x200  }
0x1df: {  	[sflag:s29] =	ssyncset.done $0x0  }
0x1e0: {  	s0 =	simm.s32 @!p1 $0x4;
	[sflag:s29] =	ssyncadd.s32 $0xFFFFFE00  }
0x1e1: {  	_ =	swait.ge @!p1 [sflag:s0], $0x4000  }
0x1e2: {  	[sflag:s0] =	ssyncset.done @!p1 $0x0  }
0x1e3: {  	s30 =	simm.s32 $0x12200;
	[sflag:s0] =	ssyncadd.s32 @!p1 $0xFFFFC000  }
0x1e4: {  	v1 =	vld [tilespmem:s30+$0x0];
	_ =	sdelay $0x4  }
0x1e5: {  	v1 =	vmul.u32 $0x240, v1  }
0x1e6: {  	s31 =	sadd.s32 $0x3E, s26;
	p0 =	por $0x1, $0x1  }
.Ltmp10:
0x1e7: {  	v1 =	vadd.s32 s31, v1;
	(pc) =	sbr.rel @!p0 .LBB2_19-.Ltmp10, $4  }
0x1e8: {  	v1 =	vadd.s32 v0, v1  }
0x1e9: {  	v1 =	vshll.u32 v1, $0x7  }
0x1ea: {  	v1 =	vshra.s32 v1, $0x2  }
0x1eb: {  	s25 =	simm.s32 $0x16500;
	s0 =	simm.s32 $0x12210;
	[dreg:$0xf] =	wrdreg s12;
	(v2sf) =	vpush v1, $0x0  }
0x1ec: {  	_ =	sdelay $0xa  }
0x1ed: {  	(v2sf) =	vpush v1, $0x1;
	_ =	sdelay $0x2  }
0x1ee: {  	s1 =	spop (v2sf)  }
0x1ef: {  	v2 =	vld [tilespmem:s1+$0x0];
	_ =	sdelay $0x4  }
0x1f0: {  	[tilespmem:s25+$0xFFFFFF00] =	vst v2  }
0x1f1: {  	v2 =	vld [tilespmem:s1+$0x10];
	_ =	sdelay $0x1  }
0x1f2: {  	(v2sf) =	vpush v1, $0x2;
	_ =	sdelay $0x2  }
0x1f3: {  	v3 =	vld [tilespmem:s0+$0x0];
	s30 =	spop (v2sf);
	[tilespmem:s25+$0xFFFFFF10] =	vst v2  }
0x1f4: {  	v2 =	vld [tilespmem:s30+$0x0];
	_ =	sdelay $0x4  }
0x1f5: {  	v3 =	vmul.u32 $0x240, v3;
	[tilespmem:s25+$0xFFFFFF20] =	vst v2  }
0x1f6: {  	s31 =	sadd.s32 $0x4E, s26;
	v4 =	vld [tilespmem:s30+$0x10]  }
0x1f7: {  	p0 =	por $0x1, $0x1;
	v2 =	vadd.s32 s31, v3  }
.Ltmp11:
0x1f8: {  	v2 =	vadd.s32 v0, v2;
	(pc) =	sbr.rel @!p0 .LBB2_21-.Ltmp11, $4  }
0x1f9: {  	v2 =	vshll.u32 v2, $0x7  }
0x1fa: {  	v2 =	vshra.s32 v2, $0x2  }
0x1fb: {  	s24 =	spop (v2sf);
	(v2sf) =	vpush v2, $0x0;
	[tilespmem:s25+$0xFFFFFF30] =	vst v4  }
0x1fc: {  	p1 =	por $0x1, $0x1;
	p6 =	por $0x0, $0x0;
	s1 =	simm.s32 $0x12220;
	(v2sf) =	vpush v1, $0x3;
	v18 =	vld [tilespmem:s24+$0x0]  }
0x1fd: {  	_ =	sdelay $0x7  }
0x1fe: {  	[tilespmem:s25+$0xFFFFFF40] =	vst v18  }
0x1ff: {  	v3 =	vld [tilespmem:s24+$0x10]  }
0x200: {  	(v2sf) =	vpush v2, $0x1  }
0x201: {  	(v2sf) =	vpush v1, $0x4;
	_ =	sdelay $0x1  }
0x202: {  	s2 =	spop (v2sf)  }
0x203: {  	[tilespmem:s25+$0xFFFFFF50] =	vst v3;
	v4 =	vld [tilespmem:s2+$0x0];
	s3 =	spop (v2sf)  }
0x204: {  	v3 =	vld [tilespmem:s3+$0x0];
	_ =	sdelay $0x2  }
0x205: {  	s0 =	simm.s32 $0x16700  }
0x206: {  	[tilespmem:s0+$0xFFFFFF00] =	vst v4  }
0x207: {  	v4 =	vld [tilespmem:s2+$0x10];
	[tilespmem:s25+$0xFFFFFF60] =	vst v3  }
0x208: {  	v3 =	vld [tilespmem:s3+$0x10]  }
0x209: {  	(v2sf) =	vpush v2, $0x2;
	_ =	sdelay $0x2  }
0x20a: {  	v5 =	vld [tilespmem:s1+$0x0];
	s29 =	spop (v2sf);
	[tilespmem:s0+$0xFFFFFF10] =	vst v4  }
0x20b: {  	s30 =	spop (v2sf);
	v4 =	vld [tilespmem:s29+$0x0];
	[tilespmem:s25+$0xFFFFFF70] =	vst v3  }
0x20c: {  	v3 =	vld [tilespmem:s30+$0x0];
	_ =	sdelay $0x2  }
0x20d: {  	v5 =	vmul.u32 $0x240, v5  }
0x20e: {  	s31 =	sadd.s32 $0x5E, s26;
	[tilespmem:s0+$0xFFFFFF20] =	vst v4  }
0x20f: {  	v4 =	vadd.s32 s31, v5;
	v6 =	vld [tilespmem:s29+$0x10];
	[tilespmem:s25+$0xFFFFFF80] =	vst v3  }
0x210: {  	p0 =	por $0x1, $0x1;
	v3 =	vadd.s32 v0, v4;
	v4 =	vld [tilespmem:s30+$0x10]  }
.Ltmp12:
0x211: {  	v3 =	vshll.u32 v3, $0x7;
	(pc) =	sbr.rel @!p0 .LBB2_23-.Ltmp12, $4  }
0x212: {  	(v2sf) =	vpush v1, $0x5;
	v5 =	vshra.s32 v3, $0x2  }
0x213: {  	(v2sf) =	vpush v5, $0x0  }
0x214: {  	s24 =	spop (v2sf);
	(v2sf) =	vpush v2, $0x3;
	[tilespmem:s0+$0xFFFFFF30] =	vst v6  }
0x215: {  	s1 =	simm.s32 $0x12230;
	p2 =	por $0x1, $0x1;
	(v2sf) =	vpush v1, $0x6;
	v18 =	vld [tilespmem:s24+$0x0];
	[tilespmem:s25+$0xFFFFFF90] =	vst v4  }
0x216: {  	_ =	sdelay $0xa  }
0x217: {  	s2 =	spop (v2sf)  }
0x218: {  	[tilespmem:s0+$0xFFFFFF40] =	vst v18;
	v3 =	vld [tilespmem:s2+$0x0]  }
0x219: {  	v4 =	vld [tilespmem:s24+$0x10];
	(v2sf) =	vpush v5, $0x1;
	_ =	sdelay $0x1  }
0x21a: {  	(v2sf) =	vpush v2, $0x4  }
0x21b: {  	s4 =	spop (v2sf)  }
0x21c: {  	v6 =	vld [tilespmem:s4+$0x0];
	[tilespmem:s25+$0xFFFFFFA0] =	vst v3  }
0x21d: {  	[tilespmem:s0+$0xFFFFFF50] =	vst v4;
	s22 =	spop (v2sf);
	v3 =	vld [tilespmem:s2+$0x10]  }
0x21e: {  	v4 =	vld [tilespmem:s22+$0x0]  }
0x21f: {  	(v2sf) =	vpush v1, $0x7  }
0x220: {  	s29 =	simm.s32 $0x16900  }
0x221: {  	[tilespmem:s29+$0xFFFFFF00] =	vst v6  }
0x222: {  	s23 =	spop (v2sf);
	v6 =	vld [tilespmem:s4+$0x10];
	[tilespmem:s25+$0xFFFFFFB0] =	vst v3  }
0x223: {  	[tilespmem:s0+$0xFFFFFF60] =	vst v4;
	v3 =	vld [tilespmem:s23+$0x0]  }
0x224: {  	(v2sf) =	vpush v5, $0x2;
	v4 =	vld [tilespmem:s22+$0x10];
	_ =	sdelay $0x2  }
0x225: {  	v7 =	vld [tilespmem:s1+$0x0];
	[tilespmem:s29+$0xFFFFFF10] =	vst v6;
	s24 =	spop (v2sf)  }
0x226: {  	v6 =	vld [tilespmem:s24+$0x0];
	[tilespmem:s25+$0xFFFFFFC0] =	vst v3  }
0x227: {  	[tilespmem:s0+$0xFFFFFF70] =	vst v4;
	s28 =	spop (v2sf);
	v3 =	vld [tilespmem:s23+$0x10]  }
0x228: {  	v4 =	vld [tilespmem:s28+$0x0];
	_ =	sdelay $0x2  }
0x229: {  	v7 =	vmul.u32 $0x240, v7;
	[tilespmem:s29+$0xFFFFFF20] =	vst v6  }
0x22a: {  	s30 =	sadd.s32 $0x6E, s26;
	s31 =	spop (v2sf);
	v6 =	vld [tilespmem:s24+$0x10];
	[tilespmem:s25+$0xFFFFFFD0] =	vst v3  }
0x22b: {  	[tilespmem:s0+$0xFFFFFF80] =	vst v4;
	v3 =	vadd.s32 s30, v7;
	v7 =	vld [tilespmem:s31+$0x0]  }
0x22c: {  	p0 =	por $0x1, $0x1;
	v4 =	vld [tilespmem:s28+$0x10];
	v3 =	vadd.s32 v0, v3  }
.Ltmp13:
0x22d: {  	(v2sf) =	vpush v2, $0x5;
	v3 =	vshll.u32 v3, $0x7;
	(pc) =	sbr.rel @!p0 .LBB2_25-.Ltmp13, $4  }
0x22e: {  	(v2sf) =	vpush v1, $0x8;
	v10 =	vshra.s32 v3, $0x2  }
0x22f: {  	s24 =	spop (v2sf);
	[tilespmem:s29+$0xFFFFFF30] =	vst v6;
	(v2sf) =	vpush v10, $0x0  }
0x230: {  	v18 =	vld [tilespmem:s24+$0x0];
	(v2sf) =	vpush v5, $0x3;
	[tilespmem:s25+$0xFFFFFFE0] =	vst v7  }
0x231: {  	s1 =	simm.s32 $0x12240;
	p3 =	por $0x1, $0x1;
	[tilespmem:s0+$0xFFFFFF90] =	vst v4;
	(v2sf) =	vpush v2, $0x6;
	v16 =	vld [tilespmem:s31+$0x10]  }
0x232: {  	_ =	sdelay $0x8  }
0x233: {  	[tilespmem:s29+$0xFFFFFF40] =	vst v18  }
0x234: {  	v4 =	vld [tilespmem:s24+$0x10];
	s2 =	spop (v2sf);
	(v2sf) =	vpush v1, $0x9  }
0x235: {  	v3 =	vld [tilespmem:s2+$0x0];
	(v2sf) =	vpush v10, $0x1  }
0x236: {  	s4 =	spop (v2sf);
	(v2sf) =	vpush v5, $0x4  }
0x237: {  	[tilespmem:s25+$0xFFFFFFF0] =	vst v16  }
0x238: {  	v6 =	vld [tilespmem:s4+$0x0];
	s5 =	spop (v2sf)  }
0x239: {  	[tilespmem:s29+$0xFFFFFF50] =	vst v4;
	v7 =	vld [tilespmem:s5+$0x0];
	s21 =	spop (v2sf)  }
0x23a: {  	v4 =	vld [tilespmem:s21+$0x0];
	[tilespmem:s0+$0xFFFFFFA0] =	vst v3  }
0x23b: {  	v3 =	vld [tilespmem:s2+$0x10];
	_ =	sdelay $0x1  }
0x23c: {  	s8 =	simm.s32 $0x16B00;
	(v2sf) =	vpush v2, $0x7;
	[tilespmem:s25+$0x0] =	vst v6  }
0x23d: {  	v6 =	vld [tilespmem:s4+$0x10];
	[tilespmem:s8+$0xFFFFFF00] =	vst v7  }
0x23e: {  	v7 =	vld [tilespmem:s5+$0x10];
	[tilespmem:s29+$0xFFFFFF60] =	vst v4  }
0x23f: {  	s22 =	spop (v2sf);
	v4 =	vld [tilespmem:s21+$0x10];
	[tilespmem:s0+$0xFFFFFFB0] =	vst v3  }
0x240: {  	(v2sf) =	vpush v1, $0xA;
	v3 =	vld [tilespmem:s22+$0x0]  }
0x241: {  	(v2sf) =	vpush v10, $0x2  }
0x242: {  	v8 =	vld [tilespmem:s1+$0x0];
	[tilespmem:s25+$0x10] =	vst v6;
	s23 =	spop (v2sf)  }
0x243: {  	[tilespmem:s8+$0xFFFFFF10] =	vst v7;
	v6 =	vld [tilespmem:s23+$0x0];
	s24 =	spop (v2sf)  }
0x244: {  	[tilespmem:s29+$0xFFFFFF70] =	vst v4;
	v7 =	vld [tilespmem:s24+$0x0];
	s28 =	spop (v2sf)  }
0x245: {  	[tilespmem:s0+$0xFFFFFFC0] =	vst v3;
	v4 =	vld [tilespmem:s28+$0x0]  }
0x246: {  	v3 =	vld [tilespmem:s22+$0x10];
	_ =	sdelay $0x1  }
0x247: {  	v8 =	vmul.u32 $0x240, v8;
	[tilespmem:s25+$0x20] =	vst v6  }
0x248: {  	s30 =	sadd.s32 $0x7E, s26;
	v6 =	vld [tilespmem:s23+$0x10];
	[tilespmem:s8+$0xFFFFFF20] =	vst v7  }
0x249: {  	v7 =	vadd.s32 s30, v8;
	v8 =	vld [tilespmem:s24+$0x10];
	[tilespmem:s29+$0xFFFFFF80] =	vst v4  }
0x24a: {  	s31 =	spop (v2sf);
	[tilespmem:s0+$0xFFFFFFD0] =	vst v3;
	v12 =	vld [tilespmem:s28+$0x10]  }
0x24b: {  	v3 =	vadd.s32 v0, v7;
	v7 =	vld [tilespmem:s31+$0x0]  }
0x24c: {  	p0 =	por $0x1, $0x1;
	(v2sf) =	vpush v5, $0x5;
	v3 =	vshll.u32 v3, $0x7  }
.Ltmp14:
0x24d: {  	(v2sf) =	vpush v2, $0x8;
	v11 =	vshra.s32 v3, $0x2;
	[tilespmem:s25+$0x30] =	vst v6;
	(pc) =	sbr.rel @!p0 .LBB2_27-.Ltmp14, $4  }
0x24e: {  	s23 =	spop (v2sf);
	(v2sf) =	vpush v11, $0x0;
	[tilespmem:s8+$0xFFFFFF30] =	vst v8  }
0x24f: {  	s24 =	spop (v2sf);
	(v2sf) =	vpush v1, $0xB;
	v4 =	vld [tilespmem:s23+$0x0];
	[tilespmem:s29+$0xFFFFFF90] =	vst v12  }
0x250: {  	(v2sf) =	vpush v10, $0x3;
	v18 =	vld [tilespmem:s24+$0x0];
	[tilespmem:s0+$0xFFFFFFE0] =	vst v7  }
0x251: {  	s1 =	simm.s32 $0x12250;
	p4 =	por $0x1, $0x1;
	(v2sf) =	vpush v5, $0x6;
	v9 =	vld [tilespmem:s31+$0x10];
	[dreg:$0x12] =	wrdreg s23  }
0x252: {  	_ =	sdelay $0x7  }
0x253: {  	[tilespmem:s25+$0x40] =	vst v4  }
0x254: {  	(v2sf) =	vpush v2, $0x9;
	v6 =	vld [tilespmem:s23+$0x10];
	s2 =	spop (v2sf)  }
0x255: {  	(v2sf) =	vpush v11, $0x1;
	[tilespmem:s8+$0xFFFFFF40] =	vst v18;
	v3 =	vld [tilespmem:s2+$0x0]  }
0x256: {  	v7 =	vld [tilespmem:s24+$0x10];
	s4 =	spop (v2sf);
	(v2sf) =	vpush v1, $0xC  }
0x257: {  	[tilespmem:s0+$0xFFFFFFF0] =	vst v9  }
0x258: {  	v8 =	vld [tilespmem:s4+$0x0];
	s5 =	spop (v2sf);
	(v2sf) =	vpush v10, $0x4  }
0x259: {  	[tilespmem:s25+$0x50] =	vst v6;
	v12 =	vld [tilespmem:s5+$0x0];
	s20 =	spop (v2sf)  }
0x25a: {  	v6 =	vld [tilespmem:s20+$0x0];
	[tilespmem:s29+$0xFFFFFFA0] =	vst v3  }
0x25b: {  	[tilespmem:s8+$0xFFFFFF50] =	vst v7;
	s6 =	spop (v2sf);
	v3 =	vld [tilespmem:s2+$0x10]  }
0x25c: {  	v7 =	vld [tilespmem:s6+$0x0]  }
0x25d: {  	s18 =	simm.s32 $0x16D00;
	(v2sf) =	vpush v5, $0x7;
	[tilespmem:s0+$0x0] =	vst v8  }
0x25e: {  	v8 =	vld [tilespmem:s4+$0x10];
	[tilespmem:s18+$0xFFFFFF00] =	vst v12  }
0x25f: {  	v12 =	vld [tilespmem:s5+$0x10];
	[tilespmem:s25+$0x60] =	vst v6  }
0x260: {  	s21 =	spop (v2sf);
	v6 =	vld [tilespmem:s20+$0x10];
	[tilespmem:s29+$0xFFFFFFB0] =	vst v3  }
0x261: {  	(v2sf) =	vpush v2, $0xA;
	[tilespmem:s8+$0xFFFFFF60] =	vst v7;
	v3 =	vld [tilespmem:s21+$0x0]  }
0x262: {  	(v2sf) =	vpush v11, $0x2;
	v7 =	vld [tilespmem:s6+$0x10]  }
0x263: {  	v13 =	vld [tilespmem:s1+$0x0];
	s22 =	spop (v2sf);
	(v2sf) =	vpush v1, $0xD;
	[tilespmem:s0+$0x10] =	vst v8  }
0x264: {  	s23 =	spop (v2sf);
	v8 =	vld [tilespmem:s22+$0x0];
	[tilespmem:s18+$0xFFFFFF10] =	vst v12  }
0x265: {  	v12 =	vld [tilespmem:s23+$0x0];
	[tilespmem:s25+$0x70] =	vst v6;
	s24 =	spop (v2sf)  }
0x266: {  	v6 =	vld [tilespmem:s24+$0x0];
	[tilespmem:s29+$0xFFFFFFC0] =	vst v3  }
0x267: {  	[tilespmem:s8+$0xFFFFFF70] =	vst v7;
	s28 =	spop (v2sf);
	v3 =	vld [tilespmem:s21+$0x10]  }
0x268: {  	v7 =	vld [tilespmem:s28+$0x0]  }
0x269: {  	v13 =	vmul.u32 $0x240, v13;
	[tilespmem:s0+$0x20] =	vst v8  }
0x26a: {  	s30 =	sadd.s32 $0x8E, s26;
	v8 =	vld [tilespmem:s22+$0x10];
	[tilespmem:s18+$0xFFFFFF20] =	vst v12  }
0x26b: {  	v12 =	vadd.s32 s30, v13;
	v14 =	vld [tilespmem:s23+$0x10];
	[tilespmem:s25+$0x80] =	vst v6  }
0x26c: {  	s31 =	spop (v2sf);
	v6 =	vld [tilespmem:s24+$0x10];
	[tilespmem:s29+$0xFFFFFFD0] =	vst v3;
	v3 =	vadd.s32 v0, v12  }
0x26d: {  	[tilespmem:s8+$0xFFFFFF80] =	vst v7;
	v12 =	vld [tilespmem:s31+$0x0];
	v3 =	vshll.u32 v3, $0x7  }
0x26e: {  	v13 =	vshra.s32 v3, $0x2;
	v3 =	vld [tilespmem:s28+$0x10]  }
0x26f: {  	(v2sf) =	vpush v10, $0x5;
	[tilespmem:s0+$0x30] =	vst v8  }
0x270: {  	p0 =	por $0x1, $0x1;
	(v2sf) =	vpush v5, $0x8;
	s2 =	spop (v2sf);
	[tilespmem:s18+$0xFFFFFF30] =	vst v14  }
.Ltmp15:
0x271: {  	s24 =	spop (v2sf);
	v8 =	vld [tilespmem:s2+$0x0];
	(v2sf) =	vpush v13, $0x0;
	[tilespmem:s25+$0x90] =	vst v6;
	(pc) =	sbr.rel @!p0 .LBB2_29-.Ltmp15, $4  }
0x272: {  	s11 =	spop (v2sf);
	v18 =	vld [tilespmem:s24+$0x0];
	(v2sf) =	vpush v2, $0xB;
	[tilespmem:s29+$0xFFFFFFE0] =	vst v12  }
0x273: {  	(v2sf) =	vpush v11, $0x3;
	v6 =	vld [tilespmem:s11+$0x0];
	[tilespmem:s8+$0xFFFFFF90] =	vst v3  }
0x274: {  	(v2sf) =	vpush v1, $0xE;
	v12 =	vld [tilespmem:s31+$0x10];
	[dreg:$0x14] =	wrdreg s11  }
0x275: {  	s1 =	simm.s32 $0x12260;
	p5 =	por $0x1, $0x1;
	(v2sf) =	vpush v10, $0x6;
	[dreg:$0x16] =	wrdreg s2  }
0x276: {  	_ =	sdelay $0x7  }
0x277: {  	v3 =	vld [tilespmem:s1+$0x0];
	(v2sf) =	vpush v5, $0x9;
	s15 =	spop (v2sf)  }
0x278: {  	[tilespmem:s0+$0x40] =	vst v8;
	v7 =	vld [tilespmem:s15+$0x0]  }
0x279: {  	(v2sf) =	vpush v13, $0x1;
	[tilespmem:s18+$0xFFFFFF40] =	vst v18;
	v14 =	vld [tilespmem:s2+$0x10]  }
0x27a: {  	v15 =	vld [tilespmem:s24+$0x10];
	[tilespmem:s29+$0xFFFFFFF0] =	vst v12;
	s16 =	spop (v2sf)  }
0x27b: {  	[tilespmem:s25+$0xA0] =	vst v6;
	(v2sf) =	vpush v2, $0xC;
	v16 =	vld [tilespmem:s16+$0x0]  }
0x27c: {  	v17 =	vld [tilespmem:s11+$0x10];
	s4 =	spop (v2sf);
	(v2sf) =	vpush v11, $0x4  }
0x27d: {  	v18 =	vld [tilespmem:s4+$0x0];
	[tilespmem:s8+$0xFFFFFFA0] =	vst v7  }
0x27e: {  	[tilespmem:s0+$0x50] =	vst v14;
	s17 =	spop (v2sf);
	(v2sf) =	vpush v1, $0xF;
	v7 =	vld [tilespmem:s15+$0x10]  }
0x27f: {  	[tilespmem:s18+$0xFFFFFF50] =	vst v15;
	s5 =	spop (v2sf);
	v14 =	vld [tilespmem:s17+$0x0]  }
0x280: {  	(v2sf) =	vpush v10, $0x7;
	v15 =	vld [tilespmem:s5+$0x0];
	[tilespmem:s29+$0x0] =	vst v16  }
0x281: {  	s10 =	simm.s32 $0x16F00;
	[tilespmem:s25+$0xB0] =	vst v17;
	s19 =	spop (v2sf);
	v16 =	vld [tilespmem:s16+$0x10]  }
0x282: {  	v17 =	vld [tilespmem:s19+$0x0];
	[tilespmem:s10+$0xFFFFFF00] =	vst v18  }
0x283: {  	s20 =	spop (v2sf);
	(v2sf) =	vpush v5, $0xA;
	v18 =	vld [tilespmem:s4+$0x10];
	[tilespmem:s8+$0xFFFFFFB0] =	vst v7  }
0x284: {  	(v2sf) =	vpush v13, $0x2;
	[tilespmem:s0+$0x60] =	vst v14;
	v7 =	vld [tilespmem:s20+$0x0]  }
0x285: {  	[tilespmem:s18+$0xFFFFFF60] =	vst v15;
	v14 =	vld [tilespmem:s17+$0x10]  }
0x286: {  	s21 =	spop (v2sf);
	v15 =	vld [tilespmem:s5+$0x10];
	[tilespmem:s29+$0x10] =	vst v16  }
0x287: {  	(v2sf) =	vpush v2, $0xD;
	[tilespmem:s25+$0xC0] =	vst v17;
	v16 =	vld [tilespmem:s21+$0x0]  }
0x288: {  	v3 =	vmul.u32 $0x240, v3;
	s22 =	spop (v2sf);
	v17 =	vld [tilespmem:s19+$0x10];
	[tilespmem:s10+$0xFFFFFF10] =	vst v18  }
0x289: {  	s6 =	sadd.s32 $0x9E, s26;
	(v2sf) =	vpush v11, $0x5;
	v18 =	vld [tilespmem:s22+$0x0];
	[tilespmem:s8+$0xFFFFFFC0] =	vst v7  }
0x28a: {  	v3 =	vadd.s32 s6, v3;
	[tilespmem:s0+$0x70] =	vst v14;
	s23 =	spop (v2sf);
	v7 =	vld [tilespmem:s20+$0x10]  }
0x28b: {  	v3 =	vadd.s32 v0, v3;
	[tilespmem:s18+$0xFFFFFF70] =	vst v15;
	s24 =	spop (v2sf);
	v14 =	vld [tilespmem:s23+$0x0]  }
0x28c: {  	v3 =	vshll.u32 v3, $0x7;
	(v2sf) =	vpush v10, $0x8;
	v15 =	vld [tilespmem:s24+$0x0];
	[tilespmem:s29+$0x20] =	vst v16  }
0x28d: {  	v3 =	vshra.s32 v3, $0x2;
	[tilespmem:s25+$0xD0] =	vst v17;
	s28 =	spop (v2sf);
	v16 =	vld [tilespmem:s21+$0x10]  }
0x28e: {  	(v2sf) =	vpush v3, $0x0;
	v17 =	vld [tilespmem:s28+$0x0];
	[tilespmem:s10+$0xFFFFFF20] =	vst v18  }
0x28f: {  	s30 =	spop (v2sf);
	v18 =	vld [tilespmem:s22+$0x10];
	[tilespmem:s8+$0xFFFFFFD0] =	vst v7  }
0x290: {  	(v2sf) =	vpush v5, $0xB;
	[tilespmem:s0+$0x80] =	vst v14;
	v19 =	vld [tilespmem:s30+$0x0]  }
0x291: {  	(v2sf) =	vpush v13, $0x3;
	[tilespmem:s18+$0xFFFFFF80] =	vst v15;
	v14 =	vld [tilespmem:s23+$0x10]  }
0x292: {  	p0 =	por $0x1, $0x1;
	s23 =	spop (v2sf);
	v20 =	vld [tilespmem:s24+$0x10];
	[tilespmem:s29+$0x30] =	vst v16  }
.Ltmp16:
0x293: {  	[tilespmem:s25+$0xE0] =	vst v17;
	s24 =	spop (v2sf);
	(v2sf) =	vpush v2, $0xE;
	v15 =	vld [tilespmem:s23+$0x0];
	(pc) =	sbr.rel @!p0 .LBB2_31-.Ltmp16, $4  }
0x294: {  	v7 =	vld [tilespmem:s28+$0x10];
	[tilespmem:s10+$0xFFFFFF30] =	vst v18  }
0x295: {  	s1 =	simm.s32 $0x9E;
	p6 =	por $0x1, $0x1;
	(v2sf) =	vpush v11, $0x6;
	v18 =	vld [tilespmem:s24+$0x0];
	[tilespmem:s8+$0xFFFFFFE0] =	vst v19  }
0x296: {  	s9 =	simm.s32 $0x16900;
	s31 =	simm.s32 $0x16500;
	s11 =	spop (v2sf);
	[tilespmem:s0+$0x90] =	vst v14;
	v16 =	vld [tilespmem:s30+$0x10]  }
0x297: {  	s13 =	simm.s32 $0x16B00;
	s2 =	simm.s32 $0x12270;
	s17 =	simm.s32 $0x16700;
	v17 =	vmov v10;
	[tilespmem:s18+$0xFFFFFF90] =	vst v20;
	v14 =	vld [tilespmem:s11+$0x0];
	v20 =	vmov v2;
	v19 =	vmov v5  }
.LBB2_32:
0x298: {  	v21 =	vld [tilespmem:s2+$0x0];
	s4 =	spop (v2sf);
	(v2sf) =	vpush v17, $0x9;
	[tilespmem:s9+$0x40] =	vst v15  }
0x299: {  	v15 =	vld [tilespmem:s4+$0x0];
	[tilespmem:s31+$0xF0] =	vst v7;
	s31 =	smov.u32 s17;
	s17 =	smov.u32 s9;
	s9 =	smov.u32 s13  }
0x29a: {  	s13 =	smov.u32 s18;
	s18 =	smov.u32 s10;
	(v2sf) =	vpush v3, $0x1;
	[tilespmem:s10+$0xFFFFFF40] =	vst v18;
	v7 =	vld [tilespmem:s23+$0x10]  }
0x29b: {  	v18 =	vld [tilespmem:s24+$0x10];
	[tilespmem:s9+$0xFFFFFFF0] =	vst v16;
	s5 =	spop (v2sf)  }
0x29c: {  	v16 =	vld [tilespmem:s5+$0x0];
	(v2sf) =	vpush v19, $0xC;
	[tilespmem:s31+$0xA0] =	vst v14  }
0x29d: {  	s6 =	spop (v2sf);
	(v2sf) =	vpush v13, $0x4;
	v14 =	vld [tilespmem:s11+$0x10]  }
0x29e: {  	v22 =	vld [tilespmem:s6+$0x0];
	[tilespmem:s13+$0xFFFFFFA0] =	vst v15  }
0x29f: {  	v15 =	vld [tilespmem:s4+$0x10];
	[tilespmem:s17+$0x50] =	vst v7;
	s4 =	spop (v2sf);
	(v2sf) =	vpush v20, $0xF;
	v20 =	vmovc v19;
	v19 =	vmovc v17;
	v17 =	vmov v11;
	v11 =	vmov v13  }
0x2a0: {  	v13 =	vmov v3;
	[tilespmem:s10+$0xFFFFFF50] =	vst v18;
	s7 =	spop (v2sf);
	v7 =	vld [tilespmem:s4+$0x0]  }
0x2a1: {  	v3 =	vld [tilespmem:s7+$0x0];
	(v2sf) =	vpush v17, $0x7;
	[tilespmem:s9+$0x0] =	vst v16  }
0x2a2: {  	s10 =	sadd.s32 $0x200, s10;
	v16 =	vld [tilespmem:s5+$0x10];
	[tilespmem:s31+$0xB0] =	vst v14;
	s5 =	spop (v2sf)  }
0x2a3: {  	[tilespmem:s10+$0xFFFFFF00] =	vst v22;
	v14 =	vld [tilespmem:s5+$0x0]  }
0x2a4: {  	v18 =	vld [tilespmem:s6+$0x10];
	[tilespmem:s13+$0xFFFFFFB0] =	vst v15;
	s6 =	spop (v2sf);
	(v2sf) =	vpush v19, $0xA  }
0x2a5: {  	s1 =	sadd.s32 $0x10, s1;
	v15 =	vld [tilespmem:s6+$0x0];
	[tilespmem:s17+$0x60] =	vst v7  }
0x2a6: {  	s11 =	sadd.s32 $0xFFFFFFC2, s1;
	(v2sf) =	vpush v13, $0x2;
	[tilespmem:s18+$0xFFFFFF60] =	vst v3;
	v3 =	vld [tilespmem:s4+$0x10]  }
0x2a7: {  	p0 =	slt.u32 s11, $0x1F0;
	v7 =	vld [tilespmem:s7+$0x10];
	[tilespmem:s9+$0x10] =	vst v16;
	s4 =	spop (v2sf)  }
0x2a8: {  	v16 =	vld [tilespmem:s4+$0x0];
	(v2sf) =	vpush v20, $0xD;
	[tilespmem:s31+$0xC0] =	vst v14  }
0x2a9: {  	v14 =	vmul.u32 $0x240, v21;
	[tilespmem:s10+$0xFFFFFF10] =	vst v18;
	s7 =	spop (v2sf);
	v18 =	vld [tilespmem:s5+$0x10]  }
0x2aa: {  	s5 =	sadd.s32 s1, s26;
	v21 =	vld [tilespmem:s7+$0x0];
	(v2sf) =	vpush v11, $0x5;
	[tilespmem:s13+$0xFFFFFFC0] =	vst v15  }
0x2ab: {  	v14 =	vadd.s32 s5, v14;
	v15 =	vld [tilespmem:s6+$0x10];
	[tilespmem:s17+$0x70] =	vst v3;
	s5 =	spop (v2sf)  }
0x2ac: {  	v3 =	vadd.s32 v0, v14;
	[tilespmem:s18+$0xFFFFFF70] =	vst v7;
	s6 =	spop (v2sf);
	v7 =	vld [tilespmem:s5+$0x0]  }
0x2ad: {  	v3 =	vshll.u32 v3, $0x7;
	v14 =	vld [tilespmem:s6+$0x0];
	(v2sf) =	vpush v17, $0x8;
	[tilespmem:s9+$0x20] =	vst v16  }
0x2ae: {  	v3 =	vshra.s32 v3, $0x2;
	v16 =	vld [tilespmem:s4+$0x10];
	[tilespmem:s31+$0xD0] =	vst v18;
	s4 =	spop (v2sf)  }
0x2af: {  	(v2sf) =	vpush v3, $0x0;
	[tilespmem:s10+$0xFFFFFF20] =	vst v21;
	v18 =	vld [tilespmem:s4+$0x0]  }
0x2b0: {  	v21 =	vld [tilespmem:s7+$0x10];
	[tilespmem:s13+$0xFFFFFFD0] =	vst v15;
	s7 =	spop (v2sf)  }
0x2b1: {  	v22 =	vld [tilespmem:s7+$0x0];
	(v2sf) =	vpush v19, $0xB;
	[tilespmem:s17+$0x80] =	vst v7  }
0x2b2: {  	(v2sf) =	vpush v13, $0x3;
	[tilespmem:s18+$0xFFFFFF80] =	vst v14;
	v14 =	vld [tilespmem:s5+$0x10]  }
0x2b3: {  	v23 =	vld [tilespmem:s6+$0x10];
	[tilespmem:s9+$0x30] =	vst v16;
	s23 =	spop (v2sf)  }
.Ltmp17:
0x2b4: {  	v15 =	vld [tilespmem:s23+$0x0];
	(v2sf) =	vpush v20, $0xE;
	[tilespmem:s31+$0xE0] =	vst v18;
	(pc) =	sbr.rel @p0 .LBB2_32-.Ltmp17, $4  }
0x2b5: {  	[tilespmem:s10+$0xFFFFFF30] =	vst v21;
	s24 =	spop (v2sf);
	v7 =	vld [tilespmem:s4+$0x10]  }
0x2b6: {  	v18 =	vld [tilespmem:s24+$0x0];
	(v2sf) =	vpush v11, $0x6;
	[tilespmem:s13+$0xFFFFFFE0] =	vst v22  }
0x2b7: {  	v16 =	vld [tilespmem:s7+$0x10];
	[tilespmem:s17+$0x90] =	vst v14;
	s11 =	spop (v2sf)  }
0x2b8: {  	s2 =	sadd.s32 $0x10, s2;
	[tilespmem:s18+$0xFFFFFF90] =	vst v23;
	v14 =	vld [tilespmem:s11+$0x0]  }
.LBB2_33:
0x2b9: {  	_ = 	snop  }
0x2ba: {  	(v2sf) =	vpush @p3 v17, $0x9;
	_ =	sdelay $0x1  }
0x2bb: {  	s28 =	spop @p2 (v2sf);
	(v2sf) =	vpush v3, $0x1  }
0x2bc: {  	s6 =	spop @p3 (v2sf)  }
0x2bd: {  	s2 =	spop (v2sf)  }
0x2be: {  	v21 =	vld [tilespmem:s2+$0x0];
	_ =	sdelay $0x2  }
0x2bf: {  	s1 =	sadd.s32 @p1 $0x200, s10;
	s14 =	smov.u32 s25  }
0x2c0: {  	s14 =	smov.u32 @p1 s1;
	(v2sf) =	vpush @p4 v19, $0xC  }
0x2c1: {  	(v2sf) =	vpush @p1 v13, $0x4;
	s1 =	spop @p4 (v2sf);
	[tilespmem:s14+$0xFFFFFF00] =	vst v21  }
0x2c2: {  	(v2sf) =	vpush @p5 v20, $0xF;
	[smem:$0x7F9] =	sst s1  }
0x2c3: {  	(v2sf) =	vpush @p2 v11, $0x7;
	s5 =	spop @p1 (v2sf);
	v59 =	vld [tilespmem:s2+$0x10]  }
0x2c4: {  	(v2sf) =	vpush @p3 v17, $0xA;
	s1 =	spop @p5 (v2sf)  }
0x2c5: {  	(v2sf) =	vpush v3, $0x2;
	s4 =	spop @p2 (v2sf)  }
0x2c6: {  	[dreg:$0x1a] =	wrdreg s1;
	s1 =	spop @p3 (v2sf)  }
0x2c7: {  	[smem:$0x7F8] =	sst s1  }
0x2c8: {  	s1 =	spop (v2sf);
	[tilespmem:s14+$0xFFFFFF10] =	vst v59  }
0x2c9: {  	v20 =	vld [tilespmem:s1+$0x0];
	_ =	sdelay $0x1  }
0x2ca: {  	(v2sf) =	vpush @p4 v19, $0xD;
	_ =	sdelay $0x2  }
0x2cb: {  	(v2sf) =	vpush @p1 v13, $0x5;
	[tilespmem:s14+$0xFFFFFF20] =	vst v20  }
0x2cc: {  	v20 =	vld [tilespmem:s1+$0x10];
	s1 =	spop @p4 (v2sf);
	(v2sf) =	vpush @p2 v11, $0x8  }
0x2cd: {  	(v2sf) =	vpush @p3 v17, $0xB;
	s7 =	spop @p1 (v2sf)  }
0x2ce: {  	[smem:$0x7FA] =	sst s1;
	(v2sf) =	vpush v3, $0x3;
	s1 =	spop @p5 (v2sf)  }
0x2cf: {  	[dreg:$0x18] =	wrdreg s1;
	s16 =	spop @p2 (v2sf)  }
0x2d0: {  	s2 =	spop @p3 (v2sf);
	[tilespmem:s10+$0xFFFFFF40] =	vst @p1 v18  }
0x2d1: {  	[tilespmem:s14+$0xFFFFFF30] =	vst v20;
	s12 =	spop (v2sf);
	v18 =	vld @p1 [tilespmem:s24+$0x10]  }
0x2d2: {  	v20 =	vld [tilespmem:s12+$0x0];
	_ =	sdelay $0x2  }
0x2d3: {  	(v2sf) =	vpush @p4 v19, $0xE  }
0x2d4: {  	[tilespmem:s10+$0xFFFFFF50] =	vst @p1 v18  }
0x2d5: {  	v5 =	vpsel p2, v11, v5;
	(v2sf) =	vpush @p1 v13, $0x6;
	s1 =	spop @p4 (v2sf);
	[tilespmem:s14+$0xFFFFFF40] =	vst v20  }
0x2d6: {  	v17 =	vpsel p3, v17, v2;
	(v2sf) =	vpush @p2 v5, $0x9;
	v60 =	vld [tilespmem:s12+$0x10];
	[dreg:$0x1f] =	wrdreg s1  }
0x2d7: {  	(v2sf) =	vpush @p3 v17, $0xC;
	v18 =	vld @p1 [tilespmem:s5+$0x0]  }
0x2d8: {  	s22 =	spop @p1 (v2sf);
	(v2sf) =	vpush v3, $0x4  }
0x2d9: {  	s19 =	spop @p2 (v2sf)  }
0x2da: {  	s24 =	spop @p3 (v2sf)  }
0x2db: {  	[tilespmem:s14+$0xFFFFFF50] =	vst v60;
	s3 =	spop (v2sf)  }
0x2dc: {  	v11 =	vld [tilespmem:s3+$0x0];
	[tilespmem:s10+$0xFFFFFF60] =	vst @p1 v18  }
0x2dd: {  	v18 =	vld @p1 [tilespmem:s5+$0x10];
	_ =	sdelay $0x1  }
0x2de: {  	v19 =	vpsel p4, v19, v1  }
0x2df: {  	v10 =	vpsel p1, v13, v10;
	(v2sf) =	vpush @p4 v19, $0xF  }
0x2e0: {  	(v2sf) =	vpush @p1 v10, $0x7;
	[tilespmem:s14+$0xFFFFFF60] =	vst v11  }
0x2e1: {  	v13 =	vmov @p3 v17;
	(v2sf) =	vpush @p2 v5, $0xA;
	s1 =	spop @p4 (v2sf);
	v11 =	vld [tilespmem:s3+$0x10];
	[tilespmem:s10+$0xFFFFFF70] =	vst @p1 v18  }
0x2e2: {  	(v2sf) =	vpush @p3 v13, $0xD;
	[dreg:$0x1d] =	wrdreg s1  }
0x2e3: {  	(v2sf) =	vpush v3, $0x5;
	s30 =	spop @p1 (v2sf);
	v17 =	vld @p1 [tilespmem:s7+$0x0]  }
0x2e4: {  	s20 =	spop @p2 (v2sf)  }
0x2e5: {  	s5 =	spop @p3 (v2sf)  }
0x2e6: {  	s15 =	spop (v2sf);
	[tilespmem:s14+$0xFFFFFF70] =	vst v11  }
0x2e7: {  	v11 =	vld [tilespmem:s15+$0x0]  }
0x2e8: {  	[tilespmem:s10+$0xFFFFFF80] =	vst @p1 v17  }
0x2e9: {  	v17 =	vld @p1 [tilespmem:s7+$0x10];
	_ =	sdelay $0x2  }
0x2ea: {  	(v2sf) =	vpush @p1 v10, $0x8;
	v18 =	vld @p2 [tilespmem:s28+$0x0];
	[tilespmem:s14+$0xFFFFFF80] =	vst v11  }
0x2eb: {  	(v2sf) =	vpush @p2 v5, $0xB;
	v11 =	vld [tilespmem:s15+$0x10]  }
0x2ec: {  	(v2sf) =	vpush @p3 v13, $0xE;
	s1 =	spop @p4 (v2sf);
	[tilespmem:s10+$0xFFFFFF90] =	vst @p1 v17  }
0x2ed: {  	(v2sf) =	vpush v3, $0x6;
	s7 =	spop @p1 (v2sf);
	[dreg:$0x1c] =	wrdreg s1  }
0x2ee: {  	s3 =	smov.u32 @p2 s18;
	s15 =	spop @p2 (v2sf);
	v17 =	vld @p1 [tilespmem:s22+$0x0]  }
0x2ef: {  	s12 =	spop @p3 (v2sf);
	[tilespmem:s3+$0xFFFFFFA0] =	vst @p2 v18  }
0x2f0: {  	s18 =	spop (v2sf);
	v18 =	vld @p2 [tilespmem:s28+$0x10];
	[tilespmem:s14+$0xFFFFFF90] =	vst v11  }
0x2f1: {  	s8 =	smov.u32 @p1 s10;
	v11 =	vld [tilespmem:s18+$0x0]  }
0x2f2: {  	s21 =	smov.u32 @p1 s8  }
0x2f3: {  	[tilespmem:s21+$0xFFFFFFA0] =	vst @p1 v17  }
0x2f4: {  	v17 =	vld @p1 [tilespmem:s22+$0x10]  }
0x2f5: {  	v2 =	vpsel p1, v10, v2;
	[tilespmem:s3+$0xFFFFFFB0] =	vst @p2 v18  }
0x2f6: {  	v1 =	vpsel p2, v5, v1;
	(v2sf) =	vpush @p1 v2, $0x9;
	[tilespmem:s14+$0xFFFFFFA0] =	vst v11;
	v11 =	vld @p2 [tilespmem:s4+$0x0]  }
0x2f7: {  	v10 =	vpsel p3, v13, v0;
	(v2sf) =	vpush @p2 v1, $0xC;
	v61 =	vld [tilespmem:s18+$0x10]  }
0x2f8: {  	(v2sf) =	vpush @p3 v10, $0xF  }
0x2f9: {  	s1 =	spop @p1 (v2sf);
	(v2sf) =	vpush v3, $0x7;
	[tilespmem:s21+$0xFFFFFFB0] =	vst @p1 v17  }
0x2fa: {  	s28 =	spop @p2 (v2sf);
	v10 =	vld @p1 [tilespmem:s30+$0x0]  }
0x2fb: {  	s8 =	spop @p3 (v2sf);
	[tilespmem:s3+$0xFFFFFFC0] =	vst @p2 v11  }
0x2fc: {  	s22 =	spop (v2sf);
	[tilespmem:s14+$0xFFFFFFB0] =	vst v61;
	v11 =	vld @p2 [tilespmem:s4+$0x10]  }
0x2fd: {  	v5 =	vld [tilespmem:s22+$0x0];
	_ =	sdelay $0x1  }
0x2fe: {  	[tilespmem:s21+$0xFFFFFFC0] =	vst @p1 v10  }
0x2ff: {  	v10 =	vld @p1 [tilespmem:s30+$0x10]  }
0x300: {  	[tilespmem:s3+$0xFFFFFFD0] =	vst @p2 v11  }
0x301: {  	[tilespmem:s14+$0xFFFFFFC0] =	vst v5;
	v11 =	vld @p2 [tilespmem:s16+$0x0]  }
0x302: {  	(v2sf) =	vpush @p1 v2, $0xA;
	v5 =	vld [tilespmem:s22+$0x10]  }
0x303: {  	(v2sf) =	vpush @p2 v1, $0xD  }
0x304: {  	(v2sf) =	vpush v3, $0x8;
	s4 =	spop @p1 (v2sf);
	[tilespmem:s21+$0xFFFFFFD0] =	vst @p1 v10  }
0x305: {  	s18 =	spop @p2 (v2sf);
	v10 =	vld @p1 [tilespmem:s7+$0x0]  }
0x306: {  	s10 =	spop @p3 (v2sf);
	[tilespmem:s3+$0xFFFFFFE0] =	vst @p2 v11  }
0x307: {  	s30 =	spop (v2sf);
	[tilespmem:s14+$0xFFFFFFD0] =	vst v5;
	v11 =	vld @p2 [tilespmem:s16+$0x10]  }
0x308: {  	v5 =	vld [tilespmem:s30+$0x0];
	_ =	sdelay $0x1  }
0x309: {  	[tilespmem:s21+$0xFFFFFFE0] =	vst @p1 v10  }
0x30a: {  	s22 =	smov.u32 @p3 s13;
	v10 =	vld @p1 [tilespmem:s7+$0x10]  }
0x30b: {  	[tilespmem:s22+$0xFFFFFFF0] =	vst @p3 v16  }
0x30c: {  	v11 =	vpsel p2, v11, v12;
	v12 =	vld @p3 [tilespmem:s6+$0x0];
	[tilespmem:s14+$0xFFFFFFE0] =	vst v5  }
0x30d: {  	s29 =	smov.u32 @p2 s3;
	v5 =	vld [tilespmem:s30+$0x10]  }
0x30e: {  	(v2sf) =	vpush @p1 v2, $0xB;
	s16 =	smov.u32 s0;
	s0 =	smov.u32 @p1 s21;
	s30 =	smov.u32 @p2 s29  }
0x30f: {  	(v2sf) =	vpush @p2 v1, $0xE;
	s7 =	smov.u32 @p1 s0;
	[tilespmem:s30+$0xFFFFFFF0] =	vst @p2 v11;
	v9 =	vpsel p1, v10, v9  }
0x310: {  	(v2sf) =	vpush v3, $0x9;
	s0 =	spop @p1 (v2sf);
	v10 =	vld @p2 [tilespmem:s19+$0x0];
	[tilespmem:s7+$0xFFFFFFF0] =	vst @p1 v9  }
0x311: {  	s13 =	spop @p2 (v2sf);
	[tilespmem:s22+$0x0] =	vst @p3 v12;
	v9 =	vld @p1 [tilespmem:s1+$0x0]  }
0x312: {  	s29 =	spop (v2sf);
	v11 =	vld @p3 [tilespmem:s6+$0x10];
	[tilespmem:s14+$0xFFFFFFF0] =	vst v5  }
0x313: {  	v5 =	vld [tilespmem:s29+$0x0];
	_ =	sdelay $0x1  }
0x314: {  	[tilespmem:s30+$0x0] =	vst @p2 v10  }
0x315: {  	[tilespmem:s7+$0x0] =	vst @p1 v9  }
0x316: {  	v10 =	vld @p2 [tilespmem:s19+$0x10];
	[tilespmem:s22+$0x10] =	vst @p3 v11  }
0x317: {  	v9 =	vld @p1 [tilespmem:s1+$0x10];
	[tilespmem:s14+$0x0] =	vst v5  }
0x318: {  	v2 =	vpsel p1, v2, v0;
	s6 =	sld [smem:$0x7F8]  }
0x319: {  	v1 =	vpsel p2, v1, v0;
	(v2sf) =	vpush @p1 v2, $0xC;
	v5 =	vld [tilespmem:s29+$0x10]  }
0x31a: {  	(v2sf) =	vpush @p2 v1, $0xF  }
0x31b: {  	(v2sf) =	vpush v3, $0xA;
	[tilespmem:s30+$0x10] =	vst @p2 v10;
	v11 =	vld @p3 [tilespmem:s6+$0x0]  }
0x31c: {  	s29 =	spop @p1 (v2sf);
	v1 =	vld @p2 [tilespmem:s20+$0x0];
	[tilespmem:s7+$0x10] =	vst @p1 v9  }
0x31d: {  	s3 =	spop @p2 (v2sf);
	v9 =	vld @p1 [tilespmem:s4+$0x0]  }
0x31e: {  	s19 =	spop (v2sf);
	[tilespmem:s14+$0x10] =	vst v5  }
0x31f: {  	v5 =	vld [tilespmem:s19+$0x0]  }
0x320: {  	[tilespmem:s22+$0x20] =	vst @p3 v11  }
0x321: {  	[tilespmem:s30+$0x20] =	vst @p2 v1;
	v10 =	vld @p3 [tilespmem:s6+$0x10]  }
0x322: {  	v1 =	vld @p2 [tilespmem:s20+$0x10];
	[tilespmem:s7+$0x20] =	vst @p1 v9  }
0x323: {  	v9 =	vld @p1 [tilespmem:s4+$0x10]  }
0x324: {  	[tilespmem:s14+$0x20] =	vst v5  }
0x325: {  	v5 =	vld [tilespmem:s19+$0x10]  }
0x326: {  	[tilespmem:s22+$0x30] =	vst @p3 v10  }
0x327: {  	[tilespmem:s30+$0x30] =	vst @p2 v1;
	v10 =	vld @p3 [tilespmem:s2+$0x0]  }
0x328: {  	s19 =	spop @p1 (v2sf);
	v1 =	vld @p2 [tilespmem:s15+$0x0];
	[tilespmem:s7+$0x30] =	vst @p1 v9  }
0x329: {  	(v2sf) =	vpush @p1 v2, $0xD;
	s4 =	spop @p2 (v2sf);
	v9 =	vld @p1 [tilespmem:s0+$0x0]  }
0x32a: {  	(v2sf) =	vpush v3, $0xB;
	s21 =	spop (v2sf);
	[tilespmem:s14+$0x30] =	vst v5  }
0x32b: {  	[tilespmem:s9+$0x40] =	vst @p4 v15;
	v62 =	vld [tilespmem:s21+$0x0]  }
0x32c: {  	s16 =	smov.u32 @p3 s22;
	s20 =	rddreg [dreg:$0x16];
	v5 =	vpsel p3, v10, v8;
	v10 =	vld @p4 [tilespmem:s23+$0x10]  }
0x32d: {  	s6 =	smov.u32 s25;
	s25 =	smov.u32 @p2 s30;
	s20 =	smov.u32 @p3 s2;
	v1 =	vpsel p2, v1, v4;
	[tilespmem:s16+$0x40] =	vst @p3 v5  }
0x32e: {  	s2 =	smov.u32 @p1 s7;
	v4 =	vld @p3 [tilespmem:s20+$0x10];
	s20 =	rddreg [dreg:$0x12];
	[tilespmem:s25+$0x40] =	vst @p2 v1;
	v1 =	vpsel p1, v9, v0  }
0x32f: {  	s0 =	smov.u32 @p1 s0;
	[tilespmem:s2+$0x40] =	vst @p1 v1  }
0x330: {  	[tilespmem:s14+$0x40] =	vst v62;
	v1 =	vld @p1 [tilespmem:s0+$0x10];
	s0 =	smov.u32 @p4 s9  }
0x331: {  	s20 =	smov.u32 @p2 s15;
	[tilespmem:s0+$0x50] =	vst @p4 v10  }
0x332: {  	v5 =	vld @p2 [tilespmem:s20+$0x10];
	s7 =	sld [smem:$0x7F9];
	_ =	sdelay $0x1  }
0x333: {  	v8 =	vld [tilespmem:s21+$0x10]  }
0x334: {  	s20 =	smov.u32 @p3 s16;
	v9 =	vld @p4 [tilespmem:s7+$0x0]  }
0x335: {  	s16 =	smov.u32 @p2 s25;
	[tilespmem:s20+$0x50] =	vst @p3 v4  }
0x336: {  	s15 =	smov.u32 @p1 s2;
	v4 =	vld @p3 [tilespmem:s24+$0x0];
	[tilespmem:s16+$0x50] =	vst @p2 v5  }
0x337: {  	(v2sf) =	vpush @p1 v2, $0xE;
	s9 =	spop @p1 (v2sf);
	[tilespmem:s15+$0x50] =	vst @p1 v1;
	v5 =	vld @p2 [tilespmem:s28+$0x0]  }
0x338: {  	(v2sf) =	vpush v3, $0xC;
	s22 =	spop (v2sf);
	[tilespmem:s14+$0x50] =	vst v8;
	v1 =	vld @p1 [tilespmem:s29+$0x0]  }
0x339: {  	v8 =	vld [tilespmem:s22+$0x0];
	[tilespmem:s0+$0x60] =	vst @p4 v9  }
0x33a: {  	v9 =	vld @p4 [tilespmem:s7+$0x10]  }
0x33b: {  	[tilespmem:s20+$0x60] =	vst @p3 v4  }
0x33c: {  	[tilespmem:s16+$0x60] =	vst @p2 v5  }
0x33d: {  	[tilespmem:s15+$0x60] =	vst @p1 v1  }
0x33e: {  	[tilespmem:s14+$0x60] =	vst v8  }
0x33f: {  	v4 =	vld @p3 [tilespmem:s24+$0x10];
	[tilespmem:s0+$0x70] =	vst @p4 v9  }
0x340: {  	v5 =	vld @p2 [tilespmem:s28+$0x10];
	s2 =	sld [smem:$0x7FA]  }
0x341: {  	v1 =	vld @p1 [tilespmem:s29+$0x10]  }
0x342: {  	v8 =	vld [tilespmem:s22+$0x10]  }
0x343: {  	v9 =	vld @p4 [tilespmem:s2+$0x0]  }
0x344: {  	v2 =	vpsel p1, v2, v0;
	[tilespmem:s20+$0x70] =	vst @p3 v4  }
0x345: {  	(v2sf) =	vpush @p1 v2, $0xF;
	[tilespmem:s16+$0x70] =	vst @p2 v5;
	v4 =	vld @p3 [tilespmem:s5+$0x0]  }
0x346: {  	(v2sf) =	vpush v3, $0xD;
	s7 =	spop @p1 (v2sf);
	[tilespmem:s15+$0x70] =	vst @p1 v1;
	v2 =	vld @p2 [tilespmem:s18+$0x0]  }
0x347: {  	s23 =	spop (v2sf);
	[tilespmem:s14+$0x70] =	vst v8;
	v1 =	vld @p1 [tilespmem:s19+$0x0]  }
0x348: {  	v63 =	vld [tilespmem:s23+$0x0];
	[tilespmem:s0+$0x80] =	vst @p4 v9  }
0x349: {  	v8 =	vld @p4 [tilespmem:s2+$0x10]  }
0x34a: {  	[tilespmem:s20+$0x80] =	vst @p3 v4  }
0x34b: {  	[tilespmem:s16+$0x80] =	vst @p2 v2;
	v4 =	vld @p3 [tilespmem:s5+$0x10]  }
0x34c: {  	[tilespmem:s15+$0x80] =	vst @p1 v1  }
0x34d: {  	[tilespmem:s14+$0x80] =	vst v63;
	v2 =	vld @p2 [tilespmem:s18+$0x10]  }
0x34e: {  	v1 =	vld @p1 [tilespmem:s19+$0x10];
	[tilespmem:s0+$0x90] =	vst @p4 v8  }
0x34f: {  	v5 =	vld [tilespmem:s23+$0x10];
	s18 =	rddreg [dreg:$0x1f]  }
0x350: {  	s1 =	smov.u32 @p5 s17;
	[tilespmem:s20+$0x90] =	vst @p3 v4;
	v8 =	vld @p4 [tilespmem:s18+$0x0]  }
0x351: {  	[tilespmem:s1+$0xA0] =	vst @p5 v14;
	v4 =	vld @p3 [tilespmem:s12+$0x0]  }
0x352: {  	[tilespmem:s16+$0x90] =	vst @p2 v2;
	v9 =	vld @p5 [tilespmem:s11+$0x10]  }
0x353: {  	(v2sf) =	vpush v3, $0xE;
	[tilespmem:s15+$0x90] =	vst @p1 v1;
	v2 =	vld @p2 [tilespmem:s13+$0x0]  }
0x354: {  	s6 =	smov.u32 @p4 s0;
	s5 =	spop @p1 (v2sf);
	[tilespmem:s14+$0x90] =	vst v5;
	v1 =	vld @p1 [tilespmem:s9+$0x0]  }
0x355: {  	s24 =	spop (v2sf);
	s2 =	smov.u32 @p4 s6;
	s11 =	rddreg [dreg:$0x14];
	v6 =	vpsel p4, v8, v6  }
0x356: {  	s0 =	smov.u32 @p3 s20;
	v5 =	vld [tilespmem:s24+$0x0];
	s11 =	smov.u32 @p4 s18;
	[tilespmem:s2+$0xA0] =	vst @p4 v6  }
0x357: {  	s6 =	smov.u32 @p3 s0;
	s0 =	smov.u32 @p2 s16;
	v4 =	vpsel p3, v4, v0;
	[tilespmem:s1+$0xB0] =	vst @p5 v9;
	v6 =	vld @p4 [tilespmem:s11+$0x10]  }
0x358: {  	s12 =	smov.u32 @p3 s12;
	v2 =	vpsel p2, v2, v0;
	[tilespmem:s6+$0xA0] =	vst @p3 v4;
	s11 =	smov.u32 @p2 s0;
	s0 =	smov.u32 @p1 s15  }
0x359: {  	s13 =	smov.u32 @p2 s13;
	v1 =	vpsel p1, v1, v0;
	v4 =	vld @p3 [tilespmem:s12+$0x10];
	[tilespmem:s11+$0xA0] =	vst @p2 v2;
	s12 =	smov.u32 @p1 s0  }
0x35a: {  	s0 =	smov.u32 @p1 s9;
	v2 =	vld @p2 [tilespmem:s13+$0x10];
	[tilespmem:s12+$0xA0] =	vst @p1 v1  }
0x35b: {  	v1 =	vld @p1 [tilespmem:s0+$0x10];
	s0 =	rddreg [dreg:$0x1a];
	[tilespmem:s14+$0xA0] =	vst v5  }
0x35c: {  	v8 =	vld @p5 [tilespmem:s0+$0x0];
	[tilespmem:s2+$0xB0] =	vst @p4 v6  }
0x35d: {  	v5 =	vld [tilespmem:s24+$0x10];
	s9 =	rddreg [dreg:$0x1d]  }
0x35e: {  	[tilespmem:s6+$0xB0] =	vst @p3 v4;
	v6 =	vld @p4 [tilespmem:s9+$0x0]  }
0x35f: {  	v4 =	vld @p3 [tilespmem:s8+$0x0];
	[tilespmem:s11+$0xB0] =	vst @p2 v2  }
0x360: {  	(v2sf) =	vpush v3, $0xF;
	v2 =	vld @p2 [tilespmem:s3+$0x0];
	[tilespmem:s12+$0xB0] =	vst @p1 v1  }
0x361: {  	[tilespmem:s1+$0xC0] =	vst @p5 v8;
	v1 =	vld @p1 [tilespmem:s7+$0x0]  }
0x362: {  	s25 =	spop (v2sf);
	[tilespmem:s14+$0xB0] =	vst v5;
	v3 =	vld @p5 [tilespmem:s0+$0x10]  }
0x363: {  	v5 =	vld [tilespmem:s25+$0x0];
	[tilespmem:s2+$0xC0] =	vst @p4 v6  }
0x364: {  	[tilespmem:s6+$0xC0] =	vst @p3 v4;
	v6 =	vld @p4 [tilespmem:s9+$0x10]  }
0x365: {  	[tilespmem:s11+$0xC0] =	vst @p2 v2  }
0x366: {  	v4 =	vld @p3 [tilespmem:s8+$0x10];
	[tilespmem:s12+$0xC0] =	vst @p1 v1  }
0x367: {  	v2 =	vld @p2 [tilespmem:s3+$0x10];
	[tilespmem:s1+$0xD0] =	vst @p5 v3  }
0x368: {  	v1 =	vld @p1 [tilespmem:s7+$0x10];
	s3 =	rddreg [dreg:$0x18];
	[tilespmem:s14+$0xC0] =	vst v5  }
0x369: {  	v3 =	vld @p5 [tilespmem:s3+$0x0];
	[tilespmem:s2+$0xD0] =	vst @p4 v6  }
0x36a: {  	v5 =	vld [tilespmem:s25+$0x10];
	s7 =	rddreg [dreg:$0x1c]  }
0x36b: {  	[tilespmem:s6+$0xD0] =	vst @p3 v4;
	v6 =	vld @p4 [tilespmem:s7+$0x0]  }
0x36c: {  	[tilespmem:s11+$0xD0] =	vst @p2 v2;
	v4 =	vld @p3 [tilespmem:s10+$0x0]  }
0x36d: {  	v2 =	vld @p2 [tilespmem:s4+$0x0];
	[tilespmem:s12+$0xD0] =	vst @p1 v1  }
0x36e: {  	v1 =	vld @p1 [tilespmem:s5+$0x0];
	[tilespmem:s1+$0xE0] =	vst @p5 v3  }
0x36f: {  	s0 =	spop (v2sf);
	[tilespmem:s14+$0xD0] =	vst v5;
	v3 =	vld @p5 [tilespmem:s3+$0x10]  }
0x370: {  	v5 =	vld [tilespmem:s0+$0x0];
	[tilespmem:s2+$0xE0] =	vst @p4 v6  }
0x371: {  	[tilespmem:s6+$0xE0] =	vst @p3 v4;
	v6 =	vld @p4 [tilespmem:s7+$0x10]  }
0x372: {  	[tilespmem:s11+$0xE0] =	vst @p2 v2;
	v4 =	vld @p3 [tilespmem:s10+$0x10]  }
0x373: {  	v2 =	vld @p2 [tilespmem:s4+$0x10];
	[tilespmem:s12+$0xE0] =	vst @p1 v1  }
0x374: {  	[tilespmem:s31+$0xF0] =	vst @p6 v7;
	v1 =	vld @p1 [tilespmem:s5+$0x10]  }
0x375: {  	s1 =	smov.u32 @p5 s1;
	v3 =	vpsel p5, v3, v0;
	[tilespmem:s14+$0xE0] =	vst v5  }
0x376: {  	[tilespmem:s1+$0xF0] =	vst @p5 v3;
	s1 =	smov.u32 @p4 s2;
	v5 =	vld [tilespmem:s0+$0x10];
	v3 =	vpsel p4, v6, v0  }
0x377: {  	s0 =	smov.u32 @p3 s6;
	[tilespmem:s1+$0xF0] =	vst @p4 v3;
	v3 =	vpsel p3, v4, v0  }
0x378: {  	v2 =	vpsel p2, v2, v0;
	[tilespmem:s0+$0xF0] =	vst @p3 v3;
	s0 =	smov.u32 @p2 s11  }
0x379: {  	v1 =	vpsel p1, v1, v0;
	[tilespmem:s0+$0xF0] =	vst @p2 v2;
	s0 =	smov.u32 @p1 s12  }
0x37a: {  	s1 =	rddreg [dreg:$0xf];
	[tilespmem:s0+$0xF0] =	vst @p1 v1  }
0x37b: {  	[tilespmem:s14+$0xF0] =	vst v5  }
0x37c: {  	s31 =	rddreg [dreg:$0xd]  }
0x37d: {  	s7 =	sadd.s32 $0x1, s31  }
0x37e: {  	p0 =	sne.s32 s7, $0x20  }
.Ltmp18:
0x37f: {  	_ = 	snop;
	(pc) =	sbr.rel @p0 .LBB2_2-.Ltmp18, $4  }
.Ltmp19:
0x380: {  	s1 =	sshll.u32 s1, $0xB;
	(pc) =	sbr.rel @!p0 .LBB2_34-.Ltmp19, $4  }
0x381: {  	s26 =	sadd.s32 $0xFFFFFFFE, s26;
	s29 =	rddreg [dreg:$0x1];
	s28 =	sand.u32 $0x1FFFF800, s1  }
0x382: {  	s30 =	simm.s32 $0x16400;
	s8 =	simm.s32 $0x0;
	s0 =	sadd.s32 s29, s28  }
0x383: {  	[hbm4b:s0+s8] =	stream.linear.scatter [tilespmem:s30], [sflag:$0x4], $0x4000, $0x38;
	[tilespmem:$0x1A400] =	vst v63  }
0x384: {  	_ = 	snop  }
.LBB2_3:
.Ltmp20:
0x385: {  	(pc) =	sbr.rel .LBB2_18-.Ltmp20, $4  }
0x386: {  	_ = 	snop  }
0x387: {  	_ = 	snop  }
0x388: {  	_ = 	snop  }
0x389: {  	v4 =	vmov v1;
	s23 =	simm.s32 $0x12500;
	p0 =	por $0x0, $0x0  }
.LBB2_19:
.Ltmp21:
0x38a: {  	(pc) =	sbr.rel .LBB2_33-.Ltmp21, $4  }
0x38b: {  	_ = 	snop  }
0x38c: {  	s10 =	simm.s32 $0x16500  }
0x38d: {  	p1 =	por $0x0, $0x0;
	p2 =	por $0x0, $0x0;
	p3 =	por $0x0, $0x0  }
0x38e: {  	v3 =	vmov v1;
	p4 =	por $0x0, $0x0;
	p5 =	por $0x0, $0x0;
	p6 =	por $0x0, $0x0  }
.LBB2_5:
.Ltmp22:
0x38f: {  	(pc) =	sbr.rel .LBB2_18-.Ltmp22, $4  }
0x390: {  	_ = 	snop  }
0x391: {  	_ = 	snop  }
0x392: {  	_ = 	snop  }
0x393: {  	v4 =	vmov v2;
	v13 =	vmov v1;
	s23 =	simm.s32 $0x12500;
	p0 =	por $0x0, $0x0  }
.LBB2_21:
.Ltmp23:
0x394: {  	(pc) =	sbr.rel .LBB2_33-.Ltmp23, $4  }
0x395: {  	_ = 	snop  }
0x396: {  	_ = 	snop  }
0x397: {  	s10 =	simm.s32 $0x16500;
	p2 =	por $0x0, $0x0  }
0x398: {  	v3 =	vmov v2;
	v13 =	vmov v1;
	p3 =	por $0x0, $0x0;
	p4 =	por $0x0, $0x0;
	p5 =	por $0x0, $0x0  }
.LBB2_7:
.Ltmp24:
0x399: {  	(pc) =	sbr.rel .LBB2_18-.Ltmp24, $4  }
0x39a: {  	_ = 	snop  }
0x39b: {  	_ = 	snop  }
0x39c: {  	_ = 	snop  }
0x39d: {  	v4 =	vmov v5;
	v13 =	vmov v2;
	v11 =	vmov v1;
	s23 =	simm.s32 $0x12700;
	s10 =	simm.s32 $0x12500;
	p0 =	por $0x0, $0x0  }
.LBB2_23:
.Ltmp25:
0x39e: {  	(pc) =	sbr.rel .LBB2_33-.Ltmp25, $4  }
0x39f: {  	_ = 	snop  }
0x3a0: {  	_ = 	snop  }
0x3a1: {  	s10 =	simm.s32 $0x16700;
	s18 =	simm.s32 $0x16500  }
0x3a2: {  	v3 =	vmov v5;
	v13 =	vmov v2;
	v11 =	vmov v1;
	p3 =	por $0x0, $0x0;
	p4 =	por $0x0, $0x0;
	p5 =	por $0x0, $0x0  }
.LBB2_9:
.Ltmp26:
0x3a3: {  	(pc) =	sbr.rel .LBB2_18-.Ltmp26, $4  }
0x3a4: {  	_ = 	snop  }
0x3a5: {  	_ = 	snop  }
0x3a6: {  	s11 =	simm.s32 $0x12500  }
0x3a7: {  	v17 =	vmovc v1;
	v4 =	vmov v10;
	v13 =	vmov v5;
	v11 =	vmov v2;
	s23 =	simm.s32 $0x12900;
	s10 =	simm.s32 $0x12700;
	p0 =	por $0x0, $0x0  }
.LBB2_25:
.Ltmp27:
0x3a8: {  	(pc) =	sbr.rel .LBB2_33-.Ltmp27, $4  }
0x3a9: {  	_ = 	snop  }
0x3aa: {  	_ = 	snop  }
0x3ab: {  	s13 =	simm.s32 $0x16500;
	s10 =	simm.s32 $0x16900  }
0x3ac: {  	v17 =	vmovc v1;
	v3 =	vmov v10;
	v13 =	vmov v5;
	v11 =	vmov v2;
	s18 =	simm.s32 $0x16700;
	p4 =	por $0x0, $0x0;
	p5 =	por $0x0, $0x0  }
.LBB2_11:
.Ltmp28:
0x3ad: {  	_ = 	snop;
	(pc) =	sbr.rel .LBB2_18-.Ltmp28, $3  }
0x3ae: {  	_ =	sdelay $0x1  }
0x3af: {  	v4 =	vmov v11;
	s9 =	simm.s32 $0x12500;
	s11 =	simm.s32 $0x12700;
	v13 =	vmov v10  }
0x3b0: {  	v11 =	vmovc v5;
	v17 =	vmovc v2;
	s23 =	simm.s32 $0x12B00;
	s10 =	simm.s32 $0x12900;
	v19 =	vmov v1;
	p0 =	por $0x0, $0x0;
	v15 =	vmov v3;
	v16 =	vmov v9  }
.LBB2_27:
.Ltmp29:
0x3b1: {  	_ = 	snop;
	(pc) =	sbr.rel .LBB2_33-.Ltmp29, $3  }
0x3b2: {  	_ =	sdelay $0x1  }
0x3b3: {  	v3 =	vmov v11;
	s9 =	simm.s32 $0x16500;
	s13 =	simm.s32 $0x16700;
	v13 =	vmov v10  }
0x3b4: {  	v11 =	vmovc v5;
	v17 =	vmovc v2;
	s10 =	simm.s32 $0x16B00;
	s18 =	simm.s32 $0x16900;
	v19 =	vmov v1;
	p5 =	por $0x0, $0x0;
	v15 =	vmov v4;
	v16 =	vmov v9  }
.LBB2_13:
.Ltmp30:
0x3b5: {  	(pc) =	sbr.rel .LBB2_18-.Ltmp30, $4  }
0x3b6: {  	_ = 	snop  }
0x3b7: {  	s9 =	simm.s32 $0x12700  }
0x3b8: {  	v4 =	vmovc v13;
	s18 =	simm.s32 $0x12500;
	s11 =	simm.s32 $0x12900;
	v13 =	vmov v11;
	v17 =	vmov v5;
	v15 =	vmov v7;
	s23 =	simm.s32 $0x12D00  }
0x3b9: {  	s16 =	smov.u32 s2;
	s10 =	simm.s32 $0x12B00;
	v19 =	vmovc v2;
	v20 =	vmovc v1;
	v11 =	vmov v10;
	p0 =	por $0x0, $0x0;
	v14 =	vmov v6;
	v16 =	vmov v12  }
.LBB2_29:
.Ltmp31:
0x3ba: {  	(pc) =	sbr.rel .LBB2_33-.Ltmp31, $3  }
0x3bb: {  	_ =	sdelay $0x1  }
0x3bc: {  	v3 =	vmovc v13;
	s9 =	simm.s32 $0x16700;
	s17 =	simm.s32 $0x16500;
	v13 =	vmov v11;
	v17 =	vmov v5;
	v15 =	vmov v8;
	s13 =	simm.s32 $0x16900  }
0x3bd: {  	s10 =	simm.s32 $0x16D00;
	s23 =	smov.u32 s2;
	s18 =	simm.s32 $0x16B00;
	v19 =	vmovc v2;
	v20 =	vmovc v1;
	v11 =	vmov v10;
	v14 =	vmov v6;
	v16 =	vmov v12  }
.LBB2_15:
.Ltmp32:
0x3be: {  	(pc) =	sbr.rel .LBB2_18-.Ltmp32, $3  }
0x3bf: {  	_ =	sdelay $0x1  }
0x3c0: {  	s9 =	simm.s32 $0x12900;
	s15 =	simm.s32 $0x12500  }
0x3c1: {  	v17 =	vmov v10;
	s18 =	simm.s32 $0x12700;
	s11 =	simm.s32 $0x12B00;
	v19 =	vmov v5;
	v20 =	vmov v2;
	p0 =	por $0x1, $0x1  }
.LBB2_31:
.Ltmp33:
0x3c2: {  	(pc) =	sbr.rel .LBB2_33-.Ltmp33, $3  }
0x3c3: {  	_ =	sdelay $0x1  }
0x3c4: {  	s9 =	simm.s32 $0x16900  }
0x3c5: {  	v17 =	vmov v10;
	s31 =	simm.s32 $0x16500;
	s17 =	simm.s32 $0x16700;
	s13 =	simm.s32 $0x16B00;
	v19 =	vmov v5;
	v20 =	vmov v2  }
.LBB2_35:
0x3c6: {  	_ =	sfence.sel $0x180000  }
0x3c7: {  	[bflag:$0x0] =	sbarrier.arrive $0xFFFF  }
0x3c8: {  	_ =	strace $0x9000004A  }
0x3c9: {  	s0 =	stileid.u32;
	[bflag:$0x2] =	sbarrier.arrive $0xFFFF  }
0x3ca: {  	p0 =	sne.s32 s0, $0x0;
	s0 =	rddreg [dreg:$0x2]  }
0x3cb: {  	s0 =	sadd.s32 @!p0 $0x100000, s0  }
0x3cc: {  	[sflag:s0] =	ssyncadd.tile.s32 @!p0 $0x1;
	_ =	shalt  }
.Lfunc_end2:
_tile_overlayer_lowered:
.L_overlay_start_2:
0x3cd: {  	(tag) =	ssettag $0x2  }
0x3ce: {  	s0 =	rddreg [dreg:$0x0];
	s2 =	stileid.u32  }
0x3cf: {  	s1 =	rddreg [dreg:$0x1];
	p0 =	sne.s32 s2, $0x0  }
0x3d0: {  	s3 =	rddreg [dreg:$0x2];
	[bflag:$0x3] =	sbarrier.arrive $0xFFFF;
	s2 =	simm.s32 @!p0 $0x1C05  }
0x3d1: {  	[timem:s3], [sflag:s2] =	dma.local @!p0 [hbm:s0], s1  }
0x3d2: {  	s0 =	simm.s32 @!p0 $0x5  }
0x3d3: {  	_ =	swait.ge @!p0 [sflag:s0], s1  }
0x3d4: {  	s1 =	ssub.s32 @!p0 $0x0, s1;
	[sflag:s0] =	ssyncset.done @!p0 $0x0  }
0x3d5: {  	[sflag:s0] =	ssyncadd.s32 @!p0 s1  }
0x3d6: {  	[bflag:$0x3] =	sbarrier.arrive $0xFFFF  }
0x3d7: {  	_ =	shalt  }

// kernel: sparse-core-data-format-call.cloned.1.call-start
scs
called_computation_lowered:
.L_overlay_start_0:
0x0: {  	s2 =	sld [smem:$0x3FD9]  }
0x1: {  	s3 =	sld [smem:$0x3FFE];
	_ =	sdelay $0x1  }
0x2: {  	s1 =	srdreg.scid  }
0x3: {  	s0 =	sand.u32 $0x1, s1  }
0x4: {  	s18 =	sshll.u32 s0, $0xA;
	s2 =	sadd.s32 s3, s2  }
0x5: {  	s2 =	sadd.s32 s2, s18  }
0x6: {  	[smem:$0x3FC5] =	sst s2  }
0x7: {  	_ = 	snop  }
0x8: {  	s2 =	sld [smem:$0x3FD0];
	(tm) =	ssettm $0x1  }
0x9: {  	s19 =	sld [smem:$0x3FFB];
	_ =	sdelay $0x3  }
0xa: {  	_ =	strace s19  }
0xb: {  	s3 =	sld [smem:$0x3FFC];
	_ =	sdelay $0x3  }
0xc: {  	_ =	strace s3  }
0xd: {  	s3 =	sld [smem:$0x3FFD];
	_ =	sdelay $0x3  }
0xe: {  	_ =	strace s3  }
0xf: {  	_ =	strace $0x8FFFFFFF  }
0x10: {  	s20 =	sld [smem:$0x3FDB];
	_ =	sdelay $0x1  }
0x11: {  	s4 =	simm.s32 $_scs_section_size  }
0x12: {  	s5 =	simm.s32 $_size__tile_overlayer_lowered;
	s6 =	simm.s32 $_tile_overlayer_lowered  }
0x13: {  	s23 =	simm.s32 $0x1BFF;
	s22 =	sshll.u32 s6, $0x1;
	s3 =	sadd.s32 s4, s20  }
0x14: {  	s7 =	simm.s32 $0x0;
	s21 =	sshll.u32 s5, $0x1;
	s5 =	sadd.s32 s22, s3  }
0x15: {  	[timem:s7], [sflag:s23] =	dma.local [hbm:s5], s21  }
0x16: {  	_ =	swait.ge [sflag:s23], s21  }
0x17: {  	s4 =	ssub.s32 $0x0, s21;
	[sflag:s23] =	ssyncset.done $0x0  }
0x18: {  	[sflag:s23] =	ssyncadd.s32 s4;
	_ =	sdelay $0x1  }
0x19: {  	s24 =	simm.s32 $0x1B8B  }
0x1a: {  	_ =	swait.ge [sflag:s24], $0x1  }
0x1b: {  	[sflag:s24] =	ssyncset.done $0x0  }
0x1c: {  	s26 =	simm.s32 $0x1B8E;
	s25 =	sld [smem:$0x3FFE];
	[sflag:s24] =	ssyncadd.s32 $0xFFFFFFFF  }
0x1d: {  	s27 =	simm.s32 $execute0_lowered;
	[smem:$0x3FD2] =	sst s26  }
0x1e: {  	s5 =	sshll.u32 s27, $0x1;
	_ =	strace $0x8000004C;
	[dreg:$0x1] =	wrdreg $0xFFFFFFFF  }
0x1f: {  	s28 =	simm.s32 $_size_execute0_lowered;
	s3 =	sadd.s32 s3, s5;
	[dreg:$0x0] =	wrdreg $0x0  }
0x20: {  	s5 =	sshll.u32 s28, $0x1;
	[dreg:$0x2] =	wrdreg s3  }
0x21: {  	[dreg:$0x3] =	wrdreg s5  }
0x22: {  	[dreg:$0x4] =	wrdreg $0xC0  }
0x23: {  	_ =	task [dreg:s7], $0x5FFFF  }
0x24: {  	[dreg:$0x1] =	wrdreg $0xFFFFFFFF  }
0x25: {  	[dreg:$0x0] =	wrdreg $0x60  }
0x26: {  	[dreg:$0x2] =	wrdreg s25  }
0x27: {  	[dreg:$0x3] =	wrdreg s2  }
0x28: {  	[dreg:$0x4] =	wrdreg $0x9  }
0x29: {  	_ =	task.clear_ibuf [dreg:s7], $0x5FFFF;
	_ =	strace $0x9000004C  }
0x2a: {  	s29 =	simm.s32 $0x9;
	_ =	strace $0x8000004E  }
0x2b: {  	_ =	swait.ge [sflag:s29], $0x1  }
0x2c: {  	[sflag:s29] =	ssyncadd.s32 $0xFFFFFFFF  }
0x2d: {  	_ =	strace $0x9000004E  }
0x2e: {  	_ =	sfence  }
0x2f: {  	s30 =	sld [smem:$0x0];
	_ =	sdelay $0x2  }
0x30: {  	s31 =	sshll.u32 s1, $0xD;
	s1 =	sshrl.u32 s1, $0x2  }
0x31: {  	s3 =	sand.u32 $0x4000, s31;
	s1 =	sadd.s32 s1, s30  }
0x32: {  	s0 =	sor.u32 s3, s0;
	s1 =	sshll.u32 s1, $0x11  }
0x33: {  	s0 =	sor.u32 s1, s0  }
0x34: {  	s0 =	sadd.s32 $0x8F2B, s0  }
0x35: {  	[sflag:s0] =	ssyncadd.remote.s32 $0x1  }
0x36: {  	_ =	sfence.sel $0xFFFF  }
0x37: {  	[dreg:$0x0] =	wrdreg $0xFFFFFFFF;
	(pc) =	sbr.abs _section_cstart, $3  }
0x38: {  	[dreg:$0x1] =	wrdreg $0xFFFFFFFF  }
0x39: {  	_ =	task.clear_ibuf [dreg:s7], $0x2FFFF;
	_ =	strace $0x9FFFFFFF  }
0x3a: {  	(tm) =	ssettm $0x7FFFFFFF  }
0x3b: {  	_ =	shalt  }
tec
execute0_lowered:
.L_overlay_start_1:
0x0: {  	(tag) =	ssettag $0x1  }
0x1: {  	s1 =	srdreg.scid;
	s10 =	rddreg [dreg:$0x0]  }
0x2: {  	s0 =	stileid.u32;
	s2 =	rddreg [dreg:$0x1]  }
0x3: {  	s5 =	simm.s32 $0x1;
	s8 =	simm.s32 $0x2;
	s17 =	simm.s32 $0x0  }
0x4: {  	s12 =	simm.s32 $0x1000;
	s18 =	simm.s32 $0x0;
	s1 =	sshll.u32 s1, $0x4  }
0x5: {  	s19 =	simm.s32 $0x0;
	s13 =	simm.s32 $0x0;
	s3 =	sor.u32 s0, s1  }
0x6: {  	s1 =	rddreg [dreg:$0x2];
	_ =	strace $0x8000004D;
	s3 =	sand.u32 $0x1C, s3  }
0x7: {  	s16 =	simm.s32 $0x0;
	[sflag:s5] =	ssyncpa.u1 $0x0;
	s6 =	ssub.s32 $0x200, s3  }
0x8: {  	s4 =	sadd.s32 $0xC00, s10;
	[sflag:s8] =	ssyncpa.u1 $0x0;
	s7 =	sand.u32 $0x1C, s6  }
.Ltmp0:
0x9: {  	p0 =	sne.s32 s7, $0x0;
	s7 =	simm.s32 $0x1;
	(pc) =	sbr.rel .LBB1_1-.Ltmp0, $4  }
0xa: {  	s8 =	sadd.s32 $0x2C00, s10;
	s9 =	sshrl.u32 s6, $0x5;
	s7 =	simm.s32 @!p0 $0x0  }
0xb: {  	s14 =	smov.u32 s3;
	s6 =	sand.u32 $0x3, s0;
	s7 =	sadd.s32 s7, s9  }
0xc: {  	s15 =	smov.u32 s6;
	p0 =	por $0x0, $0x0;
	s7 =	sshll.u32 s7, $0x2  }
0xd: {  	s9 =	sadd.s32 $0x4C00, s10;
	s10 =	sadd.s32 $0x6C00, s10;
	s11 =	sor.u32 $0x1, s7  }
.LBB1_7:
0xe: {  	s20 =	sadd.s32 $0x80, s13  }
0xf: {  	s17 =	sadd.s32 $0x20, s14;
	s21 =	smov.u32 s14;
	p2 =	sgt.s32 s20, $0x1FF  }
0x10: {  	s21 =	smov.u32 @p2 s17  }
0x11: {  	s23 =	smov.u32 s15;
	s17 =	sadd.s32 $0x4, s15;
	p3 =	sgt.s32 s21, $0x1FF  }
0x12: {  	s23 =	smov.u32 @p3 s17  }
0x13: {  	s20 =	simm.s32 @p2 $0x0;
	p2 =	sgt.s32 s23, $0x3  }
0x14: {  	p1 =	slt.u32 s16, $0x2;
	s23 =	smov.u32 @p2 s6;
	p2 =	sne.s32 s16, s11  }
.Ltmp1:
0x15: {  	s22 =	simm.s32 @!p1 $0x2;
	(pc) =	sbr.rel @!p2 .LBB1_8-.Ltmp1, $4  }
0x16: {  	s18 =	smov.u32 s14;
	s19 =	smov.u32 s15;
	_ =	swait.ge @!p1 [sflag:s22], $0x4000  }
0x17: {  	p0 =	por !p0, !p0;
	[sflag:s22] =	ssyncset.done @!p1 $0x0;
	s21 =	smov.u32 @p3 s3  }
0x18: {  	s17 =	smov.u32 s13;
	[sflag:s22] =	ssyncadd.s32 @!p1 $0xFFFFC000;
	s13 =	smov.u32 s20  }
0x19: {  	s14 =	smov.u32 s21;
	s16 =	sadd.s32 $0x1, s16;
	s15 =	smov.u32 s23  }
.LBB1_1:
0x1a: {  	p1 =	sge.u32 s16, s7  }
0x1b: {  	s20 =	sxor.u32 @!p1 $0xFFFFFFFF, s16;
	s21 =	sshll.u32 @!p1 s15, $0x16;
	s22 =	sshll.u32 @!p1 s14, $0xD  }
0x1c: {  	s24 =	sshll.u32 @!p1 s13, $0x4;
	s25 =	simm.s32 @!p1 $0x20;
	s23 =	sadd.s32 @!p1 s21, s22  }
0x1d: {  	s20 =	sshll.u32 @!p1 s20, $0xE;
	s24 =	sand.u32 @!p1 $0x1FF0, s24;
	s23 =	sadd.s32 @!p1 s4, s23  }
0x1e: {  	s26 =	simm.s32 @!p1 $0x80;
	s20 =	sand.u32 @!p1 $0x4000, s20;
	s23 =	sadd.s32 @!p1 s24, s23  }
0x1f: {  	[tilespmem:s20], [sflag:$0x1] =	stream.strided.gather @!p1 [hbm4b:s23+s25], $0x1000, s26, s25, $0x38;
	[tilespmem:$0x10100] =	vst v63  }
0x20: {  	s23 =	sadd.s32 @!p1 s21, s8  }
0x21: {  	s23 =	sadd.s32 @!p1 s22, s23  }
0x22: {  	s27 =	sor.u32 @!p1 $0x1000, s20;
	s23 =	sadd.s32 @!p1 s24, s23  }
0x23: {  	[tilespmem:s27], [sflag:$0x1] =	stream.strided.gather @!p1 [hbm4b:s23+s25], $0x1000, s26, s25, $0x38;
	[tilespmem:$0x10100] =	vst v63  }
0x24: {  	s23 =	sadd.s32 @!p1 s21, s9  }
0x25: {  	s21 =	sadd.s32 @!p1 s21, s10;
	s23 =	sadd.s32 @!p1 s22, s23  }
0x26: {  	s27 =	sor.u32 @!p1 $0x2000, s20;
	s21 =	sadd.s32 @!p1 s22, s21;
	s23 =	sadd.s32 @!p1 s24, s23  }
0x27: {  	[tilespmem:s27], [sflag:$0x1] =	stream.strided.gather @!p1 [hbm4b:s23+s25], $0x1000, s26, s25, $0x38;
	[tilespmem:$0x10100] =	vst v63  }
0x28: {  	s31 =	sadd.s32 $0xFFFFFFFF, s16;
	s20 =	sor.u32 @!p1 $0x3000, s20;
	s21 =	sadd.s32 @!p1 s24, s21  }
0x29: {  	[tilespmem:s20], [sflag:$0x1] =	stream.strided.gather @!p1 [hbm4b:s21+s25], $0x1000, s26, s25, $0x38;
	[tilespmem:$0x10100] =	vst v63  }
0x2a: {  	p1 =	sge.u32 s31, s7  }
.Ltmp2:
0x2b: {  	_ = 	snop;
	(pc) =	sbr.rel @p1 .LBB1_7-.Ltmp2, $1  }
0x2c: {  	_ =	sdelay $0x3  }
0x2d: {  	s20 =	simm.s32 $0x1;
	s22 =	sand.u32 $0x1, s16  }
0x2e: {  	_ =	swait.ge [sflag:s5], $0x4000;
	s20 =	simm.s32 @!p0 $0x0;
	s23 =	smul.u32 $0x10200, s22  }
0x2f: {  	[sflag:s5] =	ssyncset.done $0x0;
	s21 =	smul.u32 $0x10200, s20  }
0x30: {  	s20 =	sshll.u32 s20, $0xE;
	[sflag:s5] =	ssyncadd.s32 $0xFFFFC000  }
0x31: {  	s22 =	sor.u32 $0x10, s20;
	s31 =	sshrl.u32 s23, $0x2;
	s21 =	sshrl.u32 s21, $0x2  }
0x32: {  	s23 =	simm.s32 $0x0;
	s20 =	sor.u32 $0x8000, s31;
	s21 =	sor.u32 $0x8000, s21  }
.LBB1_3:
0x33: {  	v1 =	vld [tilespmem:s22+$0x0]  }
0x34: {  	v0 =	vld [tilespmem:s22+$0xFFFFFFF0];
	_ =	sdelay $0x2  }
0x35: {  	s26 =	sadd.s32 $0x0, s21  }
0x36: {  	s24 =	simm.s32 $0x4;
	s25 =	sadd.s32 $0x20, s22;
	[tilespmem:s26+$0x810 ss:$0x81] =	vst.msk $0xffff, v1  }
.LBB1_4:
0x37: {  	v1 =	vld [tilespmem:s25+$0x0];
	p1 =	sne.s32 s24, $0x1FC;
	[tilespmem:s26+$0x0 ss:$0x81] =	vst.msk $0xffff, v0;
	s26 =	smov.u32 s24;
	s24 =	sadd.s32 $0x4, s24  }
.Ltmp3:
0x38: {  	v0 =	vld [tilespmem:s25+$0xFFFFFFF0];
	(pc) =	sbr.rel @p1 .LBB1_4-.Ltmp3, $4  }
0x39: {  	_ = 	snop  }
0x3a: {  	s26 =	sshra.s32 s26, $0x2  }
0x3b: {  	s26 =	sadd.s32 s26, s21  }
0x3c: {  	s25 =	sadd.s32 $0x20, s25;
	[tilespmem:s26+$0x810 ss:$0x81] =	vst.msk $0xffff, v1  }
0x3d: {  	s23 =	sadd.s32 $0x1, s23  }
0x3e: {  	p1 =	sne.s32 s23, $0x4  }
.Ltmp4:
0x3f: {  	_ = 	snop;
	(pc) =	sbr.rel @p1 .LBB1_3-.Ltmp4, $2  }
0x40: {  	_ =	sdelay $0x2  }
0x41: {  	[tilespmem:s26+$0x0 ss:$0x81] =	vst.msk $0xffff, v0;
	s21 =	sadd.s32 $0x1020, s21;
	s22 =	sadd.s32 $0x1000, s22  }
0x42: {  	s19 =	sshll.u32 s19, $0x14;
	s21 =	sand.u32 $0x780, s17  }
.Ltmp5:
0x43: {  	s18 =	sshll.u32 s18, $0xB;
	s19 =	sadd.s32 s2, s19;
	(pc) =	sbr.rel .LBB1_7-.Ltmp5, $4  }
0x44: {  	s22 =	sshrl.u32 s17, $0x3;
	s30 =	sand.u32 $0x7, s17;
	s18 =	sadd.s32 s18, s19  }
0x45: {  	s31 =	sand.u32 $0xF, s22;
	s17 =	sshll.u32 s30, $0x12;
	s18 =	sadd.s32 s21, s18  }
0x46: {  	s17 =	sor.u32 $0x400, s17;
	s18 =	sadd.s32 s31, s18  }
0x47: {  	[hbm4b:s18+s17] =	stream.strided.scatter [tilespmem:s20], [sflag:$0x2], $0x4000, s12, s17, $0x20;
	[tilespmem:$0x10100] =	vst v63  }
.LBB1_8:
0x48: {  	_ =	sfence.sel $0x180000  }
0x49: {  	s2 =	simm.s32 $0x1;
	[bflag:$0x0] =	sbarrier.arrive $0xFFFF  }
0x4a: {  	s31 =	simm.s32 $0x2;
	[sflag:s2] =	ssyncpa.u1 $0x1  }
0x4b: {  	[sflag:s31] =	ssyncpa.u1 $0x1  }
0x4c: {  	p0 =	sne.s32 s0, $0x0;
	_ =	strace $0x9000004D  }
0x4d: {  	s0 =	sadd.s32 @!p0 $0x100000, s1;
	[bflag:$0x2] =	sbarrier.arrive $0xFFFF  }
0x4e: {  	[sflag:s0] =	ssyncadd.tile.s32 @!p0 $0x1;
	_ =	shalt  }
.Lfunc_end1:
_tile_overlayer_lowered:
.L_overlay_start_2:
0x4f: {  	(tag) =	ssettag $0x2  }
0x50: {  	s0 =	rddreg [dreg:$0x0];
	s2 =	stileid.u32  }
0x51: {  	s1 =	rddreg [dreg:$0x1];
	p0 =	sne.s32 s2, $0x0  }
0x52: {  	s3 =	rddreg [dreg:$0x2];
	[bflag:$0x3] =	sbarrier.arrive $0xFFFF;
	s2 =	simm.s32 @!p0 $0x1C01  }
0x53: {  	[timem:s3], [sflag:s2] =	dma.local @!p0 [hbm:s0], s1  }
0x54: {  	s0 =	simm.s32 @!p0 $0x1  }
0x55: {  	_ =	swait.ge @!p0 [sflag:s0], s1  }
0x56: {  	s1 =	ssub.s32 @!p0 $0x0, s1;
	[sflag:s0] =	ssyncset.done @!p0 $0x0  }
0x57: {  	[sflag:s0] =	ssyncadd.s32 @!p0 s1  }
0x58: {  	[bflag:$0x3] =	sbarrier.arrive $0xFFFF  }
0x59: {  	_ =	shalt  }

</sc_bundles>
